<compile_context>
chip_gen: v7x
topology: tpu7x:2x2x1
jax: 0.10.2.dev20260603
libtpu: 0.0.44.dev20260713+nightly
codegen_flags: <defaults>
</compile_context>

<pallas_src>
import jax
import jax.numpy as jnp
from jax import lax
from jax.experimental import pallas as pl
from jax.experimental.pallas import tpu as pltpu
from jax.experimental.pallas import tpu_sc as plsc

NUM_CORES = 2
NUM_SUBCORES = 16
LANES = 16
NW = NUM_CORES * NUM_SUBCORES

_BATCH = 16384
_D = 32
_BPW = _BATCH // NW
_WAVE = 8
_NWAVE = _BPW // _WAVE


def _fm_body(uet, iet, ubt, ibt, user, item, gb128, out,
             idx_u, idx_i, u_slab, i_slab, ub_slab, ib_slab, out_v, gbv,
             sem, semb):
    wid = lax.axis_index("s") * NUM_CORES + lax.axis_index("c")
    base = wid * _BPW

    for j in range(4):
        pltpu.sync_copy(user.at[pl.ds(base + j * 128, 128)],
                        idx_u.at[pl.ds(j * 128, 128)])
        pltpu.sync_copy(item.at[pl.ds(base + j * 128, 128)],
                        idx_i.at[pl.ds(j * 128, 128)])
    pltpu.sync_copy(gb128, gbv)
    gbs = gbv[pl.ds(0, LANES)][0]

    d_lo = lax.iota(jnp.int32, LANES)
    d_hi = d_lo + LANES

    def wave(w, carry):
        uv = idx_u[pl.ds(w * _WAVE, LANES)]
        iv = idx_i[pl.ds(w * _WAVE, LANES)]
        cps = []
        for l in range(_WAVE):
            u = uv[l]
            it = iv[l]
            uoff = pl.multiple_of((u >> 7) << 7, 128)
            ioff = pl.multiple_of((it >> 7) << 7, 128)
            cps.append(pltpu.async_copy(uet.at[:, pl.ds(uoff, 128)],
                                        u_slab.at[l], sem))
            cps.append(pltpu.async_copy(iet.at[:, pl.ds(ioff, 128)],
                                        i_slab.at[l], sem))
            cps.append(pltpu.async_copy(ubt.at[:, pl.ds(uoff, 128)],
                                        ub_slab.at[l], semb))
            cps.append(pltpu.async_copy(ibt.at[:, pl.ds(ioff, 128)],
                                        ib_slab.at[l], semb))
        for cp in cps:
            cp.wait()
        acc = jnp.zeros((LANES,), jnp.float32)
        for l in range(_WAVE):
            uc = jnp.full((LANES,), uv[l] & 127, jnp.int32)
            ic = jnp.full((LANES,), iv[l] & 127, jnp.int32)
            ll = jnp.full((LANES,), l, jnp.int32)
            zz = jnp.zeros((LANES,), jnp.int32)
            u0 = plsc.load_gather(u_slab, [ll, d_lo, uc])
            u1 = plsc.load_gather(u_slab, [ll, d_hi, uc])
            i0 = plsc.load_gather(i_slab, [ll, d_lo, ic])
            i1 = plsc.load_gather(i_slab, [ll, d_hi, ic])
            ub = plsc.load_gather(ub_slab, [ll, zz, uc])
            ib = plsc.load_gather(ib_slab, [ll, zz, ic])
            s = jnp.sum(u0 * i0 + u1 * i1) + ub[0] + ib[0] + gbs
            acc = jnp.where(d_lo == l, s, acc)
        out_v[pl.ds(w * _WAVE, LANES)] = acc
        return carry

    lax.fori_loop(0, _NWAVE, wave, 0)
    pltpu.sync_copy(out_v.at[pl.ds(0, _BPW)], out.at[pl.ds(base, _BPW)])


def kernel(user, item, user_embed, item_embed, user_bias, item_bias, global_bias):
    mesh = plsc.VectorSubcoreMesh(core_axis_name="c", subcore_axis_name="s")
    fm = pl.kernel(
        _fm_body,
        out_type=jax.ShapeDtypeStruct((_BATCH,), jnp.float32),
        mesh=mesh,
        scratch_types=[
            pltpu.VMEM((_BPW + LANES,), jnp.int32),
            pltpu.VMEM((_BPW + LANES,), jnp.int32),
            pltpu.VMEM((_WAVE, _D, 128), jnp.float32),
            pltpu.VMEM((_WAVE, _D, 128), jnp.float32),
            pltpu.VMEM((_WAVE, 1, 128), jnp.float32),
            pltpu.VMEM((_WAVE, 1, 128), jnp.float32),
            pltpu.VMEM((_BPW + LANES,), jnp.float32),
            pltpu.VMEM((128,), jnp.float32),
            pltpu.SemaphoreType.DMA,
            pltpu.SemaphoreType.DMA,
        ],
        compiler_params=pltpu.CompilerParams(
            needs_layout_passes=False, use_tc_tiling_on_sc=True,
            disable_bounds_checks=True),
    )
    gb128 = jnp.broadcast_to(global_bias, (128,))
    return fm(user_embed.T, item_embed.T, user_bias.T, item_bias.T,
              user, item, gb128)

# --- scband reference (transcript-rebuilt; emitter-appended) ---
"""Pipeline reference for scband-fm-70660801954602 (READ-ONLY COPY).

The authoritative reference and input builder live on the scoring server;
editing this copy changes nothing except your own understanding.
"""

import jax, jax.numpy as jnp
import numpy as np

NUM_USERS = 1000000
NUM_ITEMS = 1000000
EMBED_DIM = 32
BATCH = 16384

def setup_inputs(seed: int = 0) -> dict:
    key = jax.random.key(seed)
    k1, k2, k3, k4, k5, k6 = jax.random.split(key, 6)
    user = jax.random.randint(k1, (BATCH,), 0, NUM_USERS, dtype=jnp.int64 if jax.config.jax_enable_x64 else jnp.int32)
    item = jax.random.randint(k2, (BATCH,), 0, NUM_ITEMS, dtype=jnp.int64 if jax.config.jax_enable_x64 else jnp.int32)
    user_embed = jax.random.normal(k3, (NUM_USERS, EMBED_DIM), dtype=jnp.float32)
    item_embed = jax.random.normal(k4, (NUM_ITEMS, EMBED_DIM), dtype=jnp.float32)
    user_bias = jax.random.normal(k5, (NUM_USERS, 1), dtype=jnp.float32)
    item_bias = jax.random.normal(k6, (NUM_ITEMS, 1), dtype=jnp.float32)
    global_bias = jnp.zeros((1,), dtype=jnp.float32)
    return {"user": user, "item": item, "user_embed": user_embed, "item_embed": item_embed, "user_bias": user_bias, "item_bias": item_bias, "global_bias": global_bias}

def reference(user, item, user_embed, item_embed, user_bias, item_bias, global_bias):
    user_vec = jnp.take(user_embed, user, axis=0)   # [B, D]
    item_vec = jnp.take(item_embed, item, axis=0)   # [B, D]
    dot = jnp.sum(user_vec * item_vec, axis=1)      # [B]
    ub = jnp.take(user_bias, user, axis=0).squeeze(-1)  # [B]
    ib = jnp.take(item_bias, item, axis=0).squeeze(-1)  # [B]
    pred = dot + ub + ib + global_bias
    return pred

if __name__ == "__main__":
    import jax
    _d = setup_inputs()
    print(jax.jit(kernel)(*tuple(_d.values())))

</pallas_src>

<mosaic_0001>
#map = affine_map<(d0, d1) -> (0, 0)>
#map1 = affine_map<(d0, d1) -> (0)>
module attributes {stable_mosaic.version = 14 : i64} {
  func.func @_fm_body(%arg0: i32, %arg1: i32, %arg2: memref<32x1000000xf32, #tpu.memory_space<hbm>>, %arg3: memref<32x1000000xf32, #tpu.memory_space<hbm>>, %arg4: memref<1x1000000xf32, #tpu.memory_space<hbm>>, %arg5: memref<1x1000000xf32, #tpu.memory_space<hbm>>, %arg6: memref<16384xi32, #tpu.memory_space<hbm>>, %arg7: memref<16384xi32, #tpu.memory_space<hbm>>, %arg8: memref<128xf32, #tpu.memory_space<hbm>>, %arg9: memref<16384xf32, #tpu.memory_space<hbm>>, %arg10: memref<528xi32, #tpu.memory_space<vmem>>, %arg11: memref<528xi32, #tpu.memory_space<vmem>>, %arg12: memref<8x32x128xf32, #tpu.memory_space<vmem>>, %arg13: memref<8x32x128xf32, #tpu.memory_space<vmem>>, %arg14: memref<8x1x128xf32, #tpu.memory_space<vmem>>, %arg15: memref<8x1x128xf32, #tpu.memory_space<vmem>>, %arg16: memref<528xf32, #tpu.memory_space<vmem>>, %arg17: memref<128xf32, #tpu.memory_space<vmem>>, %arg18: memref<!tpu.dma_semaphore, #tpu.memory_space<semaphore_mem>>, %arg19: memref<!tpu.dma_semaphore, #tpu.memory_space<semaphore_mem>>) attributes {dimension_semantics = [#tpu.dimension_semantics<core_parallel>, #tpu.dimension_semantics<subcore_parallel>], iteration_bounds = array<i64: 2, 16>, scalar_prefetch = 0 : i64, scratch_operands = 10 : i64, tpu.core_type = #tpu.core_type<sc_vector_subcore>, window_params = [{transform_indices = #map}, {transform_indices = #map}, {transform_indices = #map}, {transform_indices = #map}, {transform_indices = #map1}, {transform_indices = #map1}, {transform_indices = #map1}, {transform_indices = #map1}]} {
    %mul3A = arith.constant 2 : i32
    %mul3A_0 = arith.muli %arg1, %mul3A : i32
    %add3A = arith.addi %mul3A_0, %arg0 : i32
    %mul3A_1 = arith.constant 512 : i32
    %mul3A_2 = arith.muli %add3A, %mul3A_1 : i32
    %add3A_3 = arith.constant 0 : i32
    %add3A_4 = arith.addi %mul3A_2, %add3A_3 : i32
    "tpu.region"() ({
      %run_scoped3A = tpu.sem_alloc : memref<!tpu.dma_semaphore, #tpu.memory_space<semaphore_mem>>
      %dma_start3A = arith.constant 0 : i32
      %dma_start3A_28 = tpu.memref_slice %arg10[%dma_start3A] : memref<528xi32, #tpu.memory_space<vmem>> -> memref<128xi32, #tpu.memory_space<vmem>>
      %dma_start3A_29 = tpu.memref_slice %arg6[%add3A_4] : memref<16384xi32, #tpu.memory_space<hbm>> -> memref<128xi32, #tpu.memory_space<hbm>>
      %dma_start3A_30 = arith.constant 0 : i32
      %dma_start3A_31 = tpu.memref_slice %arg10[%dma_start3A_30] : memref<528xi32, #tpu.memory_space<vmem>> -> memref<128xi32, #tpu.memory_space<vmem>>
      %dma_start3A_32 = tpu.memref_slice %arg6[%add3A_4] : memref<16384xi32, #tpu.memory_space<hbm>> -> memref<128xi32, #tpu.memory_space<hbm>>
      tpu.enqueue_dma source(%dma_start3A_32 : memref<128xi32, #tpu.memory_space<hbm>>) target(%dma_start3A_31 : memref<128xi32, #tpu.memory_space<vmem>>) target_semaphore(%run_scoped3A : memref<!tpu.dma_semaphore, #tpu.memory_space<semaphore_mem>>)
      %dma_wait3A = arith.constant 0 : i32
      %dma_wait3A_33 = tpu.memref_slice %arg10[%dma_wait3A] : memref<528xi32, #tpu.memory_space<vmem>> -> memref<128xi32, #tpu.memory_space<vmem>>
      %dma_wait3A_34 = tpu.memref_slice %arg6[%add3A_4] : memref<16384xi32, #tpu.memory_space<hbm>> -> memref<128xi32, #tpu.memory_space<hbm>>
      %dma_wait3A_35 = arith.constant 0 : i32
      %dma_wait3A_36 = tpu.memref_slice %arg10[%dma_wait3A_35] : memref<528xi32, #tpu.memory_space<vmem>> -> memref<128xi32, #tpu.memory_space<vmem>>
      %dma_wait3A_37 = tpu.memref_slice %arg6[%add3A_4] : memref<16384xi32, #tpu.memory_space<hbm>> -> memref<128xi32, #tpu.memory_space<hbm>>
      tpu.wait_dma2 semaphore(%run_scoped3A : memref<!tpu.dma_semaphore, #tpu.memory_space<semaphore_mem>>) src(%dma_wait3A_37 : memref<128xi32, #tpu.memory_space<hbm>>) dst(%dma_wait3A_36 : memref<128xi32, #tpu.memory_space<vmem>>)
      tpu.yield
    }) : () -> ()
    %add3A_5 = arith.constant 0 : i32
    %add3A_6 = arith.addi %mul3A_2, %add3A_5 : i32
    "tpu.region"() ({
      %run_scoped3A = tpu.sem_alloc : memref<!tpu.dma_semaphore, #tpu.memory_space<semaphore_mem>>
      %dma_start3A = arith.constant 0 : i32
      %dma_start3A_28 = tpu.memref_slice %arg11[%dma_start3A] : memref<528xi32, #tpu.memory_space<vmem>> -> memref<128xi32, #tpu.memory_space<vmem>>
      %dma_start3A_29 = tpu.memref_slice %arg7[%add3A_6] : memref<16384xi32, #tpu.memory_space<hbm>> -> memref<128xi32, #tpu.memory_space<hbm>>
      %dma_start3A_30 = arith.constant 0 : i32
      %dma_start3A_31 = tpu.memref_slice %arg11[%dma_start3A_30] : memref<528xi32, #tpu.memory_space<vmem>> -> memref<128xi32, #tpu.memory_space<vmem>>
      %dma_start3A_32 = tpu.memref_slice %arg7[%add3A_6] : memref<16384xi32, #tpu.memory_space<hbm>> -> memref<128xi32, #tpu.memory_space<hbm>>
      tpu.enqueue_dma source(%dma_start3A_32 : memref<128xi32, #tpu.memory_space<hbm>>) target(%dma_start3A_31 : memref<128xi32, #tpu.memory_space<vmem>>) target_semaphore(%run_scoped3A : memref<!tpu.dma_semaphore, #tpu.memory_space<semaphore_mem>>)
      %dma_wait3A = arith.constant 0 : i32
      %dma_wait3A_33 = tpu.memref_slice %arg11[%dma_wait3A] : memref<528xi32, #tpu.memory_space<vmem>> -> memref<128xi32, #tpu.memory_space<vmem>>
      %dma_wait3A_34 = tpu.memref_slice %arg7[%add3A_6] : memref<16384xi32, #tpu.memory_space<hbm>> -> memref<128xi32, #tpu.memory_space<hbm>>
      %dma_wait3A_35 = arith.constant 0 : i32
      %dma_wait3A_36 = tpu.memref_slice %arg11[%dma_wait3A_35] : memref<528xi32, #tpu.memory_space<vmem>> -> memref<128xi32, #tpu.memory_space<vmem>>
      %dma_wait3A_37 = tpu.memref_slice %arg7[%add3A_6] : memref<16384xi32, #tpu.memory_space<hbm>> -> memref<128xi32, #tpu.memory_space<hbm>>
      tpu.wait_dma2 semaphore(%run_scoped3A : memref<!tpu.dma_semaphore, #tpu.memory_space<semaphore_mem>>) src(%dma_wait3A_37 : memref<128xi32, #tpu.memory_space<hbm>>) dst(%dma_wait3A_36 : memref<128xi32, #tpu.memory_space<vmem>>)
      tpu.yield
    }) : () -> ()
    %add3A_7 = arith.constant 128 : i32
    %add3A_8 = arith.addi %mul3A_2, %add3A_7 : i32
    "tpu.region"() ({
      %run_scoped3A = tpu.sem_alloc : memref<!tpu.dma_semaphore, #tpu.memory_space<semaphore_mem>>
      %dma_start3A = arith.constant 128 : i32
      %dma_start3A_28 = tpu.memref_slice %arg10[%dma_start3A] : memref<528xi32, #tpu.memory_space<vmem>> -> memref<128xi32, #tpu.memory_space<vmem>>
      %dma_start3A_29 = tpu.memref_slice %arg6[%add3A_8] : memref<16384xi32, #tpu.memory_space<hbm>> -> memref<128xi32, #tpu.memory_space<hbm>>
      %dma_start3A_30 = arith.constant 128 : i32
      %dma_start3A_31 = tpu.memref_slice %arg10[%dma_start3A_30] : memref<528xi32, #tpu.memory_space<vmem>> -> memref<128xi32, #tpu.memory_space<vmem>>
      %dma_start3A_32 = tpu.memref_slice %arg6[%add3A_8] : memref<16384xi32, #tpu.memory_space<hbm>> -> memref<128xi32, #tpu.memory_space<hbm>>
      tpu.enqueue_dma source(%dma_start3A_32 : memref<128xi32, #tpu.memory_space<hbm>>) target(%dma_start3A_31 : memref<128xi32, #tpu.memory_space<vmem>>) target_semaphore(%run_scoped3A : memref<!tpu.dma_semaphore, #tpu.memory_space<semaphore_mem>>)
      %dma_wait3A = arith.constant 128 : i32
      %dma_wait3A_33 = tpu.memref_slice %arg10[%dma_wait3A] : memref<528xi32, #tpu.memory_space<vmem>> -> memref<128xi32, #tpu.memory_space<vmem>>
      %dma_wait3A_34 = tpu.memref_slice %arg6[%add3A_8] : memref<16384xi32, #tpu.memory_space<hbm>> -> memref<128xi32, #tpu.memory_space<hbm>>
      %dma_wait3A_35 = arith.constant 128 : i32
      %dma_wait3A_36 = tpu.memref_slice %arg10[%dma_wait3A_35] : memref<528xi32, #tpu.memory_space<vmem>> -> memref<128xi32, #tpu.memory_space<vmem>>
      %dma_wait3A_37 = tpu.memref_slice %arg6[%add3A_8] : memref<16384xi32, #tpu.memory_space<hbm>> -> memref<128xi32, #tpu.memory_space<hbm>>
      tpu.wait_dma2 semaphore(%run_scoped3A : memref<!tpu.dma_semaphore, #tpu.memory_space<semaphore_mem>>) src(%dma_wait3A_37 : memref<128xi32, #tpu.memory_space<hbm>>) dst(%dma_wait3A_36 : memref<128xi32, #tpu.memory_space<vmem>>)
      tpu.yield
    }) : () -> ()
    %add3A_9 = arith.constant 128 : i32
    %add3A_10 = arith.addi %mul3A_2, %add3A_9 : i32
    "tpu.region"() ({
      %run_scoped3A = tpu.sem_alloc : memref<!tpu.dma_semaphore, #tpu.memory_space<semaphore_mem>>
      %dma_start3A = arith.constant 128 : i32
      %dma_start3A_28 = tpu.memref_slice %arg11[%dma_start3A] : memref<528xi32, #tpu.memory_space<vmem>> -> memref<128xi32, #tpu.memory_space<vmem>>
      %dma_start3A_29 = tpu.memref_slice %arg7[%add3A_10] : memref<16384xi32, #tpu.memory_space<hbm>> -> memref<128xi32, #tpu.memory_space<hbm>>
      %dma_start3A_30 = arith.constant 128 : i32
      %dma_start3A_31 = tpu.memref_slice %arg11[%dma_start3A_30] : memref<528xi32, #tpu.memory_space<vmem>> -> memref<128xi32, #tpu.memory_space<vmem>>
      %dma_start3A_32 = tpu.memref_slice %arg7[%add3A_10] : memref<16384xi32, #tpu.memory_space<hbm>> -> memref<128xi32, #tpu.memory_space<hbm>>
      tpu.enqueue_dma source(%dma_start3A_32 : memref<128xi32, #tpu.memory_space<hbm>>) target(%dma_start3A_31 : memref<128xi32, #tpu.memory_space<vmem>>) target_semaphore(%run_scoped3A : memref<!tpu.dma_semaphore, #tpu.memory_space<semaphore_mem>>)
      %dma_wait3A = arith.constant 128 : i32
      %dma_wait3A_33 = tpu.memref_slice %arg11[%dma_wait3A] : memref<528xi32, #tpu.memory_space<vmem>> -> memref<128xi32, #tpu.memory_space<vmem>>
      %dma_wait3A_34 = tpu.memref_slice %arg7[%add3A_10] : memref<16384xi32, #tpu.memory_space<hbm>> -> memref<128xi32, #tpu.memory_space<hbm>>
      %dma_wait3A_35 = arith.constant 128 : i32
      %dma_wait3A_36 = tpu.memref_slice %arg11[%dma_wait3A_35] : memref<528xi32, #tpu.memory_space<vmem>> -> memref<128xi32, #tpu.memory_space<vmem>>
      %dma_wait3A_37 = tpu.memref_slice %arg7[%add3A_10] : memref<16384xi32, #tpu.memory_space<hbm>> -> memref<128xi32, #tpu.memory_space<hbm>>
      tpu.wait_dma2 semaphore(%run_scoped3A : memref<!tpu.dma_semaphore, #tpu.memory_space<semaphore_mem>>) src(%dma_wait3A_37 : memref<128xi32, #tpu.memory_space<hbm>>) dst(%dma_wait3A_36 : memref<128xi32, #tpu.memory_space<vmem>>)
      tpu.yield
    }) : () -> ()
    %add3A_11 = arith.constant 256 : i32
    %add3A_12 = arith.addi %mul3A_2, %add3A_11 : i32
    "tpu.region"() ({
      %run_scoped3A = tpu.sem_alloc : memref<!tpu.dma_semaphore, #tpu.memory_space<semaphore_mem>>
      %dma_start3A = arith.constant 256 : i32
      %dma_start3A_28 = tpu.memref_slice %arg10[%dma_start3A] : memref<528xi32, #tpu.memory_space<vmem>> -> memref<128xi32, #tpu.memory_space<vmem>>
      %dma_start3A_29 = tpu.memref_slice %arg6[%add3A_12] : memref<16384xi32, #tpu.memory_space<hbm>> -> memref<128xi32, #tpu.memory_space<hbm>>
      %dma_start3A_30 = arith.constant 256 : i32
      %dma_start3A_31 = tpu.memref_slice %arg10[%dma_start3A_30] : memref<528xi32, #tpu.memory_space<vmem>> -> memref<128xi32, #tpu.memory_space<vmem>>
      %dma_start3A_32 = tpu.memref_slice %arg6[%add3A_12] : memref<16384xi32, #tpu.memory_space<hbm>> -> memref<128xi32, #tpu.memory_space<hbm>>
      tpu.enqueue_dma source(%dma_start3A_32 : memref<128xi32, #tpu.memory_space<hbm>>) target(%dma_start3A_31 : memref<128xi32, #tpu.memory_space<vmem>>) target_semaphore(%run_scoped3A : memref<!tpu.dma_semaphore, #tpu.memory_space<semaphore_mem>>)
      %dma_wait3A = arith.constant 256 : i32
      %dma_wait3A_33 = tpu.memref_slice %arg10[%dma_wait3A] : memref<528xi32, #tpu.memory_space<vmem>> -> memref<128xi32, #tpu.memory_space<vmem>>
      %dma_wait3A_34 = tpu.memref_slice %arg6[%add3A_12] : memref<16384xi32, #tpu.memory_space<hbm>> -> memref<128xi32, #tpu.memory_space<hbm>>
      %dma_wait3A_35 = arith.constant 256 : i32
      %dma_wait3A_36 = tpu.memref_slice %arg10[%dma_wait3A_35] : memref<528xi32, #tpu.memory_space<vmem>> -> memref<128xi32, #tpu.memory_space<vmem>>
      %dma_wait3A_37 = tpu.memref_slice %arg6[%add3A_12] : memref<16384xi32, #tpu.memory_space<hbm>> -> memref<128xi32, #tpu.memory_space<hbm>>
      tpu.wait_dma2 semaphore(%run_scoped3A : memref<!tpu.dma_semaphore, #tpu.memory_space<semaphore_mem>>) src(%dma_wait3A_37 : memref<128xi32, #tpu.memory_space<hbm>>) dst(%dma_wait3A_36 : memref<128xi32, #tpu.memory_space<vmem>>)
      tpu.yield
    }) : () -> ()
    %add3A_13 = arith.constant 256 : i32
    %add3A_14 = arith.addi %mul3A_2, %add3A_13 : i32
    "tpu.region"() ({
      %run_scoped3A = tpu.sem_alloc : memref<!tpu.dma_semaphore, #tpu.memory_space<semaphore_mem>>
      %dma_start3A = arith.constant 256 : i32
      %dma_start3A_28 = tpu.memref_slice %arg11[%dma_start3A] : memref<528xi32, #tpu.memory_space<vmem>> -> memref<128xi32, #tpu.memory_space<vmem>>
      %dma_start3A_29 = tpu.memref_slice %arg7[%add3A_14] : memref<16384xi32, #tpu.memory_space<hbm>> -> memref<128xi32, #tpu.memory_space<hbm>>
      %dma_start3A_30 = arith.constant 256 : i32
      %dma_start3A_31 = tpu.memref_slice %arg11[%dma_start3A_30] : memref<528xi32, #tpu.memory_space<vmem>> -> memref<128xi32, #tpu.memory_space<vmem>>
      %dma_start3A_32 = tpu.memref_slice %arg7[%add3A_14] : memref<16384xi32, #tpu.memory_space<hbm>> -> memref<128xi32, #tpu.memory_space<hbm>>
      tpu.enqueue_dma source(%dma_start3A_32 : memref<128xi32, #tpu.memory_space<hbm>>) target(%dma_start3A_31 : memref<128xi32, #tpu.memory_space<vmem>>) target_semaphore(%run_scoped3A : memref<!tpu.dma_semaphore, #tpu.memory_space<semaphore_mem>>)
      %dma_wait3A = arith.constant 256 : i32
      %dma_wait3A_33 = tpu.memref_slice %arg11[%dma_wait3A] : memref<528xi32, #tpu.memory_space<vmem>> -> memref<128xi32, #tpu.memory_space<vmem>>
      %dma_wait3A_34 = tpu.memref_slice %arg7[%add3A_14] : memref<16384xi32, #tpu.memory_space<hbm>> -> memref<128xi32, #tpu.memory_space<hbm>>
      %dma_wait3A_35 = arith.constant 256 : i32
      %dma_wait3A_36 = tpu.memref_slice %arg11[%dma_wait3A_35] : memref<528xi32, #tpu.memory_space<vmem>> -> memref<128xi32, #tpu.memory_space<vmem>>
      %dma_wait3A_37 = tpu.memref_slice %arg7[%add3A_14] : memref<16384xi32, #tpu.memory_space<hbm>> -> memref<128xi32, #tpu.memory_space<hbm>>
      tpu.wait_dma2 semaphore(%run_scoped3A : memref<!tpu.dma_semaphore, #tpu.memory_space<semaphore_mem>>) src(%dma_wait3A_37 : memref<128xi32, #tpu.memory_space<hbm>>) dst(%dma_wait3A_36 : memref<128xi32, #tpu.memory_space<vmem>>)
      tpu.yield
    }) : () -> ()
    %add3A_15 = arith.constant 384 : i32
    %add3A_16 = arith.addi %mul3A_2, %add3A_15 : i32
    "tpu.region"() ({
      %run_scoped3A = tpu.sem_alloc : memref<!tpu.dma_semaphore, #tpu.memory_space<semaphore_mem>>
      %dma_start3A = arith.constant 384 : i32
      %dma_start3A_28 = tpu.memref_slice %arg10[%dma_start3A] : memref<528xi32, #tpu.memory_space<vmem>> -> memref<128xi32, #tpu.memory_space<vmem>>
      %dma_start3A_29 = tpu.memref_slice %arg6[%add3A_16] : memref<16384xi32, #tpu.memory_space<hbm>> -> memref<128xi32, #tpu.memory_space<hbm>>
      %dma_start3A_30 = arith.constant 384 : i32
      %dma_start3A_31 = tpu.memref_slice %arg10[%dma_start3A_30] : memref<528xi32, #tpu.memory_space<vmem>> -> memref<128xi32, #tpu.memory_space<vmem>>
      %dma_start3A_32 = tpu.memref_slice %arg6[%add3A_16] : memref<16384xi32, #tpu.memory_space<hbm>> -> memref<128xi32, #tpu.memory_space<hbm>>
      tpu.enqueue_dma source(%dma_start3A_32 : memref<128xi32, #tpu.memory_space<hbm>>) target(%dma_start3A_31 : memref<128xi32, #tpu.memory_space<vmem>>) target_semaphore(%run_scoped3A : memref<!tpu.dma_semaphore, #tpu.memory_space<semaphore_mem>>)
      %dma_wait3A = arith.constant 384 : i32
      %dma_wait3A_33 = tpu.memref_slice %arg10[%dma_wait3A] : memref<528xi32, #tpu.memory_space<vmem>> -> memref<128xi32, #tpu.memory_space<vmem>>
      %dma_wait3A_34 = tpu.memref_slice %arg6[%add3A_16] : memref<16384xi32, #tpu.memory_space<hbm>> -> memref<128xi32, #tpu.memory_space<hbm>>
      %dma_wait3A_35 = arith.constant 384 : i32
      %dma_wait3A_36 = tpu.memref_slice %arg10[%dma_wait3A_35] : memref<528xi32, #tpu.memory_space<vmem>> -> memref<128xi32, #tpu.memory_space<vmem>>
      %dma_wait3A_37 = tpu.memref_slice %arg6[%add3A_16] : memref<16384xi32, #tpu.memory_space<hbm>> -> memref<128xi32, #tpu.memory_space<hbm>>
      tpu.wait_dma2 semaphore(%run_scoped3A : memref<!tpu.dma_semaphore, #tpu.memory_space<semaphore_mem>>) src(%dma_wait3A_37 : memref<128xi32, #tpu.memory_space<hbm>>) dst(%dma_wait3A_36 : memref<128xi32, #tpu.memory_space<vmem>>)
      tpu.yield
    }) : () -> ()
    %add3A_17 = arith.constant 384 : i32
    %add3A_18 = arith.addi %mul3A_2, %add3A_17 : i32
    "tpu.region"() ({
      %run_scoped3A = tpu.sem_alloc : memref<!tpu.dma_semaphore, #tpu.memory_space<semaphore_mem>>
      %dma_start3A = arith.constant 384 : i32
      %dma_start3A_28 = tpu.memref_slice %arg11[%dma_start3A] : memref<528xi32, #tpu.memory_space<vmem>> -> memref<128xi32, #tpu.memory_space<vmem>>
      %dma_start3A_29 = tpu.memref_slice %arg7[%add3A_18] : memref<16384xi32, #tpu.memory_space<hbm>> -> memref<128xi32, #tpu.memory_space<hbm>>
      %dma_start3A_30 = arith.constant 384 : i32
      %dma_start3A_31 = tpu.memref_slice %arg11[%dma_start3A_30] : memref<528xi32, #tpu.memory_space<vmem>> -> memref<128xi32, #tpu.memory_space<vmem>>
      %dma_start3A_32 = tpu.memref_slice %arg7[%add3A_18] : memref<16384xi32, #tpu.memory_space<hbm>> -> memref<128xi32, #tpu.memory_space<hbm>>
      tpu.enqueue_dma source(%dma_start3A_32 : memref<128xi32, #tpu.memory_space<hbm>>) target(%dma_start3A_31 : memref<128xi32, #tpu.memory_space<vmem>>) target_semaphore(%run_scoped3A : memref<!tpu.dma_semaphore, #tpu.memory_space<semaphore_mem>>)
      %dma_wait3A = arith.constant 384 : i32
      %dma_wait3A_33 = tpu.memref_slice %arg11[%dma_wait3A] : memref<528xi32, #tpu.memory_space<vmem>> -> memref<128xi32, #tpu.memory_space<vmem>>
      %dma_wait3A_34 = tpu.memref_slice %arg7[%add3A_18] : memref<16384xi32, #tpu.memory_space<hbm>> -> memref<128xi32, #tpu.memory_space<hbm>>
      %dma_wait3A_35 = arith.constant 384 : i32
      %dma_wait3A_36 = tpu.memref_slice %arg11[%dma_wait3A_35] : memref<528xi32, #tpu.memory_space<vmem>> -> memref<128xi32, #tpu.memory_space<vmem>>
      %dma_wait3A_37 = tpu.memref_slice %arg7[%add3A_18] : memref<16384xi32, #tpu.memory_space<hbm>> -> memref<128xi32, #tpu.memory_space<hbm>>
      tpu.wait_dma2 semaphore(%run_scoped3A : memref<!tpu.dma_semaphore, #tpu.memory_space<semaphore_mem>>) src(%dma_wait3A_37 : memref<128xi32, #tpu.memory_space<hbm>>) dst(%dma_wait3A_36 : memref<128xi32, #tpu.memory_space<vmem>>)
      tpu.yield
    }) : () -> ()
    "tpu.region"() ({
      %run_scoped3A = tpu.sem_alloc : memref<!tpu.dma_semaphore, #tpu.memory_space<semaphore_mem>>
      tpu.enqueue_dma source(%arg8 : memref<128xf32, #tpu.memory_space<hbm>>) target(%arg17 : memref<128xf32, #tpu.memory_space<vmem>>) target_semaphore(%run_scoped3A : memref<!tpu.dma_semaphore, #tpu.memory_space<semaphore_mem>>)
      tpu.wait_dma2 semaphore(%run_scoped3A : memref<!tpu.dma_semaphore, #tpu.memory_space<semaphore_mem>>) src(%arg8 : memref<128xf32, #tpu.memory_space<hbm>>) dst(%arg17 : memref<128xf32, #tpu.memory_space<vmem>>)
      tpu.yield
    }) : () -> ()
    %get3A = arith.constant 0 : index
    %get3A_19 = tpu.vector_load %arg17[%get3A] {strides = array<i32>} : memref<128xf32, #tpu.memory_space<vmem>>, vector<16xf32>,
    %slice3A = vector.extract_strided_slice %get3A_19 {offsets = [0], sizes = [1], strides = [1]} : vector<16xf32> to vector<1xf32>
    %squeeze3A = vector.extract %slice3A[0] : f32 from vector<1xf32>
    %iota3A = tpu.iota {dimensions = array<i32: 0>} : vector<16xi32>
    %add3A_20 = arith.constant 16 : i32
    %add3A_21 = vector.broadcast %add3A_20 : i32 to vector<16xi32>
    %add3A_22 = arith.addi %iota3A, %add3A_21 : vector<16xi32>
    %scan3A = arith.constant 0 : i32
    %scan3A_23 = arith.constant 0 : i32
    %scan3A_24 = arith.constant 64 : i32
    %scan3A_25 = arith.addi %scan3A_23, %scan3A_24 : i32
    %scan3A_26 = arith.constant 1 : i32
    scf.for %scan3A_28 = %scan3A_23 to %scan3A_25 step %scan3A_26  : i32 {
      %mul3A_29 = arith.constant 8 : i32
      %mul3A_30 = arith.muli %scan3A_28, %mul3A_29 : i32
      %get3A_31 = arith.index_cast %mul3A_30 : i32 to index
      %get3A_32 = tpu.vector_load %arg10[%get3A_31] {strides = array<i32>} : memref<528xi32, #tpu.memory_space<vmem>>, vector<16xi32>,
      %mul3A_33 = arith.constant 8 : i32
      %mul3A_34 = arith.muli %scan3A_28, %mul3A_33 : i32
      %get3A_35 = arith.index_cast %mul3A_34 : i32 to index
      %get3A_36 = tpu.vector_load %arg11[%get3A_35] {strides = array<i32>} : memref<528xi32, #tpu.memory_space<vmem>>, vector<16xi32>,
      %slice3A_37 = vector.extract_strided_slice %get3A_32 {offsets = [0], sizes = [1], strides = [1]} : vector<16xi32> to vector<1xi32>
      %squeeze3A_38 = vector.extract %slice3A_37[0] : i32 from vector<1xi32>
      %slice3A_39 = vector.extract_strided_slice %get3A_36 {offsets = [0], sizes = [1], strides = [1]} : vector<16xi32> to vector<1xi32>
      %squeeze3A_40 = vector.extract %slice3A_39[0] : i32 from vector<1xi32>
      %shift_right_arithmetic3A = arith.constant 7 : i32
      %shift_right_arithmetic3A_41 = arith.shrsi %squeeze3A_38, %shift_right_arithmetic3A : i32
      %shift_left3A = arith.constant 7 : i32
      %shift_left3A_42 = arith.shli %shift_right_arithmetic3A_41, %shift_left3A : i32
      %multiple_of3A = tpu.assume_multiple %shift_left3A_42, 128 : i32
      %shift_right_arithmetic3A_43 = arith.constant 7 : i32
      %shift_right_arithmetic3A_44 = arith.shrsi %squeeze3A_40, %shift_right_arithmetic3A_43 : i32
      %shift_left3A_45 = arith.constant 7 : i32
      %shift_left3A_46 = arith.shli %shift_right_arithmetic3A_44, %shift_left3A_45 : i32
      %multiple_of3A_47 = tpu.assume_multiple %shift_left3A_46, 128 : i32
      %dma_start3A = arith.constant 0 : i32
      %dma_start3A_48 = arith.constant 0 : i32
      %dma_start3A_49 = arith.constant 0 : i32
      %dma_start3A_50 = tpu.memref_slice %arg12[%dma_start3A, %dma_start3A_48, %dma_start3A_49] : memref<8x32x128xf32, #tpu.memory_space<vmem>> -> memref<1x32x128xf32, #tpu.memory_space<vmem>>
      %dma_start3A_51 = tpu.memref_squeeze %dma_start3A_50 : memref<1x32x128xf32, #tpu.memory_space<vmem>> -> memref<32x128xf32, #tpu.memory_space<vmem>>
      %dma_start3A_52 = arith.constant 0 : i32
      %dma_start3A_53 = tpu.memref_slice %arg2[%dma_start3A_52, %multiple_of3A] : memref<32x1000000xf32, #tpu.memory_space<hbm>> -> memref<32x128xf32, #tpu.memory_space<hbm>>
      %dma_start3A_54 = arith.constant 0 : i32
      %dma_start3A_55 = arith.constant 0 : i32
      %dma_start3A_56 = tpu.memref_slice %arg12[%dma_start3A, %dma_start3A_54, %dma_start3A_55] : memref<8x32x128xf32, #tpu.memory_space<vmem>> -> memref<1x32x128xf32, #tpu.memory_space<vmem>>
      %dma_start3A_57 = tpu.memref_squeeze %dma_start3A_56 : memref<1x32x128xf32, #tpu.memory_space<vmem>> -> memref<32x128xf32, #tpu.memory_space<vmem>>
      %dma_start3A_58 = arith.constant 0 : i32
      %dma_start3A_59 = tpu.memref_slice %arg2[%dma_start3A_58, %multiple_of3A] : memref<32x1000000xf32, #tpu.memory_space<hbm>> -> memref<32x128xf32, #tpu.memory_space<hbm>>
      tpu.enqueue_dma source(%dma_start3A_59 : memref<32x128xf32, #tpu.memory_space<hbm>>) target(%dma_start3A_57 : memref<32x128xf32, #tpu.memory_space<vmem>>) target_semaphore(%arg18 : memref<!tpu.dma_semaphore, #tpu.memory_space<semaphore_mem>>)
      %dma_start3A_60 = arith.constant 0 : i32
      %dma_start3A_61 = arith.constant 0 : i32
      %dma_start3A_62 = arith.constant 0 : i32
      %dma_start3A_63 = tpu.memref_slice %arg13[%dma_start3A_60, %dma_start3A_61, %dma_start3A_62] : memref<8x32x128xf32, #tpu.memory_space<vmem>> -> memref<1x32x128xf32, #tpu.memory_space<vmem>>
      %dma_start3A_64 = tpu.memref_squeeze %dma_start3A_63 : memref<1x32x128xf32, #tpu.memory_space<vmem>> -> memref<32x128xf32, #tpu.memory_space<vmem>>
      %dma_start3A_65 = arith.constant 0 : i32
      %dma_start3A_66 = tpu.memref_slice %arg3[%dma_start3A_65, %multiple_of3A_47] : memref<32x1000000xf32, #tpu.memory_space<hbm>> -> memref<32x128xf32, #tpu.memory_space<hbm>>
      %dma_start3A_67 = arith.constant 0 : i32
      %dma_start3A_68 = arith.constant 0 : i32
      %dma_start3A_69 = tpu.memref_slice %arg13[%dma_start3A_60, %dma_start3A_67, %dma_start3A_68] : memref<8x32x128xf32, #tpu.memory_space<vmem>> -> memref<1x32x128xf32, #tpu.memory_space<vmem>>
      %dma_start3A_70 = tpu.memref_squeeze %dma_start3A_69 : memref<1x32x128xf32, #tpu.memory_space<vmem>> -> memref<32x128xf32, #tpu.memory_space<vmem>>
      %dma_start3A_71 = arith.constant 0 : i32
      %dma_start3A_72 = tpu.memref_slice %arg3[%dma_start3A_71, %multiple_of3A_47] : memref<32x1000000xf32, #tpu.memory_space<hbm>> -> memref<32x128xf32, #tpu.memory_space<hbm>>
      tpu.enqueue_dma source(%dma_start3A_72 : memref<32x128xf32, #tpu.memory_space<hbm>>) target(%dma_start3A_70 : memref<32x128xf32, #tpu.memory_space<vmem>>) target_semaphore(%arg18 : memref<!tpu.dma_semaphore, #tpu.memory_space<semaphore_mem>>)
      %dma_start3A_73 = arith.constant 0 : i32
      %dma_start3A_74 = arith.constant 0 : i32
      %dma_start3A_75 = arith.constant 0 : i32
      %dma_start3A_76 = tpu.memref_slice %arg14[%dma_start3A_73, %dma_start3A_74, %dma_start3A_75] : memref<8x1x128xf32, #tpu.memory_space<vmem>> -> memref<1x1x128xf32, #tpu.memory_space<vmem>>
      %dma_start3A_77 = tpu.memref_squeeze %dma_start3A_76 : memref<1x1x128xf32, #tpu.memory_space<vmem>> -> memref<1x128xf32, #tpu.memory_space<vmem>>
      %dma_start3A_78 = arith.constant 0 : i32
      %dma_start3A_79 = tpu.memref_slice %arg4[%dma_start3A_78, %multiple_of3A] : memref<1x1000000xf32, #tpu.memory_space<hbm>> -> memref<1x128xf32, #tpu.memory_space<hbm>>
      %dma_start3A_80 = arith.constant 0 : i32
      %dma_start3A_81 = arith.constant 0 : i32
      %dma_start3A_82 = tpu.memref_slice %arg14[%dma_start3A_73, %dma_start3A_80, %dma_start3A_81] : memref<8x1x128xf32, #tpu.memory_space<vmem>> -> memref<1x1x128xf32, #tpu.memory_space<vmem>>
      %dma_start3A_83 = tpu.memref_squeeze %dma_start3A_82 : memref<1x1x128xf32, #tpu.memory_space<vmem>> -> memref<1x128xf32, #tpu.memory_space<vmem>>
      %dma_start3A_84 = arith.constant 0 : i32
      %dma_start3A_85 = tpu.memref_slice %arg4[%dma_start3A_84, %multiple_of3A] : memref<1x1000000xf32, #tpu.memory_space<hbm>> -> memref<1x128xf32, #tpu.memory_space<hbm>>
      tpu.enqueue_dma source(%dma_start3A_85 : memref<1x128xf32, #tpu.memory_space<hbm>>) target(%dma_start3A_83 : memref<1x128xf32, #tpu.memory_space<vmem>>) target_semaphore(%arg19 : memref<!tpu.dma_semaphore, #tpu.memory_space<semaphore_mem>>)
      %dma_start3A_86 = arith.constant 0 : i32
      %dma_start3A_87 = arith.constant 0 : i32
      %dma_start3A_88 = arith.constant 0 : i32
      %dma_start3A_89 = tpu.memref_slice %arg15[%dma_start3A_86, %dma_start3A_87, %dma_start3A_88] : memref<8x1x128xf32, #tpu.memory_space<vmem>> -> memref<1x1x128xf32, #tpu.memory_space<vmem>>
      %dma_start3A_90 = tpu.memref_squeeze %dma_start3A_89 : memref<1x1x128xf32, #tpu.memory_space<vmem>> -> memref<1x128xf32, #tpu.memory_space<vmem>>
      %dma_start3A_91 = arith.constant 0 : i32
      %dma_start3A_92 = tpu.memref_slice %arg5[%dma_start3A_91, %multiple_of3A_47] : memref<1x1000000xf32, #tpu.memory_space<hbm>> -> memref<1x128xf32, #tpu.memory_space<hbm>>
      %dma_start3A_93 = arith.constant 0 : i32
      %dma_start3A_94 = arith.constant 0 : i32
      %dma_start3A_95 = tpu.memref_slice %arg15[%dma_start3A_86, %dma_start3A_93, %dma_start3A_94] : memref<8x1x128xf32, #tpu.memory_space<vmem>> -> memref<1x1x128xf32, #tpu.memory_space<vmem>>
      %dma_start3A_96 = tpu.memref_squeeze %dma_start3A_95 : memref<1x1x128xf32, #tpu.memory_space<vmem>> -> memref<1x128xf32, #tpu.memory_space<vmem>>
      %dma_start3A_97 = arith.constant 0 : i32
      %dma_start3A_98 = tpu.memref_slice %arg5[%dma_start3A_97, %multiple_of3A_47] : memref<1x1000000xf32, #tpu.memory_space<hbm>> -> memref<1x128xf32, #tpu.memory_space<hbm>>
      tpu.enqueue_dma source(%dma_start3A_98 : memref<1x128xf32, #tpu.memory_space<hbm>>) target(%dma_start3A_96 : memref<1x128xf32, #tpu.memory_space<vmem>>) target_semaphore(%arg19 : memref<!tpu.dma_semaphore, #tpu.memory_space<semaphore_mem>>)
      %slice3A_99 = vector.extract_strided_slice %get3A_32 {offsets = [1], sizes = [1], strides = [1]} : vector<16xi32> to vector<1xi32>
      %squeeze3A_100 = vector.extract %slice3A_99[0] : i32 from vector<1xi32>
      %slice3A_101 = vector.extract_strided_slice %get3A_36 {offsets = [1], sizes = [1], strides = [1]} : vector<16xi32> to vector<1xi32>
      %squeeze3A_102 = vector.extract %slice3A_101[0] : i32 from vector<1xi32>
      %shift_right_arithmetic3A_103 = arith.constant 7 : i32
      %shift_right_arithmetic3A_104 = arith.shrsi %squeeze3A_100, %shift_right_arithmetic3A_103 : i32
      %shift_left3A_105 = arith.constant 7 : i32
      %shift_left3A_106 = arith.shli %shift_right_arithmetic3A_104, %shift_left3A_105 : i32
      %multiple_of3A_107 = tpu.assume_multiple %shift_left3A_106, 128 : i32
      %shift_right_arithmetic3A_108 = arith.constant 7 : i32
      %shift_right_arithmetic3A_109 = arith.shrsi %squeeze3A_102, %shift_right_arithmetic3A_108 : i32
      %shift_left3A_110 = arith.constant 7 : i32
      %shift_left3A_111 = arith.shli %shift_right_arithmetic3A_109, %shift_left3A_110 : i32
      %multiple_of3A_112 = tpu.assume_multiple %shift_left3A_111, 128 : i32
      %dma_start3A_113 = arith.constant 1 : i32
      %dma_start3A_114 = arith.constant 0 : i32
      %dma_start3A_115 = arith.constant 0 : i32
      %dma_start3A_116 = tpu.memref_slice %arg12[%dma_start3A_113, %dma_start3A_114, %dma_start3A_115] : memref<8x32x128xf32, #tpu.memory_space<vmem>> -> memref<1x32x128xf32, #tpu.memory_space<vmem>>
      %dma_start3A_117 = tpu.memref_squeeze %dma_start3A_116 : memref<1x32x128xf32, #tpu.memory_space<vmem>> -> memref<32x128xf32, #tpu.memory_space<vmem>>
      %dma_start3A_118 = arith.constant 0 : i32
      %dma_start3A_119 = tpu.memref_slice %arg2[%dma_start3A_118, %multiple_of3A_107] : memref<32x1000000xf32, #tpu.memory_space<hbm>> -> memref<32x128xf32, #tpu.memory_space<hbm>>
      %dma_start3A_120 = arith.constant 0 : i32
      %dma_start3A_121 = arith.constant 0 : i32
      %dma_start3A_122 = tpu.memref_slice %arg12[%dma_start3A_113, %dma_start3A_120, %dma_start3A_121] : memref<8x32x128xf32, #tpu.memory_space<vmem>> -> memref<1x32x128xf32, #tpu.memory_space<vmem>>
      %dma_start3A_123 = tpu.memref_squeeze %dma_start3A_122 : memref<1x32x128xf32, #tpu.memory_space<vmem>> -> memref<32x128xf32, #tpu.memory_space<vmem>>
      %dma_start3A_124 = arith.constant 0 : i32
      %dma_start3A_125 = tpu.memref_slice %arg2[%dma_start3A_124, %multiple_of3A_107] : memref<32x1000000xf32, #tpu.memory_space<hbm>> -> memref<32x128xf32, #tpu.memory_space<hbm>>
      tpu.enqueue_dma source(%dma_start3A_125 : memref<32x128xf32, #tpu.memory_space<hbm>>) target(%dma_start3A_123 : memref<32x128xf32, #tpu.memory_space<vmem>>) target_semaphore(%arg18 : memref<!tpu.dma_semaphore, #tpu.memory_space<semaphore_mem>>)
      %dma_start3A_126 = arith.constant 1 : i32
      %dma_start3A_127 = arith.constant 0 : i32
      %dma_start3A_128 = arith.constant 0 : i32
      %dma_start3A_129 = tpu.memref_slice %arg13[%dma_start3A_126, %dma_start3A_127, %dma_start3A_128] : memref<8x32x128xf32, #tpu.memory_space<vmem>> -> memref<1x32x128xf32, #tpu.memory_space<vmem>>
      %dma_start3A_130 = tpu.memref_squeeze %dma_start3A_129 : memref<1x32x128xf32, #tpu.memory_space<vmem>> -> memref<32x128xf32, #tpu.memory_space<vmem>>
      %dma_start3A_131 = arith.constant 0 : i32
      %dma_start3A_132 = tpu.memref_slice %arg3[%dma_start3A_131, %multiple_of3A_112] : memref<32x1000000xf32, #tpu.memory_space<hbm>> -> memref<32x128xf32, #tpu.memory_space<hbm>>
      %dma_start3A_133 = arith.constant 0 : i32
      %dma_start3A_134 = arith.constant 0 : i32
      %dma_start3A_135 = tpu.memref_slice %arg13[%dma_start3A_126, %dma_start3A_133, %dma_start3A_134] : memref<8x32x128xf32, #tpu.memory_space<vmem>> -> memref<1x32x128xf32, #tpu.memory_space<vmem>>
      %dma_start3A_136 = tpu.memref_squeeze %dma_start3A_135 : memref<1x32x128xf32, #tpu.memory_space<vmem>> -> memref<32x128xf32, #tpu.memory_space<vmem>>
      %dma_start3A_137 = arith.constant 0 : i32
      %dma_start3A_138 = tpu.memref_slice %arg3[%dma_start3A_137, %multiple_of3A_112] : memref<32x1000000xf32, #tpu.memory_space<hbm>> -> memref<32x128xf32, #tpu.memory_space<hbm>>
      tpu.enqueue_dma source(%dma_start3A_138 : memref<32x128xf32, #tpu.memory_space<hbm>>) target(%dma_start3A_136 : memref<32x128xf32, #tpu.memory_space<vmem>>) target_semaphore(%arg18 : memref<!tpu.dma_semaphore, #tpu.memory_space<semaphore_mem>>)
      %dma_start3A_139 = arith.constant 1 : i32
      %dma_start3A_140 = arith.constant 0 : i32
      %dma_start3A_141 = arith.constant 0 : i32
      %dma_start3A_142 = tpu.memref_slice %arg14[%dma_start3A_139, %dma_start3A_140, %dma_start3A_141] : memref<8x1x128xf32, #tpu.memory_space<vmem>> -> memref<1x1x128xf32, #tpu.memory_space<vmem>>
      %dma_start3A_143 = tpu.memref_squeeze %dma_start3A_142 : memref<1x1x128xf32, #tpu.memory_space<vmem>> -> memref<1x128xf32, #tpu.memory_space<vmem>>
      %dma_start3A_144 = arith.constant 0 : i32
      %dma_start3A_145 = tpu.memref_slice %arg4[%dma_start3A_144, %multiple_of3A_107] : memref<1x1000000xf32, #tpu.memory_space<hbm>> -> memref<1x128xf32, #tpu.memory_space<hbm>>
      %dma_start3A_146 = arith.constant 0 : i32
      %dma_start3A_147 = arith.constant 0 : i32
      %dma_start3A_148 = tpu.memref_slice %arg14[%dma_start3A_139, %dma_start3A_146, %dma_start3A_147] : memref<8x1x128xf32, #tpu.memory_space<vmem>> -> memref<1x1x128xf32, #tpu.memory_space<vmem>>
      %dma_start3A_149 = tpu.memref_squeeze %dma_start3A_148 : memref<1x1x128xf32, #tpu.memory_space<vmem>> -> memref<1x128xf32, #tpu.memory_space<vmem>>
      %dma_start3A_150 = arith.constant 0 : i32
      %dma_start3A_151 = tpu.memref_slice %arg4[%dma_start3A_150, %multiple_of3A_107] : memref<1x1000000xf32, #tpu.memory_space<hbm>> -> memref<1x128xf32, #tpu.memory_space<hbm>>
      tpu.enqueue_dma source(%dma_start3A_151 : memref<1x128xf32, #tpu.memory_space<hbm>>) target(%dma_start3A_149 : memref<1x128xf32, #tpu.memory_space<vmem>>) target_semaphore(%arg19 : memref<!tpu.dma_semaphore, #tpu.memory_space<semaphore_mem>>)
      %dma_start3A_152 = arith.constant 1 : i32
      %dma_start3A_153 = arith.constant 0 : i32
      %dma_start3A_154 = arith.constant 0 : i32
      %dma_start3A_155 = tpu.memref_slice %arg15[%dma_start3A_152, %dma_start3A_153, %dma_start3A_154] : memref<8x1x128xf32, #tpu.memory_space<vmem>> -> memref<1x1x128xf32, #tpu.memory_space<vmem>>
      %dma_start3A_156 = tpu.memref_squeeze %dma_start3A_155 : memref<1x1x128xf32, #tpu.memory_space<vmem>> -> memref<1x128xf32, #tpu.memory_space<vmem>>
      %dma_start3A_157 = arith.constant 0 : i32
      %dma_start3A_158 = tpu.memref_slice %arg5[%dma_start3A_157, %multiple_of3A_112] : memref<1x1000000xf32, #tpu.memory_space<hbm>> -> memref<1x128xf32, #tpu.memory_space<hbm>>
      %dma_start3A_159 = arith.constant 0 : i32
      %dma_start3A_160 = arith.constant 0 : i32
      %dma_start3A_161 = tpu.memref_slice %arg15[%dma_start3A_152, %dma_start3A_159, %dma_start3A_160] : memref<8x1x128xf32, #tpu.memory_space<vmem>> -> memref<1x1x128xf32, #tpu.memory_space<vmem>>
      %dma_start3A_162 = tpu.memref_squeeze %dma_start3A_161 : memref<1x1x128xf32, #tpu.memory_space<vmem>> -> memref<1x128xf32, #tpu.memory_space<vmem>>
      %dma_start3A_163 = arith.constant 0 : i32
      %dma_start3A_164 = tpu.memref_slice %arg5[%dma_start3A_163, %multiple_of3A_112] : memref<1x1000000xf32, #tpu.memory_space<hbm>> -> memref<1x128xf32, #tpu.memory_space<hbm>>
      tpu.enqueue_dma source(%dma_start3A_164 : memref<1x128xf32, #tpu.memory_space<hbm>>) target(%dma_start3A_162 : memref<1x128xf32, #tpu.memory_space<vmem>>) target_semaphore(%arg19 : memref<!tpu.dma_semaphore, #tpu.memory_space<semaphore_mem>>)
      %slice3A_165 = vector.extract_strided_slice %get3A_32 {offsets = [2], sizes = [1], strides = [1]} : vector<16xi32> to vector<1xi32>
      %squeeze3A_166 = vector.extract %slice3A_165[0] : i32 from vector<1xi32>
      %slice3A_167 = vector.extract_strided_slice %get3A_36 {offsets = [2], sizes = [1], strides = [1]} : vector<16xi32> to vector<1xi32>
      %squeeze3A_168 = vector.extract %slice3A_167[0] : i32 from vector<1xi32>
      %shift_right_arithmetic3A_169 = arith.constant 7 : i32
      %shift_right_arithmetic3A_170 = arith.shrsi %squeeze3A_166, %shift_right_arithmetic3A_169 : i32
      %shift_left3A_171 = arith.constant 7 : i32
      %shift_left3A_172 = arith.shli %shift_right_arithmetic3A_170, %shift_left3A_171 : i32
      %multiple_of3A_173 = tpu.assume_multiple %shift_left3A_172, 128 : i32
      %shift_right_arithmetic3A_174 = arith.constant 7 : i32
      %shift_right_arithmetic3A_175 = arith.shrsi %squeeze3A_168, %shift_right_arithmetic3A_174 : i32
      %shift_left3A_176 = arith.constant 7 : i32
      %shift_left3A_177 = arith.shli %shift_right_arithmetic3A_175, %shift_left3A_176 : i32
      %multiple_of3A_178 = tpu.assume_multiple %shift_left3A_177, 128 : i32
      %dma_start3A_179 = arith.constant 2 : i32
      %dma_start3A_180 = arith.constant 0 : i32
      %dma_start3A_181 = arith.constant 0 : i32
      %dma_start3A_182 = tpu.memref_slice %arg12[%dma_start3A_179, %dma_start3A_180, %dma_start3A_181] : memref<8x32x128xf32, #tpu.memory_space<vmem>> -> memref<1x32x128xf32, #tpu.memory_space<vmem>>
      %dma_start3A_183 = tpu.memref_squeeze %dma_start3A_182 : memref<1x32x128xf32, #tpu.memory_space<vmem>> -> memref<32x128xf32, #tpu.memory_space<vmem>>
      %dma_start3A_184 = arith.constant 0 : i32
      %dma_start3A_185 = tpu.memref_slice %arg2[%dma_start3A_184, %multiple_of3A_173] : memref<32x1000000xf32, #tpu.memory_space<hbm>> -> memref<32x128xf32, #tpu.memory_space<hbm>>
      %dma_start3A_186 = arith.constant 0 : i32
      %dma_start3A_187 = arith.constant 0 : i32
      %dma_start3A_188 = tpu.memref_slice %arg12[%dma_start3A_179, %dma_start3A_186, %dma_start3A_187] : memref<8x32x128xf32, #tpu.memory_space<vmem>> -> memref<1x32x128xf32, #tpu.memory_space<vmem>>
      %dma_start3A_189 = tpu.memref_squeeze %dma_start3A_188 : memref<1x32x128xf32, #tpu.memory_space<vmem>> -> memref<32x128xf32, #tpu.memory_space<vmem>>
      %dma_start3A_190 = arith.constant 0 : i32
      %dma_start3A_191 = tpu.memref_slice %arg2[%dma_start3A_190, %multiple_of3A_173] : memref<32x1000000xf32, #tpu.memory_space<hbm>> -> memref<32x128xf32, #tpu.memory_space<hbm>>
      tpu.enqueue_dma source(%dma_start3A_191 : memref<32x128xf32, #tpu.memory_space<hbm>>) target(%dma_start3A_189 : memref<32x128xf32, #tpu.memory_space<vmem>>) target_semaphore(%arg18 : memref<!tpu.dma_semaphore, #tpu.memory_space<semaphore_mem>>)
      %dma_start3A_192 = arith.constant 2 : i32
      %dma_start3A_193 = arith.constant 0 : i32
      %dma_start3A_194 = arith.constant 0 : i32
      %dma_start3A_195 = tpu.memref_slice %arg13[%dma_start3A_192, %dma_start3A_193, %dma_start3A_194] : memref<8x32x128xf32, #tpu.memory_space<vmem>> -> memref<1x32x128xf32, #tpu.memory_space<vmem>>
      %dma_start3A_196 = tpu.memref_squeeze %dma_start3A_195 : memref<1x32x128xf32, #tpu.memory_space<vmem>> -> memref<32x128xf32, #tpu.memory_space<vmem>>
      %dma_start3A_197 = arith.constant 0 : i32
      %dma_start3A_198 = tpu.memref_slice %arg3[%dma_start3A_197, %multiple_of3A_178] : memref<32x1000000xf32, #tpu.memory_space<hbm>> -> memref<32x128xf32, #tpu.memory_space<hbm>>
      %dma_start3A_199 = arith.constant 0 : i32
      %dma_start3A_200 = arith.constant 0 : i32
      %dma_start3A_201 = tpu.memref_slice %arg13[%dma_start3A_192, %dma_start3A_199, %dma_start3A_200] : memref<8x32x128xf32, #tpu.memory_space<vmem>> -> memref<1x32x128xf32, #tpu.memory_space<vmem>>
      %dma_start3A_202 = tpu.memref_squeeze %dma_start3A_201 : memref<1x32x128xf32, #tpu.memory_space<vmem>> -> memref<32x128xf32, #tpu.memory_space<vmem>>
      %dma_start3A_203 = arith.constant 0 : i32
      %dma_start3A_204 = tpu.memref_slice %arg3[%dma_start3A_203, %multiple_of3A_178] : memref<32x1000000xf32, #tpu.memory_space<hbm>> -> memref<32x128xf32, #tpu.memory_space<hbm>>
      tpu.enqueue_dma source(%dma_start3A_204 : memref<32x128xf32, #tpu.memory_space<hbm>>) target(%dma_start3A_202 : memref<32x128xf32, #tpu.memory_space<vmem>>) target_semaphore(%arg18 : memref<!tpu.dma_semaphore, #tpu.memory_space<semaphore_mem>>)
      %dma_start3A_205 = arith.constant 2 : i32
      %dma_start3A_206 = arith.constant 0 : i32
      %dma_start3A_207 = arith.constant 0 : i32
      %dma_start3A_208 = tpu.memref_slice %arg14[%dma_start3A_205, %dma_start3A_206, %dma_start3A_207] : memref<8x1x128xf32, #tpu.memory_space<vmem>> -> memref<1x1x128xf32, #tpu.memory_space<vmem>>
      %dma_start3A_209 = tpu.memref_squeeze %dma_start3A_208 : memref<1x1x128xf32, #tpu.memory_space<vmem>> -> memref<1x128xf32, #tpu.memory_space<vmem>>
      %dma_start3A_210 = arith.constant 0 : i32
      %dma_start3A_211 = tpu.memref_slice %arg4[%dma_start3A_210, %multiple_of3A_173] : memref<1x1000000xf32, #tpu.memory_space<hbm>> -> memref<1x128xf32, #tpu.memory_space<hbm>>
      %dma_start3A_212 = arith.constant 0 : i32
      %dma_start3A_213 = arith.constant 0 : i32
      %dma_start3A_214 = tpu.memref_slice %arg14[%dma_start3A_205, %dma_start3A_212, %dma_start3A_213] : memref<8x1x128xf32, #tpu.memory_space<vmem>> -> memref<1x1x128xf32, #tpu.memory_space<vmem>>
      %dma_start3A_215 = tpu.memref_squeeze %dma_start3A_214 : memref<1x1x128xf32, #tpu.memory_space<vmem>> -> memref<1x128xf32, #tpu.memory_space<vmem>>
      %dma_start3A_216 = arith.constant 0 : i32
      %dma_start3A_217 = tpu.memref_slice %arg4[%dma_start3A_216, %multiple_of3A_173] : memref<1x1000000xf32, #tpu.memory_space<hbm>> -> memref<1x128xf32, #tpu.memory_space<hbm>>
      tpu.enqueue_dma source(%dma_start3A_217 : memref<1x128xf32, #tpu.memory_space<hbm>>) target(%dma_start3A_215 : memref<1x128xf32, #tpu.memory_space<vmem>>) target_semaphore(%arg19 : memref<!tpu.dma_semaphore, #tpu.memory_space<semaphore_mem>>)
      %dma_start3A_218 = arith.constant 2 : i32
      %dma_start3A_219 = arith.constant 0 : i32
      %dma_start3A_220 = arith.constant 0 : i32
      %dma_start3A_221 = tpu.memref_slice %arg15[%dma_start3A_218, %dma_start3A_219, %dma_start3A_220] : memref<8x1x128xf32, #tpu.memory_space<vmem>> -> memref<1x1x128xf32, #tpu.memory_space<vmem>>
      %dma_start3A_222 = tpu.memref_squeeze %dma_start3A_221 : memref<1x1x128xf32, #tpu.memory_space<vmem>> -> memref<1x128xf32, #tpu.memory_space<vmem>>
      %dma_start3A_223 = arith.constant 0 : i32
      %dma_start3A_224 = tpu.memref_slice %arg5[%dma_start3A_223, %multiple_of3A_178] : memref<1x1000000xf32, #tpu.memory_space<hbm>> -> memref<1x128xf32, #tpu.memory_space<hbm>>
      %dma_start3A_225 = arith.constant 0 : i32
      %dma_start3A_226 = arith.constant 0 : i32
      %dma_start3A_227 = tpu.memref_slice %arg15[%dma_start3A_218, %dma_start3A_225, %dma_start3A_226] : memref<8x1x128xf32, #tpu.memory_space<vmem>> -> memref<1x1x128xf32, #tpu.memory_space<vmem>>
      %dma_start3A_228 = tpu.memref_squeeze %dma_start3A_227 : memref<1x1x128xf32, #tpu.memory_space<vmem>> -> memref<1x128xf32, #tpu.memory_space<vmem>>
      %dma_start3A_229 = arith.constant 0 : i32
      %dma_start3A_230 = tpu.memref_slice %arg5[%dma_start3A_229, %multiple_of3A_178] : memref<1x1000000xf32, #tpu.memory_space<hbm>> -> memref<1x128xf32, #tpu.memory_space<hbm>>
      tpu.enqueue_dma source(%dma_start3A_230 : memref<1x128xf32, #tpu.memory_space<hbm>>) target(%dma_start3A_228 : memref<1x128xf32, #tpu.memory_space<vmem>>) target_semaphore(%arg19 : memref<!tpu.dma_semaphore, #tpu.memory_space<semaphore_mem>>)
      %slice3A_231 = vector.extract_strided_slice %get3A_32 {offsets = [3], sizes = [1], strides = [1]} : vector<16xi32> to vector<1xi32>
      %squeeze3A_232 = vector.extract %slice3A_231[0] : i32 from vector<1xi32>
      %slice3A_233 = vector.extract_strided_slice %get3A_36 {offsets = [3], sizes = [1], strides = [1]} : vector<16xi32> to vector<1xi32>
      %squeeze3A_234 = vector.extract %slice3A_233[0] : i32 from vector<1xi32>
      %shift_right_arithmetic3A_235 = arith.constant 7 : i32
      %shift_right_arithmetic3A_236 = arith.shrsi %squeeze3A_232, %shift_right_arithmetic3A_235 : i32
      %shift_left3A_237 = arith.constant 7 : i32
      %shift_left3A_238 = arith.shli %shift_right_arithmetic3A_236, %shift_left3A_237 : i32
      %multiple_of3A_239 = tpu.assume_multiple %shift_left3A_238, 128 : i32
      %shift_right_arithmetic3A_240 = arith.constant 7 : i32
      %shift_right_arithmetic3A_241 = arith.shrsi %squeeze3A_234, %shift_right_arithmetic3A_240 : i32
      %shift_left3A_242 = arith.constant 7 : i32
      %shift_left3A_243 = arith.shli %shift_right_arithmetic3A_241, %shift_left3A_242 : i32
      %multiple_of3A_244 = tpu.assume_multiple %shift_left3A_243, 128 : i32
      %dma_start3A_245 = arith.constant 3 : i32
      %dma_start3A_246 = arith.constant 0 : i32
      %dma_start3A_247 = arith.constant 0 : i32
      %dma_start3A_248 = tpu.memref_slice %arg12[%dma_start3A_245, %dma_start3A_246, %dma_start3A_247] : memref<8x32x128xf32, #tpu.memory_space<vmem>> -> memref<1x32x128xf32, #tpu.memory_space<vmem>>
      %dma_start3A_249 = tpu.memref_squeeze %dma_start3A_248 : memref<1x32x128xf32, #tpu.memory_space<vmem>> -> memref<32x128xf32, #tpu.memory_space<vmem>>
      %dma_start3A_250 = arith.constant 0 : i32
      %dma_start3A_251 = tpu.memref_slice %arg2[%dma_start3A_250, %multiple_of3A_239] : memref<32x1000000xf32, #tpu.memory_space<hbm>> -> memref<32x128xf32, #tpu.memory_space<hbm>>
      %dma_start3A_252 = arith.constant 0 : i32
      %dma_start3A_253 = arith.constant 0 : i32
      %dma_start3A_254 = tpu.memref_slice %arg12[%dma_start3A_245, %dma_start3A_252, %dma_start3A_253] : memref<8x32x128xf32, #tpu.memory_space<vmem>> -> memref<1x32x128xf32, #tpu.memory_space<vmem>>
      %dma_start3A_255 = tpu.memref_squeeze %dma_start3A_254 : memref<1x32x128xf32, #tpu.memory_space<vmem>> -> memref<32x128xf32, #tpu.memory_space<vmem>>
      %dma_start3A_256 = arith.constant 0 : i32
      %dma_start3A_257 = tpu.memref_slice %arg2[%dma_start3A_256, %multiple_of3A_239] : memref<32x1000000xf32, #tpu.memory_space<hbm>> -> memref<32x128xf32, #tpu.memory_space<hbm>>
      tpu.enqueue_dma source(%dma_start3A_257 : memref<32x128xf32, #tpu.memory_space<hbm>>) target(%dma_start3A_255 : memref<32x128xf32, #tpu.memory_space<vmem>>) target_semaphore(%arg18 : memref<!tpu.dma_semaphore, #tpu.memory_space<semaphore_mem>>)
      %dma_start3A_258 = arith.constant 3 : i32
      %dma_start3A_259 = arith.constant 0 : i32
      %dma_start3A_260 = arith.constant 0 : i32
      %dma_start3A_261 = tpu.memref_slice %arg13[%dma_start3A_258, %dma_start3A_259, %dma_start3A_260] : memref<8x32x128xf32, #tpu.memory_space<vmem>> -> memref<1x32x128xf32, #tpu.memory_space<vmem>>
      %dma_start3A_262 = tpu.memref_squeeze %dma_start3A_261 : memref<1x32x128xf32, #tpu.memory_space<vmem>> -> memref<32x128xf32, #tpu.memory_space<vmem>>
      %dma_start3A_263 = arith.constant 0 : i32
      %dma_start3A_264 = tpu.memref_slice %arg3[%dma_start3A_263, %multiple_of3A_244] : memref<32x1000000xf32, #tpu.memory_space<hbm>> -> memref<32x128xf32, #tpu.memory_space<hbm>>
      %dma_start3A_265 = arith.constant 0 : i32
      %dma_start3A_266 = arith.constant 0 : i32
      %dma_start3A_267 = tpu.memref_slice %arg13[%dma_start3A_258, %dma_start3A_265, %dma_start3A_266] : memref<8x32x128xf32, #tpu.memory_space<vmem>> -> memref<1x32x128xf32, #tpu.memory_space<vmem>>
      %dma_start3A_268 = tpu.memref_squeeze %dma_start3A_267 : memref<1x32x128xf32, #tpu.memory_space<vmem>> -> memref<32x128xf32, #tpu.memory_space<vmem>>
      %dma_start3A_269 = arith.constant 0 : i32
      %dma_start3A_270 = tpu.memref_slice %arg3[%dma_start3A_269, %multiple_of3A_244] : memref<32x1000000xf32, #tpu.memory_space<hbm>> -> memref<32x128xf32, #tpu.memory_space<hbm>>
      tpu.enqueue_dma source(%dma_start3A_270 : memref<32x128xf32, #tpu.memory_space<hbm>>) target(%dma_start3A_268 : memref<32x128xf32, #tpu.memory_space<vmem>>) target_semaphore(%arg18 : memref<!tpu.dma_semaphore, #tpu.memory_space<semaphore_mem>>)
      %dma_start3A_271 = arith.constant 3 : i32
      %dma_start3A_272 = arith.constant 0 : i32
      %dma_start3A_273 = arith.constant 0 : i32
      %dma_start3A_274 = tpu.memref_slice %arg14[%dma_start3A_271, %dma_start3A_272, %dma_start3A_273] : memref<8x1x128xf32, #tpu.memory_space<vmem>> -> memref<1x1x128xf32, #tpu.memory_space<vmem>>
      %dma_start3A_275 = tpu.memref_squeeze %dma_start3A_274 : memref<1x1x128xf32, #tpu.memory_space<vmem>> -> memref<1x128xf32, #tpu.memory_space<vmem>>
      %dma_start3A_276 = arith.constant 0 : i32
      %dma_start3A_277 = tpu.memref_slice %arg4[%dma_start3A_276, %multiple_of3A_239] : memref<1x1000000xf32, #tpu.memory_space<hbm>> -> memref<1x128xf32, #tpu.memory_space<hbm>>
      %dma_start3A_278 = arith.constant 0 : i32
      %dma_start3A_279 = arith.constant 0 : i32
      %dma_start3A_280 = tpu.memref_slice %arg14[%dma_start3A_271, %dma_start3A_278, %dma_start3A_279] : memref<8x1x128xf32, #tpu.memory_space<vmem>> -> memref<1x1x128xf32, #tpu.memory_space<vmem>>
      %dma_start3A_281 = tpu.memref_squeeze %dma_start3A_280 : memref<1x1x128xf32, #tpu.memory_space<vmem>> -> memref<1x128xf32, #tpu.memory_space<vmem>>
      %dma_start3A_282 = arith.constant 0 : i32
      %dma_start3A_283 = tpu.memref_slice %arg4[%dma_start3A_282, %multiple_of3A_239] : memref<1x1000000xf32, #tpu.memory_space<hbm>> -> memref<1x128xf32, #tpu.memory_space<hbm>>
      tpu.enqueue_dma source(%dma_start3A_283 : memref<1x128xf32, #tpu.memory_space<hbm>>) target(%dma_start3A_281 : memref<1x128xf32, #tpu.memory_space<vmem>>) target_semaphore(%arg19 : memref<!tpu.dma_semaphore, #tpu.memory_space<semaphore_mem>>)
      %dma_start3A_284 = arith.constant 3 : i32
      %dma_start3A_285 = arith.constant 0 : i32
      %dma_start3A_286 = arith.constant 0 : i32
      %dma_start3A_287 = tpu.memref_slice %arg15[%dma_start3A_284, %dma_start3A_285, %dma_start3A_286] : memref<8x1x128xf32, #tpu.memory_space<vmem>> -> memref<1x1x128xf32, #tpu.memory_space<vmem>>
      %dma_start3A_288 = tpu.memref_squeeze %dma_start3A_287 : memref<1x1x128xf32, #tpu.memory_space<vmem>> -> memref<1x128xf32, #tpu.memory_space<vmem>>
      %dma_start3A_289 = arith.constant 0 : i32
      %dma_start3A_290 = tpu.memref_slice %arg5[%dma_start3A_289, %multiple_of3A_244] : memref<1x1000000xf32, #tpu.memory_space<hbm>> -> memref<1x128xf32, #tpu.memory_space<hbm>>
      %dma_start3A_291 = arith.constant 0 : i32
      %dma_start3A_292 = arith.constant 0 : i32
      %dma_start3A_293 = tpu.memref_slice %arg15[%dma_start3A_284, %dma_start3A_291, %dma_start3A_292] : memref<8x1x128xf32, #tpu.memory_space<vmem>> -> memref<1x1x128xf32, #tpu.memory_space<vmem>>
      %dma_start3A_294 = tpu.memref_squeeze %dma_start3A_293 : memref<1x1x128xf32, #tpu.memory_space<vmem>> -> memref<1x128xf32, #tpu.memory_space<vmem>>
      %dma_start3A_295 = arith.constant 0 : i32
      %dma_start3A_296 = tpu.memref_slice %arg5[%dma_start3A_295, %multiple_of3A_244] : memref<1x1000000xf32, #tpu.memory_space<hbm>> -> memref<1x128xf32, #tpu.memory_space<hbm>>
      tpu.enqueue_dma source(%dma_start3A_296 : memref<1x128xf32, #tpu.memory_space<hbm>>) target(%dma_start3A_294 : memref<1x128xf32, #tpu.memory_space<vmem>>) target_semaphore(%arg19 : memref<!tpu.dma_semaphore, #tpu.memory_space<semaphore_mem>>)
      %slice3A_297 = vector.extract_strided_slice %get3A_32 {offsets = [4], sizes = [1], strides = [1]} : vector<16xi32> to vector<1xi32>
      %squeeze3A_298 = vector.extract %slice3A_297[0] : i32 from vector<1xi32>
      %slice3A_299 = vector.extract_strided_slice %get3A_36 {offsets = [4], sizes = [1], strides = [1]} : vector<16xi32> to vector<1xi32>
      %squeeze3A_300 = vector.extract %slice3A_299[0] : i32 from vector<1xi32>
      %shift_right_arithmetic3A_301 = arith.constant 7 : i32
      %shift_right_arithmetic3A_302 = arith.shrsi %squeeze3A_298, %shift_right_arithmetic3A_301 : i32
      %shift_left3A_303 = arith.constant 7 : i32
      %shift_left3A_304 = arith.shli %shift_right_arithmetic3A_302, %shift_left3A_303 : i32
      %multiple_of3A_305 = tpu.assume_multiple %shift_left3A_304, 128 : i32
      %shift_right_arithmetic3A_306 = arith.constant 7 : i32
      %shift_right_arithmetic3A_307 = arith.shrsi %squeeze3A_300, %shift_right_arithmetic3A_306 : i32
      %shift_left3A_308 = arith.constant 7 : i32
      %shift_left3A_309 = arith.shli %shift_right_arithmetic3A_307, %shift_left3A_308 : i32
      %multiple_of3A_310 = tpu.assume_multiple %shift_left3A_309, 128 : i32
      %dma_start3A_311 = arith.constant 4 : i32
      %dma_start3A_312 = arith.constant 0 : i32
      %dma_start3A_313 = arith.constant 0 : i32
      %dma_start3A_314 = tpu.memref_slice %arg12[%dma_start3A_311, %dma_start3A_312, %dma_start3A_313] : memref<8x32x128xf32, #tpu.memory_space<vmem>> -> memref<1x32x128xf32, #tpu.memory_space<vmem>>
      %dma_start3A_315 = tpu.memref_squeeze %dma_start3A_314 : memref<1x32x128xf32, #tpu.memory_space<vmem>> -> memref<32x128xf32, #tpu.memory_space<vmem>>
      %dma_start3A_316 = arith.constant 0 : i32
      %dma_start3A_317 = tpu.memref_slice %arg2[%dma_start3A_316, %multiple_of3A_305] : memref<32x1000000xf32, #tpu.memory_space<hbm>> -> memref<32x128xf32, #tpu.memory_space<hbm>>
      %dma_start3A_318 = arith.constant 0 : i32
      %dma_start3A_319 = arith.constant 0 : i32
      %dma_start3A_320 = tpu.memref_slice %arg12[%dma_start3A_311, %dma_start3A_318, %dma_start3A_319] : memref<8x32x128xf32, #tpu.memory_space<vmem>> -> memref<1x32x128xf32, #tpu.memory_space<vmem>>
      %dma_start3A_321 = tpu.memref_squeeze %dma_start3A_320 : memref<1x32x128xf32, #tpu.memory_space<vmem>> -> memref<32x128xf32, #tpu.memory_space<vmem>>
      %dma_start3A_322 = arith.constant 0 : i32
      %dma_start3A_323 = tpu.memref_slice %arg2[%dma_start3A_322, %multiple_of3A_305] : memref<32x1000000xf32, #tpu.memory_space<hbm>> -> memref<32x128xf32, #tpu.memory_space<hbm>>
      tpu.enqueue_dma source(%dma_start3A_323 : memref<32x128xf32, #tpu.memory_space<hbm>>) target(%dma_start3A_321 : memref<32x128xf32, #tpu.memory_space<vmem>>) target_semaphore(%arg18 : memref<!tpu.dma_semaphore, #tpu.memory_space<semaphore_mem>>)
      %dma_start3A_324 = arith.constant 4 : i32
      %dma_start3A_325 = arith.constant 0 : i32
      %dma_start3A_326 = arith.constant 0 : i32
      %dma_start3A_327 = tpu.memref_slice %arg13[%dma_start3A_324, %dma_start3A_325, %dma_start3A_326] : memref<8x32x128xf32, #tpu.memory_space<vmem>> -> memref<1x32x128xf32, #tpu.memory_space<vmem>>
      %dma_start3A_328 = tpu.memref_squeeze %dma_start3A_327 : memref<1x32x128xf32, #tpu.memory_space<vmem>> -> memref<32x128xf32, #tpu.memory_space<vmem>>
      %dma_start3A_329 = arith.constant 0 : i32
      %dma_start3A_330 = tpu.memref_slice %arg3[%dma_start3A_329, %multiple_of3A_310] : memref<32x1000000xf32, #tpu.memory_space<hbm>> -> memref<32x128xf32, #tpu.memory_space<hbm>>
      %dma_start3A_331 = arith.constant 0 : i32
      %dma_start3A_332 = arith.constant 0 : i32
      %dma_start3A_333 = tpu.memref_slice %arg13[%dma_start3A_324, %dma_start3A_331, %dma_start3A_332] : memref<8x32x128xf32, #tpu.memory_space<vmem>> -> memref<1x32x128xf32, #tpu.memory_space<vmem>>
      %dma_start3A_334 = tpu.memref_squeeze %dma_start3A_333 : memref<1x32x128xf32, #tpu.memory_space<vmem>> -> memref<32x128xf32, #tpu.memory_space<vmem>>
      %dma_start3A_335 = arith.constant 0 : i32
      %dma_start3A_336 = tpu.memref_slice %arg3[%dma_start3A_335, %multiple_of3A_310] : memref<32x1000000xf32, #tpu.memory_space<hbm>> -> memref<32x128xf32, #tpu.memory_space<hbm>>
      tpu.enqueue_dma source(%dma_start3A_336 : memref<32x128xf32, #tpu.memory_space<hbm>>) target(%dma_start3A_334 : memref<32x128xf32, #tpu.memory_space<vmem>>) target_semaphore(%arg18 : memref<!tpu.dma_semaphore, #tpu.memory_space<semaphore_mem>>)
      %dma_start3A_337 = arith.constant 4 : i32
      %dma_start3A_338 = arith.constant 0 : i32
      %dma_start3A_339 = arith.constant 0 : i32
      %dma_start3A_340 = tpu.memref_slice %arg14[%dma_start3A_337, %dma_start3A_338, %dma_start3A_339] : memref<8x1x128xf32, #tpu.memory_space<vmem>> -> memref<1x1x128xf32, #tpu.memory_space<vmem>>
      %dma_start3A_341 = tpu.memref_squeeze %dma_start3A_340 : memref<1x1x128xf32, #tpu.memory_space<vmem>> -> memref<1x128xf32, #tpu.memory_space<vmem>>
      %dma_start3A_342 = arith.constant 0 : i32
      %dma_start3A_343 = tpu.memref_slice %arg4[%dma_start3A_342, %multiple_of3A_305] : memref<1x1000000xf32, #tpu.memory_space<hbm>> -> memref<1x128xf32, #tpu.memory_space<hbm>>
      %dma_start3A_344 = arith.constant 0 : i32
      %dma_start3A_345 = arith.constant 0 : i32
      %dma_start3A_346 = tpu.memref_slice %arg14[%dma_start3A_337, %dma_start3A_344, %dma_start3A_345] : memref<8x1x128xf32, #tpu.memory_space<vmem>> -> memref<1x1x128xf32, #tpu.memory_space<vmem>>
      %dma_start3A_347 = tpu.memref_squeeze %dma_start3A_346 : memref<1x1x128xf32, #tpu.memory_space<vmem>> -> memref<1x128xf32, #tpu.memory_space<vmem>>
      %dma_start3A_348 = arith.constant 0 : i32
      %dma_start3A_349 = tpu.memref_slice %arg4[%dma_start3A_348, %multiple_of3A_305] : memref<1x1000000xf32, #tpu.memory_space<hbm>> -> memref<1x128xf32, #tpu.memory_space<hbm>>
      tpu.enqueue_dma source(%dma_start3A_349 : memref<1x128xf32, #tpu.memory_space<hbm>>) target(%dma_start3A_347 : memref<1x128xf32, #tpu.memory_space<vmem>>) target_semaphore(%arg19 : memref<!tpu.dma_semaphore, #tpu.memory_space<semaphore_mem>>)
      %dma_start3A_350 = arith.constant 4 : i32
      %dma_start3A_351 = arith.constant 0 : i32
      %dma_start3A_352 = arith.constant 0 : i32
      %dma_start3A_353 = tpu.memref_slice %arg15[%dma_start3A_350, %dma_start3A_351, %dma_start3A_352] : memref<8x1x128xf32, #tpu.memory_space<vmem>> -> memref<1x1x128xf32, #tpu.memory_space<vmem>>
      %dma_start3A_354 = tpu.memref_squeeze %dma_start3A_353 : memref<1x1x128xf32, #tpu.memory_space<vmem>> -> memref<1x128xf32, #tpu.memory_space<vmem>>
      %dma_start3A_355 = arith.constant 0 : i32
      %dma_start3A_356 = tpu.memref_slice %arg5[%dma_start3A_355, %multiple_of3A_310] : memref<1x1000000xf32, #tpu.memory_space<hbm>> -> memref<1x128xf32, #tpu.memory_space<hbm>>
      %dma_start3A_357 = arith.constant 0 : i32
      %dma_start3A_358 = arith.constant 0 : i32
      %dma_start3A_359 = tpu.memref_slice %arg15[%dma_start3A_350, %dma_start3A_357, %dma_start3A_358] : memref<8x1x128xf32, #tpu.memory_space<vmem>> -> memref<1x1x128xf32, #tpu.memory_space<vmem>>
      %dma_start3A_360 = tpu.memref_squeeze %dma_start3A_359 : memref<1x1x128xf32, #tpu.memory_space<vmem>> -> memref<1x128xf32, #tpu.memory_space<vmem>>
      %dma_start3A_361 = arith.constant 0 : i32
      %dma_start3A_362 = tpu.memref_slice %arg5[%dma_start3A_361, %multiple_of3A_310] : memref<1x1000000xf32, #tpu.memory_space<hbm>> -> memref<1x128xf32, #tpu.memory_space<hbm>>
      tpu.enqueue_dma source(%dma_start3A_362 : memref<1x128xf32, #tpu.memory_space<hbm>>) target(%dma_start3A_360 : memref<1x128xf32, #tpu.memory_space<vmem>>) target_semaphore(%arg19 : memref<!tpu.dma_semaphore, #tpu.memory_space<semaphore_mem>>)
      %slice3A_363 = vector.extract_strided_slice %get3A_32 {offsets = [5], sizes = [1], strides = [1]} : vector<16xi32> to vector<1xi32>
      %squeeze3A_364 = vector.extract %slice3A_363[0] : i32 from vector<1xi32>
      %slice3A_365 = vector.extract_strided_slice %get3A_36 {offsets = [5], sizes = [1], strides = [1]} : vector<16xi32> to vector<1xi32>
      %squeeze3A_366 = vector.extract %slice3A_365[0] : i32 from vector<1xi32>
      %shift_right_arithmetic3A_367 = arith.constant 7 : i32
      %shift_right_arithmetic3A_368 = arith.shrsi %squeeze3A_364, %shift_right_arithmetic3A_367 : i32
      %shift_left3A_369 = arith.constant 7 : i32
      %shift_left3A_370 = arith.shli %shift_right_arithmetic3A_368, %shift_left3A_369 : i32
      %multiple_of3A_371 = tpu.assume_multiple %shift_left3A_370, 128 : i32
      %shift_right_arithmetic3A_372 = arith.constant 7 : i32
      %shift_right_arithmetic3A_373 = arith.shrsi %squeeze3A_366, %shift_right_arithmetic3A_372 : i32
      %shift_left3A_374 = arith.constant 7 : i32
      %shift_left3A_375 = arith.shli %shift_right_arithmetic3A_373, %shift_left3A_374 : i32
      %multiple_of3A_376 = tpu.assume_multiple %shift_left3A_375, 128 : i32
      %dma_start3A_377 = arith.constant 5 : i32
      %dma_start3A_378 = arith.constant 0 : i32
      %dma_start3A_379 = arith.constant 0 : i32
      %dma_start3A_380 = tpu.memref_slice %arg12[%dma_start3A_377, %dma_start3A_378, %dma_start3A_379] : memref<8x32x128xf32, #tpu.memory_space<vmem>> -> memref<1x32x128xf32, #tpu.memory_space<vmem>>
      %dma_start3A_381 = tpu.memref_squeeze %dma_start3A_380 : memref<1x32x128xf32, #tpu.memory_space<vmem>> -> memref<32x128xf32, #tpu.memory_space<vmem>>
      %dma_start3A_382 = arith.constant 0 : i32
      %dma_start3A_383 = tpu.memref_slice %arg2[%dma_start3A_382, %multiple_of3A_371] : memref<32x1000000xf32, #tpu.memory_space<hbm>> -> memref<32x128xf32, #tpu.memory_space<hbm>>
      %dma_start3A_384 = arith.constant 0 : i32
      %dma_start3A_385 = arith.constant 0 : i32
      %dma_start3A_386 = tpu.memref_slice %arg12[%dma_start3A_377, %dma_start3A_384, %dma_start3A_385] : memref<8x32x128xf32, #tpu.memory_space<vmem>> -> memref<1x32x128xf32, #tpu.memory_space<vmem>>
      %dma_start3A_387 = tpu.memref_squeeze %dma_start3A_386 : memref<1x32x128xf32, #tpu.memory_space<vmem>> -> memref<32x128xf32, #tpu.memory_space<vmem>>
      %dma_start3A_388 = arith.constant 0 : i32
      %dma_start3A_389 = tpu.memref_slice %arg2[%dma_start3A_388, %multiple_of3A_371] : memref<32x1000000xf32, #tpu.memory_space<hbm>> -> memref<32x128xf32, #tpu.memory_space<hbm>>
      tpu.enqueue_dma source(%dma_start3A_389 : memref<32x128xf32, #tpu.memory_space<hbm>>) target(%dma_start3A_387 : memref<32x128xf32, #tpu.memory_space<vmem>>) target_semaphore(%arg18 : memref<!tpu.dma_semaphore, #tpu.memory_space<semaphore_mem>>)
      %dma_start3A_390 = arith.constant 5 : i32
      %dma_start3A_391 = arith.constant 0 : i32
      %dma_start3A_392 = arith.constant 0 : i32
      %dma_start3A_393 = tpu.memref_slice %arg13[%dma_start3A_390, %dma_start3A_391, %dma_start3A_392] : memref<8x32x128xf32, #tpu.memory_space<vmem>> -> memref<1x32x128xf32, #tpu.memory_space<vmem>>
      %dma_start3A_394 = tpu.memref_squeeze %dma_start3A_393 : memref<1x32x128xf32, #tpu.memory_space<vmem>> -> memref<32x128xf32, #tpu.memory_space<vmem>>
      %dma_start3A_395 = arith.constant 0 : i32
      %dma_start3A_396 = tpu.memref_slice %arg3[%dma_start3A_395, %multiple_of3A_376] : memref<32x1000000xf32, #tpu.memory_space<hbm>> -> memref<32x128xf32, #tpu.memory_space<hbm>>
      %dma_start3A_397 = arith.constant 0 : i32
      %dma_start3A_398 = arith.constant 0 : i32
      %dma_start3A_399 = tpu.memref_slice %arg13[%dma_start3A_390, %dma_start3A_397, %dma_start3A_398] : memref<8x32x128xf32, #tpu.memory_space<vmem>> -> memref<1x32x128xf32, #tpu.memory_space<vmem>>
      %dma_start3A_400 = tpu.memref_squeeze %dma_start3A_399 : memref<1x32x128xf32, #tpu.memory_space<vmem>> -> memref<32x128xf32, #tpu.memory_space<vmem>>
      %dma_start3A_401 = arith.constant 0 : i32
      %dma_start3A_402 = tpu.memref_slice %arg3[%dma_start3A_401, %multiple_of3A_376] : memref<32x1000000xf32, #tpu.memory_space<hbm>> -> memref<32x128xf32, #tpu.memory_space<hbm>>
      tpu.enqueue_dma source(%dma_start3A_402 : memref<32x128xf32, #tpu.memory_space<hbm>>) target(%dma_start3A_400 : memref<32x128xf32, #tpu.memory_space<vmem>>) target_semaphore(%arg18 : memref<!tpu.dma_semaphore, #tpu.memory_space<semaphore_mem>>)
      %dma_start3A_403 = arith.constant 5 : i32
      %dma_start3A_404 = arith.constant 0 : i32
      %dma_start3A_405 = arith.constant 0 : i32
      %dma_start3A_406 = tpu.memref_slice %arg14[%dma_start3A_403, %dma_start3A_404, %dma_start3A_405] : memref<8x1x128xf32, #tpu.memory_space<vmem>> -> memref<1x1x128xf32, #tpu.memory_space<vmem>>
      %dma_start3A_407 = tpu.memref_squeeze %dma_start3A_406 : memref<1x1x128xf32, #tpu.memory_space<vmem>> -> memref<1x128xf32, #tpu.memory_space<vmem>>
      %dma_start3A_408 = arith.constant 0 : i32
      %dma_start3A_409 = tpu.memref_slice %arg4[%dma_start3A_408, %multiple_of3A_371] : memref<1x1000000xf32, #tpu.memory_space<hbm>> -> memref<1x128xf32, #tpu.memory_space<hbm>>
      %dma_start3A_410 = arith.constant 0 : i32
      %dma_start3A_411 = arith.constant 0 : i32
      %dma_start3A_412 = tpu.memref_slice %arg14[%dma_start3A_403, %dma_start3A_410, %dma_start3A_411] : memref<8x1x128xf32, #tpu.memory_space<vmem>> -> memref<1x1x128xf32, #tpu.memory_space<vmem>>
      %dma_start3A_413 = tpu.memref_squeeze %dma_start3A_412 : memref<1x1x128xf32, #tpu.memory_space<vmem>> -> memref<1x128xf32, #tpu.memory_space<vmem>>
      %dma_start3A_414 = arith.constant 0 : i32
      %dma_start3A_415 = tpu.memref_slice %arg4[%dma_start3A_414, %multiple_of3A_371] : memref<1x1000000xf32, #tpu.memory_space<hbm>> -> memref<1x128xf32, #tpu.memory_space<hbm>>
      tpu.enqueue_dma source(%dma_start3A_415 : memref<1x128xf32, #tpu.memory_space<hbm>>) target(%dma_start3A_413 : memref<1x128xf32, #tpu.memory_space<vmem>>) target_semaphore(%arg19 : memref<!tpu.dma_semaphore, #tpu.memory_space<semaphore_mem>>)
      %dma_start3A_416 = arith.constant 5 : i32
      %dma_start3A_417 = arith.constant 0 : i32
      %dma_start3A_418 = arith.constant 0 : i32
      %dma_start3A_419 = tpu.memref_slice %arg15[%dma_start3A_416, %dma_start3A_417, %dma_start3A_418] : memref<8x1x128xf32, #tpu.memory_space<vmem>> -> memref<1x1x128xf32, #tpu.memory_space<vmem>>
      %dma_start3A_420 = tpu.memref_squeeze %dma_start3A_419 : memref<1x1x128xf32, #tpu.memory_space<vmem>> -> memref<1x128xf32, #tpu.memory_space<vmem>>
      %dma_start3A_421 = arith.constant 0 : i32
      %dma_start3A_422 = tpu.memref_slice %arg5[%dma_start3A_421, %multiple_of3A_376] : memref<1x1000000xf32, #tpu.memory_space<hbm>> -> memref<1x128xf32, #tpu.memory_space<hbm>>
      %dma_start3A_423 = arith.constant 0 : i32
      %dma_start3A_424 = arith.constant 0 : i32
      %dma_start3A_425 = tpu.memref_slice %arg15[%dma_start3A_416, %dma_start3A_423, %dma_start3A_424] : memref<8x1x128xf32, #tpu.memory_space<vmem>> -> memref<1x1x128xf32, #tpu.memory_space<vmem>>
      %dma_start3A_426 = tpu.memref_squeeze %dma_start3A_425 : memref<1x1x128xf32, #tpu.memory_space<vmem>> -> memref<1x128xf32, #tpu.memory_space<vmem>>
      %dma_start3A_427 = arith.constant 0 : i32
      %dma_start3A_428 = tpu.memref_slice %arg5[%dma_start3A_427, %multiple_of3A_376] : memref<1x1000000xf32, #tpu.memory_space<hbm>> -> memref<1x128xf32, #tpu.memory_space<hbm>>
      tpu.enqueue_dma source(%dma_start3A_428 : memref<1x128xf32, #tpu.memory_space<hbm>>) target(%dma_start3A_426 : memref<1x128xf32, #tpu.memory_space<vmem>>) target_semaphore(%arg19 : memref<!tpu.dma_semaphore, #tpu.memory_space<semaphore_mem>>)
      %slice3A_429 = vector.extract_strided_slice %get3A_32 {offsets = [6], sizes = [1], strides = [1]} : vector<16xi32> to vector<1xi32>
      %squeeze3A_430 = vector.extract %slice3A_429[0] : i32 from vector<1xi32>
      %slice3A_431 = vector.extract_strided_slice %get3A_36 {offsets = [6], sizes = [1], strides = [1]} : vector<16xi32> to vector<1xi32>
      %squeeze3A_432 = vector.extract %slice3A_431[0] : i32 from vector<1xi32>
      %shift_right_arithmetic3A_433 = arith.constant 7 : i32
      %shift_right_arithmetic3A_434 = arith.shrsi %squeeze3A_430, %shift_right_arithmetic3A_433 : i32
      %shift_left3A_435 = arith.constant 7 : i32
      %shift_left3A_436 = arith.shli %shift_right_arithmetic3A_434, %shift_left3A_435 : i32
      %multiple_of3A_437 = tpu.assume_multiple %shift_left3A_436, 128 : i32
      %shift_right_arithmetic3A_438 = arith.constant 7 : i32
      %shift_right_arithmetic3A_439 = arith.shrsi %squeeze3A_432, %shift_right_arithmetic3A_438 : i32
      %shift_left3A_440 = arith.constant 7 : i32
      %shift_left3A_441 = arith.shli %shift_right_arithmetic3A_439, %shift_left3A_440 : i32
      %multiple_of3A_442 = tpu.assume_multiple %shift_left3A_441, 128 : i32
      %dma_start3A_443 = arith.constant 6 : i32
      %dma_start3A_444 = arith.constant 0 : i32
      %dma_start3A_445 = arith.constant 0 : i32
      %dma_start3A_446 = tpu.memref_slice %arg12[%dma_start3A_443, %dma_start3A_444, %dma_start3A_445] : memref<8x32x128xf32, #tpu.memory_space<vmem>> -> memref<1x32x128xf32, #tpu.memory_space<vmem>>
      %dma_start3A_447 = tpu.memref_squeeze %dma_start3A_446 : memref<1x32x128xf32, #tpu.memory_space<vmem>> -> memref<32x128xf32, #tpu.memory_space<vmem>>
      %dma_start3A_448 = arith.constant 0 : i32
      %dma_start3A_449 = tpu.memref_slice %arg2[%dma_start3A_448, %multiple_of3A_437] : memref<32x1000000xf32, #tpu.memory_space<hbm>> -> memref<32x128xf32, #tpu.memory_space<hbm>>
      %dma_start3A_450 = arith.constant 0 : i32
      %dma_start3A_451 = arith.constant 0 : i32
      %dma_start3A_452 = tpu.memref_slice %arg12[%dma_start3A_443, %dma_start3A_450, %dma_start3A_451] : memref<8x32x128xf32, #tpu.memory_space<vmem>> -> memref<1x32x128xf32, #tpu.memory_space<vmem>>
      %dma_start3A_453 = tpu.memref_squeeze %dma_start3A_452 : memref<1x32x128xf32, #tpu.memory_space<vmem>> -> memref<32x128xf32, #tpu.memory_space<vmem>>
      %dma_start3A_454 = arith.constant 0 : i32
      %dma_start3A_455 = tpu.memref_slice %arg2[%dma_start3A_454, %multiple_of3A_437] : memref<32x1000000xf32, #tpu.memory_space<hbm>> -> memref<32x128xf32, #tpu.memory_space<hbm>>
      tpu.enqueue_dma source(%dma_start3A_455 : memref<32x128xf32, #tpu.memory_space<hbm>>) target(%dma_start3A_453 : memref<32x128xf32, #tpu.memory_space<vmem>>) target_semaphore(%arg18 : memref<!tpu.dma_semaphore, #tpu.memory_space<semaphore_mem>>)
      %dma_start3A_456 = arith.constant 6 : i32
      %dma_start3A_457 = arith.constant 0 : i32
      %dma_start3A_458 = arith.constant 0 : i32
      %dma_start3A_459 = tpu.memref_slice %arg13[%dma_start3A_456, %dma_start3A_457, %dma_start3A_458] : memref<8x32x128xf32, #tpu.memory_space<vmem>> -> memref<1x32x128xf32, #tpu.memory_space<vmem>>
      %dma_start3A_460 = tpu.memref_squeeze %dma_start3A_459 : memref<1x32x128xf32, #tpu.memory_space<vmem>> -> memref<32x128xf32, #tpu.memory_space<vmem>>
      %dma_start3A_461 = arith.constant 0 : i32
      %dma_start3A_462 = tpu.memref_slice %arg3[%dma_start3A_461, %multiple_of3A_442] : memref<32x1000000xf32, #tpu.memory_space<hbm>> -> memref<32x128xf32, #tpu.memory_space<hbm>>
      %dma_start3A_463 = arith.constant 0 : i32
      %dma_start3A_464 = arith.constant 0 : i32
      %dma_start3A_465 = tpu.memref_slice %arg13[%dma_start3A_456, %dma_start3A_463, %dma_start3A_464] : memref<8x32x128xf32, #tpu.memory_space<vmem>> -> memref<1x32x128xf32, #tpu.memory_space<vmem>>
      %dma_start3A_466 = tpu.memref_squeeze %dma_start3A_465 : memref<1x32x128xf32, #tpu.memory_space<vmem>> -> memref<32x128xf32, #tpu.memory_space<vmem>>
      %dma_start3A_467 = arith.constant 0 : i32
      %dma_start3A_468 = tpu.memref_slice %arg3[%dma_start3A_467, %multiple_of3A_442] : memref<32x1000000xf32, #tpu.memory_space<hbm>> -> memref<32x128xf32, #tpu.memory_space<hbm>>
      tpu.enqueue_dma source(%dma_start3A_468 : memref<32x128xf32, #tpu.memory_space<hbm>>) target(%dma_start3A_466 : memref<32x128xf32, #tpu.memory_space<vmem>>) target_semaphore(%arg18 : memref<!tpu.dma_semaphore, #tpu.memory_space<semaphore_mem>>)
      %dma_start3A_469 = arith.constant 6 : i32
      %dma_start3A_470 = arith.constant 0 : i32
      %dma_start3A_471 = arith.constant 0 : i32
      %dma_start3A_472 = tpu.memref_slice %arg14[%dma_start3A_469, %dma_start3A_470, %dma_start3A_471] : memref<8x1x128xf32, #tpu.memory_space<vmem>> -> memref<1x1x128xf32, #tpu.memory_space<vmem>>
      %dma_start3A_473 = tpu.memref_squeeze %dma_start3A_472 : memref<1x1x128xf32, #tpu.memory_space<vmem>> -> memref<1x128xf32, #tpu.memory_space<vmem>>
      %dma_start3A_474 = arith.constant 0 : i32
      %dma_start3A_475 = tpu.memref_slice %arg4[%dma_start3A_474, %multiple_of3A_437] : memref<1x1000000xf32, #tpu.memory_space<hbm>> -> memref<1x128xf32, #tpu.memory_space<hbm>>
      %dma_start3A_476 = arith.constant 0 : i32
      %dma_start3A_477 = arith.constant 0 : i32
      %dma_start3A_478 = tpu.memref_slice %arg14[%dma_start3A_469, %dma_start3A_476, %dma_start3A_477] : memref<8x1x128xf32, #tpu.memory_space<vmem>> -> memref<1x1x128xf32, #tpu.memory_space<vmem>>
      %dma_start3A_479 = tpu.memref_squeeze %dma_start3A_478 : memref<1x1x128xf32, #tpu.memory_space<vmem>> -> memref<1x128xf32, #tpu.memory_space<vmem>>
      %dma_start3A_480 = arith.constant 0 : i32
      %dma_start3A_481 = tpu.memref_slice %arg4[%dma_start3A_480, %multiple_of3A_437] : memref<1x1000000xf32, #tpu.memory_space<hbm>> -> memref<1x128xf32, #tpu.memory_space<hbm>>
      tpu.enqueue_dma source(%dma_start3A_481 : memref<1x128xf32, #tpu.memory_space<hbm>>) target(%dma_start3A_479 : memref<1x128xf32, #tpu.memory_space<vmem>>) target_semaphore(%arg19 : memref<!tpu.dma_semaphore, #tpu.memory_space<semaphore_mem>>)
      %dma_start3A_482 = arith.constant 6 : i32
      %dma_start3A_483 = arith.constant 0 : i32
      %dma_start3A_484 = arith.constant 0 : i32
      %dma_start3A_485 = tpu.memref_slice %arg15[%dma_start3A_482, %dma_start3A_483, %dma_start3A_484] : memref<8x1x128xf32, #tpu.memory_space<vmem>> -> memref<1x1x128xf32, #tpu.memory_space<vmem>>
      %dma_start3A_486 = tpu.memref_squeeze %dma_start3A_485 : memref<1x1x128xf32, #tpu.memory_space<vmem>> -> memref<1x128xf32, #tpu.memory_space<vmem>>
      %dma_start3A_487 = arith.constant 0 : i32
      %dma_start3A_488 = tpu.memref_slice %arg5[%dma_start3A_487, %multiple_of3A_442] : memref<1x1000000xf32, #tpu.memory_space<hbm>> -> memref<1x128xf32, #tpu.memory_space<hbm>>
      %dma_start3A_489 = arith.constant 0 : i32
      %dma_start3A_490 = arith.constant 0 : i32
      %dma_start3A_491 = tpu.memref_slice %arg15[%dma_start3A_482, %dma_start3A_489, %dma_start3A_490] : memref<8x1x128xf32, #tpu.memory_space<vmem>> -> memref<1x1x128xf32, #tpu.memory_space<vmem>>
      %dma_start3A_492 = tpu.memref_squeeze %dma_start3A_491 : memref<1x1x128xf32, #tpu.memory_space<vmem>> -> memref<1x128xf32, #tpu.memory_space<vmem>>
      %dma_start3A_493 = arith.constant 0 : i32
      %dma_start3A_494 = tpu.memref_slice %arg5[%dma_start3A_493, %multiple_of3A_442] : memref<1x1000000xf32, #tpu.memory_space<hbm>> -> memref<1x128xf32, #tpu.memory_space<hbm>>
      tpu.enqueue_dma source(%dma_start3A_494 : memref<1x128xf32, #tpu.memory_space<hbm>>) target(%dma_start3A_492 : memref<1x128xf32, #tpu.memory_space<vmem>>) target_semaphore(%arg19 : memref<!tpu.dma_semaphore, #tpu.memory_space<semaphore_mem>>)
      %slice3A_495 = vector.extract_strided_slice %get3A_32 {offsets = [7], sizes = [1], strides = [1]} : vector<16xi32> to vector<1xi32>
      %squeeze3A_496 = vector.extract %slice3A_495[0] : i32 from vector<1xi32>
      %slice3A_497 = vector.extract_strided_slice %get3A_36 {offsets = [7], sizes = [1], strides = [1]} : vector<16xi32> to vector<1xi32>
      %squeeze3A_498 = vector.extract %slice3A_497[0] : i32 from vector<1xi32>
      %shift_right_arithmetic3A_499 = arith.constant 7 : i32
      %shift_right_arithmetic3A_500 = arith.shrsi %squeeze3A_496, %shift_right_arithmetic3A_499 : i32
      %shift_left3A_501 = arith.constant 7 : i32
      %shift_left3A_502 = arith.shli %shift_right_arithmetic3A_500, %shift_left3A_501 : i32
      %multiple_of3A_503 = tpu.assume_multiple %shift_left3A_502, 128 : i32
      %shift_right_arithmetic3A_504 = arith.constant 7 : i32
      %shift_right_arithmetic3A_505 = arith.shrsi %squeeze3A_498, %shift_right_arithmetic3A_504 : i32
      %shift_left3A_506 = arith.constant 7 : i32
      %shift_left3A_507 = arith.shli %shift_right_arithmetic3A_505, %shift_left3A_506 : i32
      %multiple_of3A_508 = tpu.assume_multiple %shift_left3A_507, 128 : i32
      %dma_start3A_509 = arith.constant 7 : i32
      %dma_start3A_510 = arith.constant 0 : i32
      %dma_start3A_511 = arith.constant 0 : i32
      %dma_start3A_512 = tpu.memref_slice %arg12[%dma_start3A_509, %dma_start3A_510, %dma_start3A_511] : memref<8x32x128xf32, #tpu.memory_space<vmem>> -> memref<1x32x128xf32, #tpu.memory_space<vmem>>
      %dma_start3A_513 = tpu.memref_squeeze %dma_start3A_512 : memref<1x32x128xf32, #tpu.memory_space<vmem>> -> memref<32x128xf32, #tpu.memory_space<vmem>>
      %dma_start3A_514 = arith.constant 0 : i32
      %dma_start3A_515 = tpu.memref_slice %arg2[%dma_start3A_514, %multiple_of3A_503] : memref<32x1000000xf32, #tpu.memory_space<hbm>> -> memref<32x128xf32, #tpu.memory_space<hbm>>
      %dma_start3A_516 = arith.constant 0 : i32
      %dma_start3A_517 = arith.constant 0 : i32
      %dma_start3A_518 = tpu.memref_slice %arg12[%dma_start3A_509, %dma_start3A_516, %dma_start3A_517] : memref<8x32x128xf32, #tpu.memory_space<vmem>> -> memref<1x32x128xf32, #tpu.memory_space<vmem>>
      %dma_start3A_519 = tpu.memref_squeeze %dma_start3A_518 : memref<1x32x128xf32, #tpu.memory_space<vmem>> -> memref<32x128xf32, #tpu.memory_space<vmem>>
      %dma_start3A_520 = arith.constant 0 : i32
      %dma_start3A_521 = tpu.memref_slice %arg2[%dma_start3A_520, %multiple_of3A_503] : memref<32x1000000xf32, #tpu.memory_space<hbm>> -> memref<32x128xf32, #tpu.memory_space<hbm>>
      tpu.enqueue_dma source(%dma_start3A_521 : memref<32x128xf32, #tpu.memory_space<hbm>>) target(%dma_start3A_519 : memref<32x128xf32, #tpu.memory_space<vmem>>) target_semaphore(%arg18 : memref<!tpu.dma_semaphore, #tpu.memory_space<semaphore_mem>>)
      %dma_start3A_522 = arith.constant 7 : i32
      %dma_start3A_523 = arith.constant 0 : i32
      %dma_start3A_524 = arith.constant 0 : i32
      %dma_start3A_525 = tpu.memref_slice %arg13[%dma_start3A_522, %dma_start3A_523, %dma_start3A_524] : memref<8x32x128xf32, #tpu.memory_space<vmem>> -> memref<1x32x128xf32, #tpu.memory_space<vmem>>
      %dma_start3A_526 = tpu.memref_squeeze %dma_start3A_525 : memref<1x32x128xf32, #tpu.memory_space<vmem>> -> memref<32x128xf32, #tpu.memory_space<vmem>>
      %dma_start3A_527 = arith.constant 0 : i32
      %dma_start3A_528 = tpu.memref_slice %arg3[%dma_start3A_527, %multiple_of3A_508] : memref<32x1000000xf32, #tpu.memory_space<hbm>> -> memref<32x128xf32, #tpu.memory_space<hbm>>
      %dma_start3A_529 = arith.constant 0 : i32
      %dma_start3A_530 = arith.constant 0 : i32
      %dma_start3A_531 = tpu.memref_slice %arg13[%dma_start3A_522, %dma_start3A_529, %dma_start3A_530] : memref<8x32x128xf32, #tpu.memory_space<vmem>> -> memref<1x32x128xf32, #tpu.memory_space<vmem>>
      %dma_start3A_532 = tpu.memref_squeeze %dma_start3A_531 : memref<1x32x128xf32, #tpu.memory_space<vmem>> -> memref<32x128xf32, #tpu.memory_space<vmem>>
      %dma_start3A_533 = arith.constant 0 : i32
      %dma_start3A_534 = tpu.memref_slice %arg3[%dma_start3A_533, %multiple_of3A_508] : memref<32x1000000xf32, #tpu.memory_space<hbm>> -> memref<32x128xf32, #tpu.memory_space<hbm>>
      tpu.enqueue_dma source(%dma_start3A_534 : memref<32x128xf32, #tpu.memory_space<hbm>>) target(%dma_start3A_532 : memref<32x128xf32, #tpu.memory_space<vmem>>) target_semaphore(%arg18 : memref<!tpu.dma_semaphore, #tpu.memory_space<semaphore_mem>>)
      %dma_start3A_535 = arith.constant 7 : i32
      %dma_start3A_536 = arith.constant 0 : i32
      %dma_start3A_537 = arith.constant 0 : i32
      %dma_start3A_538 = tpu.memref_slice %arg14[%dma_start3A_535, %dma_start3A_536, %dma_start3A_537] : memref<8x1x128xf32, #tpu.memory_space<vmem>> -> memref<1x1x128xf32, #tpu.memory_space<vmem>>
      %dma_start3A_539 = tpu.memref_squeeze %dma_start3A_538 : memref<1x1x128xf32, #tpu.memory_space<vmem>> -> memref<1x128xf32, #tpu.memory_space<vmem>>
      %dma_start3A_540 = arith.constant 0 : i32
      %dma_start3A_541 = tpu.memref_slice %arg4[%dma_start3A_540, %multiple_of3A_503] : memref<1x1000000xf32, #tpu.memory_space<hbm>> -> memref<1x128xf32, #tpu.memory_space<hbm>>
      %dma_start3A_542 = arith.constant 0 : i32
      %dma_start3A_543 = arith.constant 0 : i32
      %dma_start3A_544 = tpu.memref_slice %arg14[%dma_start3A_535, %dma_start3A_542, %dma_start3A_543] : memref<8x1x128xf32, #tpu.memory_space<vmem>> -> memref<1x1x128xf32, #tpu.memory_space<vmem>>
      %dma_start3A_545 = tpu.memref_squeeze %dma_start3A_544 : memref<1x1x128xf32, #tpu.memory_space<vmem>> -> memref<1x128xf32, #tpu.memory_space<vmem>>
      %dma_start3A_546 = arith.constant 0 : i32
      %dma_start3A_547 = tpu.memref_slice %arg4[%dma_start3A_546, %multiple_of3A_503] : memref<1x1000000xf32, #tpu.memory_space<hbm>> -> memref<1x128xf32, #tpu.memory_space<hbm>>
      tpu.enqueue_dma source(%dma_start3A_547 : memref<1x128xf32, #tpu.memory_space<hbm>>) target(%dma_start3A_545 : memref<1x128xf32, #tpu.memory_space<vmem>>) target_semaphore(%arg19 : memref<!tpu.dma_semaphore, #tpu.memory_space<semaphore_mem>>)
      %dma_start3A_548 = arith.constant 7 : i32
      %dma_start3A_549 = arith.constant 0 : i32
      %dma_start3A_550 = arith.constant 0 : i32
      %dma_start3A_551 = tpu.memref_slice %arg15[%dma_start3A_548, %dma_start3A_549, %dma_start3A_550] : memref<8x1x128xf32, #tpu.memory_space<vmem>> -> memref<1x1x128xf32, #tpu.memory_space<vmem>>
      %dma_start3A_552 = tpu.memref_squeeze %dma_start3A_551 : memref<1x1x128xf32, #tpu.memory_space<vmem>> -> memref<1x128xf32, #tpu.memory_space<vmem>>
      %dma_start3A_553 = arith.constant 0 : i32
      %dma_start3A_554 = tpu.memref_slice %arg5[%dma_start3A_553, %multiple_of3A_508] : memref<1x1000000xf32, #tpu.memory_space<hbm>> -> memref<1x128xf32, #tpu.memory_space<hbm>>
      %dma_start3A_555 = arith.constant 0 : i32
      %dma_start3A_556 = arith.constant 0 : i32
      %dma_start3A_557 = tpu.memref_slice %arg15[%dma_start3A_548, %dma_start3A_555, %dma_start3A_556] : memref<8x1x128xf32, #tpu.memory_space<vmem>> -> memref<1x1x128xf32, #tpu.memory_space<vmem>>
      %dma_start3A_558 = tpu.memref_squeeze %dma_start3A_557 : memref<1x1x128xf32, #tpu.memory_space<vmem>> -> memref<1x128xf32, #tpu.memory_space<vmem>>
      %dma_start3A_559 = arith.constant 0 : i32
      %dma_start3A_560 = tpu.memref_slice %arg5[%dma_start3A_559, %multiple_of3A_508] : memref<1x1000000xf32, #tpu.memory_space<hbm>> -> memref<1x128xf32, #tpu.memory_space<hbm>>
      tpu.enqueue_dma source(%dma_start3A_560 : memref<1x128xf32, #tpu.memory_space<hbm>>) target(%dma_start3A_558 : memref<1x128xf32, #tpu.memory_space<vmem>>) target_semaphore(%arg19 : memref<!tpu.dma_semaphore, #tpu.memory_space<semaphore_mem>>)
      %dma_wait3A = arith.constant 0 : i32
      %dma_wait3A_561 = arith.constant 0 : i32
      %dma_wait3A_562 = arith.constant 0 : i32
      %dma_wait3A_563 = tpu.memref_slice %arg12[%dma_wait3A, %dma_wait3A_561, %dma_wait3A_562] : memref<8x32x128xf32, #tpu.memory_space<vmem>> -> memref<1x32x128xf32, #tpu.memory_space<vmem>>
      %dma_wait3A_564 = tpu.memref_squeeze %dma_wait3A_563 : memref<1x32x128xf32, #tpu.memory_space<vmem>> -> memref<32x128xf32, #tpu.memory_space<vmem>>
      %dma_wait3A_565 = arith.constant 0 : i32
      %dma_wait3A_566 = tpu.memref_slice %arg2[%dma_wait3A_565, %multiple_of3A] : memref<32x1000000xf32, #tpu.memory_space<hbm>> -> memref<32x128xf32, #tpu.memory_space<hbm>>
      %dma_wait3A_567 = arith.constant 0 : i32
      %dma_wait3A_568 = arith.constant 0 : i32
      %dma_wait3A_569 = tpu.memref_slice %arg12[%dma_wait3A, %dma_wait3A_567, %dma_wait3A_568] : memref<8x32x128xf32, #tpu.memory_space<vmem>> -> memref<1x32x128xf32, #tpu.memory_space<vmem>>
      %dma_wait3A_570 = tpu.memref_squeeze %dma_wait3A_569 : memref<1x32x128xf32, #tpu.memory_space<vmem>> -> memref<32x128xf32, #tpu.memory_space<vmem>>
      %dma_wait3A_571 = arith.constant 0 : i32
      %dma_wait3A_572 = tpu.memref_slice %arg2[%dma_wait3A_571, %multiple_of3A] : memref<32x1000000xf32, #tpu.memory_space<hbm>> -> memref<32x128xf32, #tpu.memory_space<hbm>>
      tpu.wait_dma2 semaphore(%arg18 : memref<!tpu.dma_semaphore, #tpu.memory_space<semaphore_mem>>) src(%dma_wait3A_572 : memref<32x128xf32, #tpu.memory_space<hbm>>) dst(%dma_wait3A_570 : memref<32x128xf32, #tpu.memory_space<vmem>>)
      %dma_wait3A_573 = arith.constant 0 : i32
      %dma_wait3A_574 = arith.constant 0 : i32
      %dma_wait3A_575 = arith.constant 0 : i32
      %dma_wait3A_576 = tpu.memref_slice %arg13[%dma_wait3A_573, %dma_wait3A_574, %dma_wait3A_575] : memref<8x32x128xf32, #tpu.memory_space<vmem>> -> memref<1x32x128xf32, #tpu.memory_space<vmem>>
      %dma_wait3A_577 = tpu.memref_squeeze %dma_wait3A_576 : memref<1x32x128xf32, #tpu.memory_space<vmem>> -> memref<32x128xf32, #tpu.memory_space<vmem>>
      %dma_wait3A_578 = arith.constant 0 : i32
      %dma_wait3A_579 = tpu.memref_slice %arg3[%dma_wait3A_578, %multiple_of3A_47] : memref<32x1000000xf32, #tpu.memory_space<hbm>> -> memref<32x128xf32, #tpu.memory_space<hbm>>
      %dma_wait3A_580 = arith.constant 0 : i32
      %dma_wait3A_581 = arith.constant 0 : i32
      %dma_wait3A_582 = tpu.memref_slice %arg13[%dma_wait3A_573, %dma_wait3A_580, %dma_wait3A_581] : memref<8x32x128xf32, #tpu.memory_space<vmem>> -> memref<1x32x128xf32, #tpu.memory_space<vmem>>
      %dma_wait3A_583 = tpu.memref_squeeze %dma_wait3A_582 : memref<1x32x128xf32, #tpu.memory_space<vmem>> -> memref<32x128xf32, #tpu.memory_space<vmem>>
      %dma_wait3A_584 = arith.constant 0 : i32
      %dma_wait3A_585 = tpu.memref_slice %arg3[%dma_wait3A_584, %multiple_of3A_47] : memref<32x1000000xf32, #tpu.memory_space<hbm>> -> memref<32x128xf32, #tpu.memory_space<hbm>>
      tpu.wait_dma2 semaphore(%arg18 : memref<!tpu.dma_semaphore, #tpu.memory_space<semaphore_mem>>) src(%dma_wait3A_585 : memref<32x128xf32, #tpu.memory_space<hbm>>) dst(%dma_wait3A_583 : memref<32x128xf32, #tpu.memory_space<vmem>>)
      %dma_wait3A_586 = arith.constant 0 : i32
      %dma_wait3A_587 = arith.constant 0 : i32
      %dma_wait3A_588 = arith.constant 0 : i32
      %dma_wait3A_589 = tpu.memref_slice %arg14[%dma_wait3A_586, %dma_wait3A_587, %dma_wait3A_588] : memref<8x1x128xf32, #tpu.memory_space<vmem>> -> memref<1x1x128xf32, #tpu.memory_space<vmem>>
      %dma_wait3A_590 = tpu.memref_squeeze %dma_wait3A_589 : memref<1x1x128xf32, #tpu.memory_space<vmem>> -> memref<1x128xf32, #tpu.memory_space<vmem>>
      %dma_wait3A_591 = arith.constant 0 : i32
      %dma_wait3A_592 = tpu.memref_slice %arg4[%dma_wait3A_591, %multiple_of3A] : memref<1x1000000xf32, #tpu.memory_space<hbm>> -> memref<1x128xf32, #tpu.memory_space<hbm>>
      %dma_wait3A_593 = arith.constant 0 : i32
      %dma_wait3A_594 = arith.constant 0 : i32
      %dma_wait3A_595 = tpu.memref_slice %arg14[%dma_wait3A_586, %dma_wait3A_593, %dma_wait3A_594] : memref<8x1x128xf32, #tpu.memory_space<vmem>> -> memref<1x1x128xf32, #tpu.memory_space<vmem>>
      %dma_wait3A_596 = tpu.memref_squeeze %dma_wait3A_595 : memref<1x1x128xf32, #tpu.memory_space<vmem>> -> memref<1x128xf32, #tpu.memory_space<vmem>>
      %dma_wait3A_597 = arith.constant 0 : i32
      %dma_wait3A_598 = tpu.memref_slice %arg4[%dma_wait3A_597, %multiple_of3A] : memref<1x1000000xf32, #tpu.memory_space<hbm>> -> memref<1x128xf32, #tpu.memory_space<hbm>>
      tpu.wait_dma2 semaphore(%arg19 : memref<!tpu.dma_semaphore, #tpu.memory_space<semaphore_mem>>) src(%dma_wait3A_598 : memref<1x128xf32, #tpu.memory_space<hbm>>) dst(%dma_wait3A_596 : memref<1x128xf32, #tpu.memory_space<vmem>>)
      %dma_wait3A_599 = arith.constant 0 : i32
      %dma_wait3A_600 = arith.constant 0 : i32
      %dma_wait3A_601 = arith.constant 0 : i32
      %dma_wait3A_602 = tpu.memref_slice %arg15[%dma_wait3A_599, %dma_wait3A_600, %dma_wait3A_601] : memref<8x1x128xf32, #tpu.memory_space<vmem>> -> memref<1x1x128xf32, #tpu.memory_space<vmem>>
      %dma_wait3A_603 = tpu.memref_squeeze %dma_wait3A_602 : memref<1x1x128xf32, #tpu.memory_space<vmem>> -> memref<1x128xf32, #tpu.memory_space<vmem>>
      %dma_wait3A_604 = arith.constant 0 : i32
      %dma_wait3A_605 = tpu.memref_slice %arg5[%dma_wait3A_604, %multiple_of3A_47] : memref<1x1000000xf32, #tpu.memory_space<hbm>> -> memref<1x128xf32, #tpu.memory_space<hbm>>
      %dma_wait3A_606 = arith.constant 0 : i32
      %dma_wait3A_607 = arith.constant 0 : i32
      %dma_wait3A_608 = tpu.memref_slice %arg15[%dma_wait3A_599, %dma_wait3A_606, %dma_wait3A_607] : memref<8x1x128xf32, #tpu.memory_space<vmem>> -> memref<1x1x128xf32, #tpu.memory_space<vmem>>
      %dma_wait3A_609 = tpu.memref_squeeze %dma_wait3A_608 : memref<1x1x128xf32, #tpu.memory_space<vmem>> -> memref<1x128xf32, #tpu.memory_space<vmem>>
      %dma_wait3A_610 = arith.constant 0 : i32
      %dma_wait3A_611 = tpu.memref_slice %arg5[%dma_wait3A_610, %multiple_of3A_47] : memref<1x1000000xf32, #tpu.memory_space<hbm>> -> memref<1x128xf32, #tpu.memory_space<hbm>>
      tpu.wait_dma2 semaphore(%arg19 : memref<!tpu.dma_semaphore, #tpu.memory_space<semaphore_mem>>) src(%dma_wait3A_611 : memref<1x128xf32, #tpu.memory_space<hbm>>) dst(%dma_wait3A_609 : memref<1x128xf32, #tpu.memory_space<vmem>>)
      %dma_wait3A_612 = arith.constant 1 : i32
      %dma_wait3A_613 = arith.constant 0 : i32
      %dma_wait3A_614 = arith.constant 0 : i32
      %dma_wait3A_615 = tpu.memref_slice %arg12[%dma_wait3A_612, %dma_wait3A_613, %dma_wait3A_614] : memref<8x32x128xf32, #tpu.memory_space<vmem>> -> memref<1x32x128xf32, #tpu.memory_space<vmem>>
      %dma_wait3A_616 = tpu.memref_squeeze %dma_wait3A_615 : memref<1x32x128xf32, #tpu.memory_space<vmem>> -> memref<32x128xf32, #tpu.memory_space<vmem>>
      %dma_wait3A_617 = arith.constant 0 : i32
      %dma_wait3A_618 = tpu.memref_slice %arg2[%dma_wait3A_617, %multiple_of3A_107] : memref<32x1000000xf32, #tpu.memory_space<hbm>> -> memref<32x128xf32, #tpu.memory_space<hbm>>
      %dma_wait3A_619 = arith.constant 0 : i32
      %dma_wait3A_620 = arith.constant 0 : i32
      %dma_wait3A_621 = tpu.memref_slice %arg12[%dma_wait3A_612, %dma_wait3A_619, %dma_wait3A_620] : memref<8x32x128xf32, #tpu.memory_space<vmem>> -> memref<1x32x128xf32, #tpu.memory_space<vmem>>
      %dma_wait3A_622 = tpu.memref_squeeze %dma_wait3A_621 : memref<1x32x128xf32, #tpu.memory_space<vmem>> -> memref<32x128xf32, #tpu.memory_space<vmem>>
      %dma_wait3A_623 = arith.constant 0 : i32
      %dma_wait3A_624 = tpu.memref_slice %arg2[%dma_wait3A_623, %multiple_of3A_107] : memref<32x1000000xf32, #tpu.memory_space<hbm>> -> memref<32x128xf32, #tpu.memory_space<hbm>>
      tpu.wait_dma2 semaphore(%arg18 : memref<!tpu.dma_semaphore, #tpu.memory_space<semaphore_mem>>) src(%dma_wait3A_624 : memref<32x128xf32, #tpu.memory_space<hbm>>) dst(%dma_wait3A_622 : memref<32x128xf32, #tpu.memory_space<vmem>>)
      %dma_wait3A_625 = arith.constant 1 : i32
      %dma_wait3A_626 = arith.constant 0 : i32
      %dma_wait3A_627 = arith.constant 0 : i32
      %dma_wait3A_628 = tpu.memref_slice %arg13[%dma_wait3A_625, %dma_wait3A_626, %dma_wait3A_627] : memref<8x32x128xf32, #tpu.memory_space<vmem>> -> memref<1x32x128xf32, #tpu.memory_space<vmem>>
      %dma_wait3A_629 = tpu.memref_squeeze %dma_wait3A_628 : memref<1x32x128xf32, #tpu.memory_space<vmem>> -> memref<32x128xf32, #tpu.memory_space<vmem>>
      %dma_wait3A_630 = arith.constant 0 : i32
      %dma_wait3A_631 = tpu.memref_slice %arg3[%dma_wait3A_630, %multiple_of3A_112] : memref<32x1000000xf32, #tpu.memory_space<hbm>> -> memref<32x128xf32, #tpu.memory_space<hbm>>
      %dma_wait3A_632 = arith.constant 0 : i32
      %dma_wait3A_633 = arith.constant 0 : i32
      %dma_wait3A_634 = tpu.memref_slice %arg13[%dma_wait3A_625, %dma_wait3A_632, %dma_wait3A_633] : memref<8x32x128xf32, #tpu.memory_space<vmem>> -> memref<1x32x128xf32, #tpu.memory_space<vmem>>
      %dma_wait3A_635 = tpu.memref_squeeze %dma_wait3A_634 : memref<1x32x128xf32, #tpu.memory_space<vmem>> -> memref<32x128xf32, #tpu.memory_space<vmem>>
      %dma_wait3A_636 = arith.constant 0 : i32
      %dma_wait3A_637 = tpu.memref_slice %arg3[%dma_wait3A_636, %multiple_of3A_112] : memref<32x1000000xf32, #tpu.memory_space<hbm>> -> memref<32x128xf32, #tpu.memory_space<hbm>>
      tpu.wait_dma2 semaphore(%arg18 : memref<!tpu.dma_semaphore, #tpu.memory_space<semaphore_mem>>) src(%dma_wait3A_637 : memref<32x128xf32, #tpu.memory_space<hbm>>) dst(%dma_wait3A_635 : memref<32x128xf32, #tpu.memory_space<vmem>>)
      %dma_wait3A_638 = arith.constant 1 : i32
      %dma_wait3A_639 = arith.constant 0 : i32
      %dma_wait3A_640 = arith.constant 0 : i32
      %dma_wait3A_641 = tpu.memref_slice %arg14[%dma_wait3A_638, %dma_wait3A_639, %dma_wait3A_640] : memref<8x1x128xf32, #tpu.memory_space<vmem>> -> memref<1x1x128xf32, #tpu.memory_space<vmem>>
      %dma_wait3A_642 = tpu.memref_squeeze %dma_wait3A_641 : memref<1x1x128xf32, #tpu.memory_space<vmem>> -> memref<1x128xf32, #tpu.memory_space<vmem>>
      %dma_wait3A_643 = arith.constant 0 : i32
      %dma_wait3A_644 = tpu.memref_slice %arg4[%dma_wait3A_643, %multiple_of3A_107] : memref<1x1000000xf32, #tpu.memory_space<hbm>> -> memref<1x128xf32, #tpu.memory_space<hbm>>
      %dma_wait3A_645 = arith.constant 0 : i32
      %dma_wait3A_646 = arith.constant 0 : i32
      %dma_wait3A_647 = tpu.memref_slice %arg14[%dma_wait3A_638, %dma_wait3A_645, %dma_wait3A_646] : memref<8x1x128xf32, #tpu.memory_space<vmem>> -> memref<1x1x128xf32, #tpu.memory_space<vmem>>
      %dma_wait3A_648 = tpu.memref_squeeze %dma_wait3A_647 : memref<1x1x128xf32, #tpu.memory_space<vmem>> -> memref<1x128xf32, #tpu.memory_space<vmem>>
      %dma_wait3A_649 = arith.constant 0 : i32
      %dma_wait3A_650 = tpu.memref_slice %arg4[%dma_wait3A_649, %multiple_of3A_107] : memref<1x1000000xf32, #tpu.memory_space<hbm>> -> memref<1x128xf32, #tpu.memory_space<hbm>>
      tpu.wait_dma2 semaphore(%arg19 : memref<!tpu.dma_semaphore, #tpu.memory_space<semaphore_mem>>) src(%dma_wait3A_650 : memref<1x128xf32, #tpu.memory_space<hbm>>) dst(%dma_wait3A_648 : memref<1x128xf32, #tpu.memory_space<vmem>>)
      %dma_wait3A_651 = arith.constant 1 : i32
      %dma_wait3A_652 = arith.constant 0 : i32
      %dma_wait3A_653 = arith.constant 0 : i32
      %dma_wait3A_654 = tpu.memref_slice %arg15[%dma_wait3A_651, %dma_wait3A_652, %dma_wait3A_653] : memref<8x1x128xf32, #tpu.memory_space<vmem>> -> memref<1x1x128xf32, #tpu.memory_space<vmem>>
      %dma_wait3A_655 = tpu.memref_squeeze %dma_wait3A_654 : memref<1x1x128xf32, #tpu.memory_space<vmem>> -> memref<1x128xf32, #tpu.memory_space<vmem>>
      %dma_wait3A_656 = arith.constant 0 : i32
      %dma_wait3A_657 = tpu.memref_slice %arg5[%dma_wait3A_656, %multiple_of3A_112] : memref<1x1000000xf32, #tpu.memory_space<hbm>> -> memref<1x128xf32, #tpu.memory_space<hbm>>
      %dma_wait3A_658 = arith.constant 0 : i32
      %dma_wait3A_659 = arith.constant 0 : i32
      %dma_wait3A_660 = tpu.memref_slice %arg15[%dma_wait3A_651, %dma_wait3A_658, %dma_wait3A_659] : memref<8x1x128xf32, #tpu.memory_space<vmem>> -> memref<1x1x128xf32, #tpu.memory_space<vmem>>
      %dma_wait3A_661 = tpu.memref_squeeze %dma_wait3A_660 : memref<1x1x128xf32, #tpu.memory_space<vmem>> -> memref<1x128xf32, #tpu.memory_space<vmem>>
      %dma_wait3A_662 = arith.constant 0 : i32
      %dma_wait3A_663 = tpu.memref_slice %arg5[%dma_wait3A_662, %multiple_of3A_112] : memref<1x1000000xf32, #tpu.memory_space<hbm>> -> memref<1x128xf32, #tpu.memory_space<hbm>>
      tpu.wait_dma2 semaphore(%arg19 : memref<!tpu.dma_semaphore, #tpu.memory_space<semaphore_mem>>) src(%dma_wait3A_663 : memref<1x128xf32, #tpu.memory_space<hbm>>) dst(%dma_wait3A_661 : memref<1x128xf32, #tpu.memory_space<vmem>>)
      %dma_wait3A_664 = arith.constant 2 : i32
      %dma_wait3A_665 = arith.constant 0 : i32
      %dma_wait3A_666 = arith.constant 0 : i32
      %dma_wait3A_667 = tpu.memref_slice %arg12[%dma_wait3A_664, %dma_wait3A_665, %dma_wait3A_666] : memref<8x32x128xf32, #tpu.memory_space<vmem>> -> memref<1x32x128xf32, #tpu.memory_space<vmem>>
      %dma_wait3A_668 = tpu.memref_squeeze %dma_wait3A_667 : memref<1x32x128xf32, #tpu.memory_space<vmem>> -> memref<32x128xf32, #tpu.memory_space<vmem>>
      %dma_wait3A_669 = arith.constant 0 : i32
      %dma_wait3A_670 = tpu.memref_slice %arg2[%dma_wait3A_669, %multiple_of3A_173] : memref<32x1000000xf32, #tpu.memory_space<hbm>> -> memref<32x128xf32, #tpu.memory_space<hbm>>
      %dma_wait3A_671 = arith.constant 0 : i32
      %dma_wait3A_672 = arith.constant 0 : i32
      %dma_wait3A_673 = tpu.memref_slice %arg12[%dma_wait3A_664, %dma_wait3A_671, %dma_wait3A_672] : memref<8x32x128xf32, #tpu.memory_space<vmem>> -> memref<1x32x128xf32, #tpu.memory_space<vmem>>
      %dma_wait3A_674 = tpu.memref_squeeze %dma_wait3A_673 : memref<1x32x128xf32, #tpu.memory_space<vmem>> -> memref<32x128xf32, #tpu.memory_space<vmem>>
      %dma_wait3A_675 = arith.constant 0 : i32
      %dma_wait3A_676 = tpu.memref_slice %arg2[%dma_wait3A_675, %multiple_of3A_173] : memref<32x1000000xf32, #tpu.memory_space<hbm>> -> memref<32x128xf32, #tpu.memory_space<hbm>>
      tpu.wait_dma2 semaphore(%arg18 : memref<!tpu.dma_semaphore, #tpu.memory_space<semaphore_mem>>) src(%dma_wait3A_676 : memref<32x128xf32, #tpu.memory_space<hbm>>) dst(%dma_wait3A_674 : memref<32x128xf32, #tpu.memory_space<vmem>>)
      %dma_wait3A_677 = arith.constant 2 : i32
      %dma_wait3A_678 = arith.constant 0 : i32
      %dma_wait3A_679 = arith.constant 0 : i32
      %dma_wait3A_680 = tpu.memref_slice %arg13[%dma_wait3A_677, %dma_wait3A_678, %dma_wait3A_679] : memref<8x32x128xf32, #tpu.memory_space<vmem>> -> memref<1x32x128xf32, #tpu.memory_space<vmem>>
      %dma_wait3A_681 = tpu.memref_squeeze %dma_wait3A_680 : memref<1x32x128xf32, #tpu.memory_space<vmem>> -> memref<32x128xf32, #tpu.memory_space<vmem>>
      %dma_wait3A_682 = arith.constant 0 : i32
      %dma_wait3A_683 = tpu.memref_slice %arg3[%dma_wait3A_682, %multiple_of3A_178] : memref<32x1000000xf32, #tpu.memory_space<hbm>> -> memref<32x128xf32, #tpu.memory_space<hbm>>
      %dma_wait3A_684 = arith.constant 0 : i32
      %dma_wait3A_685 = arith.constant 0 : i32
      %dma_wait3A_686 = tpu.memref_slice %arg13[%dma_wait3A_677, %dma_wait3A_684, %dma_wait3A_685] : memref<8x32x128xf32, #tpu.memory_space<vmem>> -> memref<1x32x128xf32, #tpu.memory_space<vmem>>
      %dma_wait3A_687 = tpu.memref_squeeze %dma_wait3A_686 : memref<1x32x128xf32, #tpu.memory_space<vmem>> -> memref<32x128xf32, #tpu.memory_space<vmem>>
      %dma_wait3A_688 = arith.constant 0 : i32
      %dma_wait3A_689 = tpu.memref_slice %arg3[%dma_wait3A_688, %multiple_of3A_178] : memref<32x1000000xf32, #tpu.memory_space<hbm>> -> memref<32x128xf32, #tpu.memory_space<hbm>>
      tpu.wait_dma2 semaphore(%arg18 : memref<!tpu.dma_semaphore, #tpu.memory_space<semaphore_mem>>) src(%dma_wait3A_689 : memref<32x128xf32, #tpu.memory_space<hbm>>) dst(%dma_wait3A_687 : memref<32x128xf32, #tpu.memory_space<vmem>>)
      %dma_wait3A_690 = arith.constant 2 : i32
      %dma_wait3A_691 = arith.constant 0 : i32
      %dma_wait3A_692 = arith.constant 0 : i32
      %dma_wait3A_693 = tpu.memref_slice %arg14[%dma_wait3A_690, %dma_wait3A_691, %dma_wait3A_692] : memref<8x1x128xf32, #tpu.memory_space<vmem>> -> memref<1x1x128xf32, #tpu.memory_space<vmem>>
      %dma_wait3A_694 = tpu.memref_squeeze %dma_wait3A_693 : memref<1x1x128xf32, #tpu.memory_space<vmem>> -> memref<1x128xf32, #tpu.memory_space<vmem>>
      %dma_wait3A_695 = arith.constant 0 : i32
      %dma_wait3A_696 = tpu.memref_slice %arg4[%dma_wait3A_695, %multiple_of3A_173] : memref<1x1000000xf32, #tpu.memory_space<hbm>> -> memref<1x128xf32, #tpu.memory_space<hbm>>
      %dma_wait3A_697 = arith.constant 0 : i32
      %dma_wait3A_698 = arith.constant 0 : i32
      %dma_wait3A_699 = tpu.memref_slice %arg14[%dma_wait3A_690, %dma_wait3A_697, %dma_wait3A_698] : memref<8x1x128xf32, #tpu.memory_space<vmem>> -> memref<1x1x128xf32, #tpu.memory_space<vmem>>
      %dma_wait3A_700 = tpu.memref_squeeze %dma_wait3A_699 : memref<1x1x128xf32, #tpu.memory_space<vmem>> -> memref<1x128xf32, #tpu.memory_space<vmem>>
      %dma_wait3A_701 = arith.constant 0 : i32
      %dma_wait3A_702 = tpu.memref_slice %arg4[%dma_wait3A_701, %multiple_of3A_173] : memref<1x1000000xf32, #tpu.memory_space<hbm>> -> memref<1x128xf32, #tpu.memory_space<hbm>>
      tpu.wait_dma2 semaphore(%arg19 : memref<!tpu.dma_semaphore, #tpu.memory_space<semaphore_mem>>) src(%dma_wait3A_702 : memref<1x128xf32, #tpu.memory_space<hbm>>) dst(%dma_wait3A_700 : memref<1x128xf32, #tpu.memory_space<vmem>>)
      %dma_wait3A_703 = arith.constant 2 : i32
      %dma_wait3A_704 = arith.constant 0 : i32
      %dma_wait3A_705 = arith.constant 0 : i32
      %dma_wait3A_706 = tpu.memref_slice %arg15[%dma_wait3A_703, %dma_wait3A_704, %dma_wait3A_705] : memref<8x1x128xf32, #tpu.memory_space<vmem>> -> memref<1x1x128xf32, #tpu.memory_space<vmem>>
      %dma_wait3A_707 = tpu.memref_squeeze %dma_wait3A_706 : memref<1x1x128xf32, #tpu.memory_space<vmem>> -> memref<1x128xf32, #tpu.memory_space<vmem>>
      %dma_wait3A_708 = arith.constant 0 : i32
      %dma_wait3A_709 = tpu.memref_slice %arg5[%dma_wait3A_708, %multiple_of3A_178] : memref<1x1000000xf32, #tpu.memory_space<hbm>> -> memref<1x128xf32, #tpu.memory_space<hbm>>
      %dma_wait3A_710 = arith.constant 0 : i32
      %dma_wait3A_711 = arith.constant 0 : i32
      %dma_wait3A_712 = tpu.memref_slice %arg15[%dma_wait3A_703, %dma_wait3A_710, %dma_wait3A_711] : memref<8x1x128xf32, #tpu.memory_space<vmem>> -> memref<1x1x128xf32, #tpu.memory_space<vmem>>
      %dma_wait3A_713 = tpu.memref_squeeze %dma_wait3A_712 : memref<1x1x128xf32, #tpu.memory_space<vmem>> -> memref<1x128xf32, #tpu.memory_space<vmem>>
      %dma_wait3A_714 = arith.constant 0 : i32
      %dma_wait3A_715 = tpu.memref_slice %arg5[%dma_wait3A_714, %multiple_of3A_178] : memref<1x1000000xf32, #tpu.memory_space<hbm>> -> memref<1x128xf32, #tpu.memory_space<hbm>>
      tpu.wait_dma2 semaphore(%arg19 : memref<!tpu.dma_semaphore, #tpu.memory_space<semaphore_mem>>) src(%dma_wait3A_715 : memref<1x128xf32, #tpu.memory_space<hbm>>) dst(%dma_wait3A_713 : memref<1x128xf32, #tpu.memory_space<vmem>>)
      %dma_wait3A_716 = arith.constant 3 : i32
      %dma_wait3A_717 = arith.constant 0 : i32
      %dma_wait3A_718 = arith.constant 0 : i32
      %dma_wait3A_719 = tpu.memref_slice %arg12[%dma_wait3A_716, %dma_wait3A_717, %dma_wait3A_718] : memref<8x32x128xf32, #tpu.memory_space<vmem>> -> memref<1x32x128xf32, #tpu.memory_space<vmem>>
      %dma_wait3A_720 = tpu.memref_squeeze %dma_wait3A_719 : memref<1x32x128xf32, #tpu.memory_space<vmem>> -> memref<32x128xf32, #tpu.memory_space<vmem>>
      %dma_wait3A_721 = arith.constant 0 : i32
      %dma_wait3A_722 = tpu.memref_slice %arg2[%dma_wait3A_721, %multiple_of3A_239] : memref<32x1000000xf32, #tpu.memory_space<hbm>> -> memref<32x128xf32, #tpu.memory_space<hbm>>
      %dma_wait3A_723 = arith.constant 0 : i32
      %dma_wait3A_724 = arith.constant 0 : i32
      %dma_wait3A_725 = tpu.memref_slice %arg12[%dma_wait3A_716, %dma_wait3A_723, %dma_wait3A_724] : memref<8x32x128xf32, #tpu.memory_space<vmem>> -> memref<1x32x128xf32, #tpu.memory_space<vmem>>
      %dma_wait3A_726 = tpu.memref_squeeze %dma_wait3A_725 : memref<1x32x128xf32, #tpu.memory_space<vmem>> -> memref<32x128xf32, #tpu.memory_space<vmem>>
      %dma_wait3A_727 = arith.constant 0 : i32
      %dma_wait3A_728 = tpu.memref_slice %arg2[%dma_wait3A_727, %multiple_of3A_239] : memref<32x1000000xf32, #tpu.memory_space<hbm>> -> memref<32x128xf32, #tpu.memory_space<hbm>>
      tpu.wait_dma2 semaphore(%arg18 : memref<!tpu.dma_semaphore, #tpu.memory_space<semaphore_mem>>) src(%dma_wait3A_728 : memref<32x128xf32, #tpu.memory_space<hbm>>) dst(%dma_wait3A_726 : memref<32x128xf32, #tpu.memory_space<vmem>>)
      %dma_wait3A_729 = arith.constant 3 : i32
      %dma_wait3A_730 = arith.constant 0 : i32
      %dma_wait3A_731 = arith.constant 0 : i32
      %dma_wait3A_732 = tpu.memref_slice %arg13[%dma_wait3A_729, %dma_wait3A_730, %dma_wait3A_731] : memref<8x32x128xf32, #tpu.memory_space<vmem>> -> memref<1x32x128xf32, #tpu.memory_space<vmem>>
      %dma_wait3A_733 = tpu.memref_squeeze %dma_wait3A_732 : memref<1x32x128xf32, #tpu.memory_space<vmem>> -> memref<32x128xf32, #tpu.memory_space<vmem>>
      %dma_wait3A_734 = arith.constant 0 : i32
      %dma_wait3A_735 = tpu.memref_slice %arg3[%dma_wait3A_734, %multiple_of3A_244] : memref<32x1000000xf32, #tpu.memory_space<hbm>> -> memref<32x128xf32, #tpu.memory_space<hbm>>
      %dma_wait3A_736 = arith.constant 0 : i32
      %dma_wait3A_737 = arith.constant 0 : i32
      %dma_wait3A_738 = tpu.memref_slice %arg13[%dma_wait3A_729, %dma_wait3A_736, %dma_wait3A_737] : memref<8x32x128xf32, #tpu.memory_space<vmem>> -> memref<1x32x128xf32, #tpu.memory_space<vmem>>
      %dma_wait3A_739 = tpu.memref_squeeze %dma_wait3A_738 : memref<1x32x128xf32, #tpu.memory_space<vmem>> -> memref<32x128xf32, #tpu.memory_space<vmem>>
      %dma_wait3A_740 = arith.constant 0 : i32
      %dma_wait3A_741 = tpu.memref_slice %arg3[%dma_wait3A_740, %multiple_of3A_244] : memref<32x1000000xf32, #tpu.memory_space<hbm>> -> memref<32x128xf32, #tpu.memory_space<hbm>>
      tpu.wait_dma2 semaphore(%arg18 : memref<!tpu.dma_semaphore, #tpu.memory_space<semaphore_mem>>) src(%dma_wait3A_741 : memref<32x128xf32, #tpu.memory_space<hbm>>) dst(%dma_wait3A_739 : memref<32x128xf32, #tpu.memory_space<vmem>>)
      %dma_wait3A_742 = arith.constant 3 : i32
      %dma_wait3A_743 = arith.constant 0 : i32
      %dma_wait3A_744 = arith.constant 0 : i32
      %dma_wait3A_745 = tpu.memref_slice %arg14[%dma_wait3A_742, %dma_wait3A_743, %dma_wait3A_744] : memref<8x1x128xf32, #tpu.memory_space<vmem>> -> memref<1x1x128xf32, #tpu.memory_space<vmem>>
      %dma_wait3A_746 = tpu.memref_squeeze %dma_wait3A_745 : memref<1x1x128xf32, #tpu.memory_space<vmem>> -> memref<1x128xf32, #tpu.memory_space<vmem>>
      %dma_wait3A_747 = arith.constant 0 : i32
      %dma_wait3A_748 = tpu.memref_slice %arg4[%dma_wait3A_747, %multiple_of3A_239] : memref<1x1000000xf32, #tpu.memory_space<hbm>> -> memref<1x128xf32, #tpu.memory_space<hbm>>
      %dma_wait3A_749 = arith.constant 0 : i32
      %dma_wait3A_750 = arith.constant 0 : i32
      %dma_wait3A_751 = tpu.memref_slice %arg14[%dma_wait3A_742, %dma_wait3A_749, %dma_wait3A_750] : memref<8x1x128xf32, #tpu.memory_space<vmem>> -> memref<1x1x128xf32, #tpu.memory_space<vmem>>
      %dma_wait3A_752 = tpu.memref_squeeze %dma_wait3A_751 : memref<1x1x128xf32, #tpu.memory_space<vmem>> -> memref<1x128xf32, #tpu.memory_space<vmem>>
      %dma_wait3A_753 = arith.constant 0 : i32
      %dma_wait3A_754 = tpu.memref_slice %arg4[%dma_wait3A_753, %multiple_of3A_239] : memref<1x1000000xf32, #tpu.memory_space<hbm>> -> memref<1x128xf32, #tpu.memory_space<hbm>>
      tpu.wait_dma2 semaphore(%arg19 : memref<!tpu.dma_semaphore, #tpu.memory_space<semaphore_mem>>) src(%dma_wait3A_754 : memref<1x128xf32, #tpu.memory_space<hbm>>) dst(%dma_wait3A_752 : memref<1x128xf32, #tpu.memory_space<vmem>>)
      %dma_wait3A_755 = arith.constant 3 : i32
      %dma_wait3A_756 = arith.constant 0 : i32
      %dma_wait3A_757 = arith.constant 0 : i32
      %dma_wait3A_758 = tpu.memref_slice %arg15[%dma_wait3A_755, %dma_wait3A_756, %dma_wait3A_757] : memref<8x1x128xf32, #tpu.memory_space<vmem>> -> memref<1x1x128xf32, #tpu.memory_space<vmem>>
      %dma_wait3A_759 = tpu.memref_squeeze %dma_wait3A_758 : memref<1x1x128xf32, #tpu.memory_space<vmem>> -> memref<1x128xf32, #tpu.memory_space<vmem>>
      %dma_wait3A_760 = arith.constant 0 : i32
      %dma_wait3A_761 = tpu.memref_slice %arg5[%dma_wait3A_760, %multiple_of3A_244] : memref<1x1000000xf32, #tpu.memory_space<hbm>> -> memref<1x128xf32, #tpu.memory_space<hbm>>
      %dma_wait3A_762 = arith.constant 0 : i32
      %dma_wait3A_763 = arith.constant 0 : i32
      %dma_wait3A_764 = tpu.memref_slice %arg15[%dma_wait3A_755, %dma_wait3A_762, %dma_wait3A_763] : memref<8x1x128xf32, #tpu.memory_space<vmem>> -> memref<1x1x128xf32, #tpu.memory_space<vmem>>
      %dma_wait3A_765 = tpu.memref_squeeze %dma_wait3A_764 : memref<1x1x128xf32, #tpu.memory_space<vmem>> -> memref<1x128xf32, #tpu.memory_space<vmem>>
      %dma_wait3A_766 = arith.constant 0 : i32
      %dma_wait3A_767 = tpu.memref_slice %arg5[%dma_wait3A_766, %multiple_of3A_244] : memref<1x1000000xf32, #tpu.memory_space<hbm>> -> memref<1x128xf32, #tpu.memory_space<hbm>>
      tpu.wait_dma2 semaphore(%arg19 : memref<!tpu.dma_semaphore, #tpu.memory_space<semaphore_mem>>) src(%dma_wait3A_767 : memref<1x128xf32, #tpu.memory_space<hbm>>) dst(%dma_wait3A_765 : memref<1x128xf32, #tpu.memory_space<vmem>>)
      %dma_wait3A_768 = arith.constant 4 : i32
      %dma_wait3A_769 = arith.constant 0 : i32
      %dma_wait3A_770 = arith.constant 0 : i32
      %dma_wait3A_771 = tpu.memref_slice %arg12[%dma_wait3A_768, %dma_wait3A_769, %dma_wait3A_770] : memref<8x32x128xf32, #tpu.memory_space<vmem>> -> memref<1x32x128xf32, #tpu.memory_space<vmem>>
      %dma_wait3A_772 = tpu.memref_squeeze %dma_wait3A_771 : memref<1x32x128xf32, #tpu.memory_space<vmem>> -> memref<32x128xf32, #tpu.memory_space<vmem>>
      %dma_wait3A_773 = arith.constant 0 : i32
      %dma_wait3A_774 = tpu.memref_slice %arg2[%dma_wait3A_773, %multiple_of3A_305] : memref<32x1000000xf32, #tpu.memory_space<hbm>> -> memref<32x128xf32, #tpu.memory_space<hbm>>
      %dma_wait3A_775 = arith.constant 0 : i32
      %dma_wait3A_776 = arith.constant 0 : i32
      %dma_wait3A_777 = tpu.memref_slice %arg12[%dma_wait3A_768, %dma_wait3A_775, %dma_wait3A_776] : memref<8x32x128xf32, #tpu.memory_space<vmem>> -> memref<1x32x128xf32, #tpu.memory_space<vmem>>
      %dma_wait3A_778 = tpu.memref_squeeze %dma_wait3A_777 : memref<1x32x128xf32, #tpu.memory_space<vmem>> -> memref<32x128xf32, #tpu.memory_space<vmem>>
      %dma_wait3A_779 = arith.constant 0 : i32
      %dma_wait3A_780 = tpu.memref_slice %arg2[%dma_wait3A_779, %multiple_of3A_305] : memref<32x1000000xf32, #tpu.memory_space<hbm>> -> memref<32x128xf32, #tpu.memory_space<hbm>>
      tpu.wait_dma2 semaphore(%arg18 : memref<!tpu.dma_semaphore, #tpu.memory_space<semaphore_mem>>) src(%dma_wait3A_780 : memref<32x128xf32, #tpu.memory_space<hbm>>) dst(%dma_wait3A_778 : memref<32x128xf32, #tpu.memory_space<vmem>>)
      %dma_wait3A_781 = arith.constant 4 : i32
      %dma_wait3A_782 = arith.constant 0 : i32
      %dma_wait3A_783 = arith.constant 0 : i32
      %dma_wait3A_784 = tpu.memref_slice %arg13[%dma_wait3A_781, %dma_wait3A_782, %dma_wait3A_783] : memref<8x32x128xf32, #tpu.memory_space<vmem>> -> memref<1x32x128xf32, #tpu.memory_space<vmem>>
      %dma_wait3A_785 = tpu.memref_squeeze %dma_wait3A_784 : memref<1x32x128xf32, #tpu.memory_space<vmem>> -> memref<32x128xf32, #tpu.memory_space<vmem>>
      %dma_wait3A_786 = arith.constant 0 : i32
      %dma_wait3A_787 = tpu.memref_slice %arg3[%dma_wait3A_786, %multiple_of3A_310] : memref<32x1000000xf32, #tpu.memory_space<hbm>> -> memref<32x128xf32, #tpu.memory_space<hbm>>
      %dma_wait3A_788 = arith.constant 0 : i32
      %dma_wait3A_789 = arith.constant 0 : i32
      %dma_wait3A_790 = tpu.memref_slice %arg13[%dma_wait3A_781, %dma_wait3A_788, %dma_wait3A_789] : memref<8x32x128xf32, #tpu.memory_space<vmem>> -> memref<1x32x128xf32, #tpu.memory_space<vmem>>
      %dma_wait3A_791 = tpu.memref_squeeze %dma_wait3A_790 : memref<1x32x128xf32, #tpu.memory_space<vmem>> -> memref<32x128xf32, #tpu.memory_space<vmem>>
      %dma_wait3A_792 = arith.constant 0 : i32
      %dma_wait3A_793 = tpu.memref_slice %arg3[%dma_wait3A_792, %multiple_of3A_310] : memref<32x1000000xf32, #tpu.memory_space<hbm>> -> memref<32x128xf32, #tpu.memory_space<hbm>>
      tpu.wait_dma2 semaphore(%arg18 : memref<!tpu.dma_semaphore, #tpu.memory_space<semaphore_mem>>) src(%dma_wait3A_793 : memref<32x128xf32, #tpu.memory_space<hbm>>) dst(%dma_wait3A_791 : memref<32x128xf32, #tpu.memory_space<vmem>>)
      %dma_wait3A_794 = arith.constant 4 : i32
      %dma_wait3A_795 = arith.constant 0 : i32
      %dma_wait3A_796 = arith.constant 0 : i32
      %dma_wait3A_797 = tpu.memref_slice %arg14[%dma_wait3A_794, %dma_wait3A_795, %dma_wait3A_796] : memref<8x1x128xf32, #tpu.memory_space<vmem>> -> memref<1x1x128xf32, #tpu.memory_space<vmem>>
      %dma_wait3A_798 = tpu.memref_squeeze %dma_wait3A_797 : memref<1x1x128xf32, #tpu.memory_space<vmem>> -> memref<1x128xf32, #tpu.memory_space<vmem>>
      %dma_wait3A_799 = arith.constant 0 : i32
      %dma_wait3A_800 = tpu.memref_slice %arg4[%dma_wait3A_799, %multiple_of3A_305] : memref<1x1000000xf32, #tpu.memory_space<hbm>> -> memref<1x128xf32, #tpu.memory_space<hbm>>
      %dma_wait3A_801 = arith.constant 0 : i32
      %dma_wait3A_802 = arith.constant 0 : i32
      %dma_wait3A_803 = tpu.memref_slice %arg14[%dma_wait3A_794, %dma_wait3A_801, %dma_wait3A_802] : memref<8x1x128xf32, #tpu.memory_space<vmem>> -> memref<1x1x128xf32, #tpu.memory_space<vmem>>
      %dma_wait3A_804 = tpu.memref_squeeze %dma_wait3A_803 : memref<1x1x128xf32, #tpu.memory_space<vmem>> -> memref<1x128xf32, #tpu.memory_space<vmem>>
      %dma_wait3A_805 = arith.constant 0 : i32
      %dma_wait3A_806 = tpu.memref_slice %arg4[%dma_wait3A_805, %multiple_of3A_305] : memref<1x1000000xf32, #tpu.memory_space<hbm>> -> memref<1x128xf32, #tpu.memory_space<hbm>>
      tpu.wait_dma2 semaphore(%arg19 : memref<!tpu.dma_semaphore, #tpu.memory_space<semaphore_mem>>) src(%dma_wait3A_806 : memref<1x128xf32, #tpu.memory_space<hbm>>) dst(%dma_wait3A_804 : memref<1x128xf32, #tpu.memory_space<vmem>>)
      %dma_wait3A_807 = arith.constant 4 : i32
      %dma_wait3A_808 = arith.constant 0 : i32
      %dma_wait3A_809 = arith.constant 0 : i32
      %dma_wait3A_810 = tpu.memref_slice %arg15[%dma_wait3A_807, %dma_wait3A_808, %dma_wait3A_809] : memref<8x1x128xf32, #tpu.memory_space<vmem>> -> memref<1x1x128xf32, #tpu.memory_space<vmem>>
      %dma_wait3A_811 = tpu.memref_squeeze %dma_wait3A_810 : memref<1x1x128xf32, #tpu.memory_space<vmem>> -> memref<1x128xf32, #tpu.memory_space<vmem>>
      %dma_wait3A_812 = arith.constant 0 : i32
      %dma_wait3A_813 = tpu.memref_slice %arg5[%dma_wait3A_812, %multiple_of3A_310] : memref<1x1000000xf32, #tpu.memory_space<hbm>> -> memref<1x128xf32, #tpu.memory_space<hbm>>
      %dma_wait3A_814 = arith.constant 0 : i32
      %dma_wait3A_815 = arith.constant 0 : i32
      %dma_wait3A_816 = tpu.memref_slice %arg15[%dma_wait3A_807, %dma_wait3A_814, %dma_wait3A_815] : memref<8x1x128xf32, #tpu.memory_space<vmem>> -> memref<1x1x128xf32, #tpu.memory_space<vmem>>
      %dma_wait3A_817 = tpu.memref_squeeze %dma_wait3A_816 : memref<1x1x128xf32, #tpu.memory_space<vmem>> -> memref<1x128xf32, #tpu.memory_space<vmem>>
      %dma_wait3A_818 = arith.constant 0 : i32
      %dma_wait3A_819 = tpu.memref_slice %arg5[%dma_wait3A_818, %multiple_of3A_310] : memref<1x1000000xf32, #tpu.memory_space<hbm>> -> memref<1x128xf32, #tpu.memory_space<hbm>>
      tpu.wait_dma2 semaphore(%arg19 : memref<!tpu.dma_semaphore, #tpu.memory_space<semaphore_mem>>) src(%dma_wait3A_819 : memref<1x128xf32, #tpu.memory_space<hbm>>) dst(%dma_wait3A_817 : memref<1x128xf32, #tpu.memory_space<vmem>>)
      %dma_wait3A_820 = arith.constant 5 : i32
      %dma_wait3A_821 = arith.constant 0 : i32
      %dma_wait3A_822 = arith.constant 0 : i32
      %dma_wait3A_823 = tpu.memref_slice %arg12[%dma_wait3A_820, %dma_wait3A_821, %dma_wait3A_822] : memref<8x32x128xf32, #tpu.memory_space<vmem>> -> memref<1x32x128xf32, #tpu.memory_space<vmem>>
      %dma_wait3A_824 = tpu.memref_squeeze %dma_wait3A_823 : memref<1x32x128xf32, #tpu.memory_space<vmem>> -> memref<32x128xf32, #tpu.memory_space<vmem>>
      %dma_wait3A_825 = arith.constant 0 : i32
      %dma_wait3A_826 = tpu.memref_slice %arg2[%dma_wait3A_825, %multiple_of3A_371] : memref<32x1000000xf32, #tpu.memory_space<hbm>> -> memref<32x128xf32, #tpu.memory_space<hbm>>
      %dma_wait3A_827 = arith.constant 0 : i32
      %dma_wait3A_828 = arith.constant 0 : i32
      %dma_wait3A_829 = tpu.memref_slice %arg12[%dma_wait3A_820, %dma_wait3A_827, %dma_wait3A_828] : memref<8x32x128xf32, #tpu.memory_space<vmem>> -> memref<1x32x128xf32, #tpu.memory_space<vmem>>
      %dma_wait3A_830 = tpu.memref_squeeze %dma_wait3A_829 : memref<1x32x128xf32, #tpu.memory_space<vmem>> -> memref<32x128xf32, #tpu.memory_space<vmem>>
      %dma_wait3A_831 = arith.constant 0 : i32
      %dma_wait3A_832 = tpu.memref_slice %arg2[%dma_wait3A_831, %multiple_of3A_371] : memref<32x1000000xf32, #tpu.memory_space<hbm>> -> memref<32x128xf32, #tpu.memory_space<hbm>>
      tpu.wait_dma2 semaphore(%arg18 : memref<!tpu.dma_semaphore, #tpu.memory_space<semaphore_mem>>) src(%dma_wait3A_832 : memref<32x128xf32, #tpu.memory_space<hbm>>) dst(%dma_wait3A_830 : memref<32x128xf32, #tpu.memory_space<vmem>>)
      %dma_wait3A_833 = arith.constant 5 : i32
      %dma_wait3A_834 = arith.constant 0 : i32
      %dma_wait3A_835 = arith.constant 0 : i32
      %dma_wait3A_836 = tpu.memref_slice %arg13[%dma_wait3A_833, %dma_wait3A_834, %dma_wait3A_835] : memref<8x32x128xf32, #tpu.memory_space<vmem>> -> memref<1x32x128xf32, #tpu.memory_space<vmem>>
      %dma_wait3A_837 = tpu.memref_squeeze %dma_wait3A_836 : memref<1x32x128xf32, #tpu.memory_space<vmem>> -> memref<32x128xf32, #tpu.memory_space<vmem>>
      %dma_wait3A_838 = arith.constant 0 : i32
      %dma_wait3A_839 = tpu.memref_slice %arg3[%dma_wait3A_838, %multiple_of3A_376] : memref<32x1000000xf32, #tpu.memory_space<hbm>> -> memref<32x128xf32, #tpu.memory_space<hbm>>
      %dma_wait3A_840 = arith.constant 0 : i32
      %dma_wait3A_841 = arith.constant 0 : i32
      %dma_wait3A_842 = tpu.memref_slice %arg13[%dma_wait3A_833, %dma_wait3A_840, %dma_wait3A_841] : memref<8x32x128xf32, #tpu.memory_space<vmem>> -> memref<1x32x128xf32, #tpu.memory_space<vmem>>
      %dma_wait3A_843 = tpu.memref_squeeze %dma_wait3A_842 : memref<1x32x128xf32, #tpu.memory_space<vmem>> -> memref<32x128xf32, #tpu.memory_space<vmem>>
      %dma_wait3A_844 = arith.constant 0 : i32
      %dma_wait3A_845 = tpu.memref_slice %arg3[%dma_wait3A_844, %multiple_of3A_376] : memref<32x1000000xf32, #tpu.memory_space<hbm>> -> memref<32x128xf32, #tpu.memory_space<hbm>>
      tpu.wait_dma2 semaphore(%arg18 : memref<!tpu.dma_semaphore, #tpu.memory_space<semaphore_mem>>) src(%dma_wait3A_845 : memref<32x128xf32, #tpu.memory_space<hbm>>) dst(%dma_wait3A_843 : memref<32x128xf32, #tpu.memory_space<vmem>>)
      %dma_wait3A_846 = arith.constant 5 : i32
      %dma_wait3A_847 = arith.constant 0 : i32
      %dma_wait3A_848 = arith.constant 0 : i32
      %dma_wait3A_849 = tpu.memref_slice %arg14[%dma_wait3A_846, %dma_wait3A_847, %dma_wait3A_848] : memref<8x1x128xf32, #tpu.memory_space<vmem>> -> memref<1x1x128xf32, #tpu.memory_space<vmem>>
      %dma_wait3A_850 = tpu.memref_squeeze %dma_wait3A_849 : memref<1x1x128xf32, #tpu.memory_space<vmem>> -> memref<1x128xf32, #tpu.memory_space<vmem>>
      %dma_wait3A_851 = arith.constant 0 : i32
      %dma_wait3A_852 = tpu.memref_slice %arg4[%dma_wait3A_851, %multiple_of3A_371] : memref<1x1000000xf32, #tpu.memory_space<hbm>> -> memref<1x128xf32, #tpu.memory_space<hbm>>
      %dma_wait3A_853 = arith.constant 0 : i32
      %dma_wait3A_854 = arith.constant 0 : i32
      %dma_wait3A_855 = tpu.memref_slice %arg14[%dma_wait3A_846, %dma_wait3A_853, %dma_wait3A_854] : memref<8x1x128xf32, #tpu.memory_space<vmem>> -> memref<1x1x128xf32, #tpu.memory_space<vmem>>
      %dma_wait3A_856 = tpu.memref_squeeze %dma_wait3A_855 : memref<1x1x128xf32, #tpu.memory_space<vmem>> -> memref<1x128xf32, #tpu.memory_space<vmem>>
      %dma_wait3A_857 = arith.constant 0 : i32
      %dma_wait3A_858 = tpu.memref_slice %arg4[%dma_wait3A_857, %multiple_of3A_371] : memref<1x1000000xf32, #tpu.memory_space<hbm>> -> memref<1x128xf32, #tpu.memory_space<hbm>>
      tpu.wait_dma2 semaphore(%arg19 : memref<!tpu.dma_semaphore, #tpu.memory_space<semaphore_mem>>) src(%dma_wait3A_858 : memref<1x128xf32, #tpu.memory_space<hbm>>) dst(%dma_wait3A_856 : memref<1x128xf32, #tpu.memory_space<vmem>>)
      %dma_wait3A_859 = arith.constant 5 : i32
      %dma_wait3A_860 = arith.constant 0 : i32
      %dma_wait3A_861 = arith.constant 0 : i32
      %dma_wait3A_862 = tpu.memref_slice %arg15[%dma_wait3A_859, %dma_wait3A_860, %dma_wait3A_861] : memref<8x1x128xf32, #tpu.memory_space<vmem>> -> memref<1x1x128xf32, #tpu.memory_space<vmem>>
      %dma_wait3A_863 = tpu.memref_squeeze %dma_wait3A_862 : memref<1x1x128xf32, #tpu.memory_space<vmem>> -> memref<1x128xf32, #tpu.memory_space<vmem>>
      %dma_wait3A_864 = arith.constant 0 : i32
      %dma_wait3A_865 = tpu.memref_slice %arg5[%dma_wait3A_864, %multiple_of3A_376] : memref<1x1000000xf32, #tpu.memory_space<hbm>> -> memref<1x128xf32, #tpu.memory_space<hbm>>
      %dma_wait3A_866 = arith.constant 0 : i32
      %dma_wait3A_867 = arith.constant 0 : i32
      %dma_wait3A_868 = tpu.memref_slice %arg15[%dma_wait3A_859, %dma_wait3A_866, %dma_wait3A_867] : memref<8x1x128xf32, #tpu.memory_space<vmem>> -> memref<1x1x128xf32, #tpu.memory_space<vmem>>
      %dma_wait3A_869 = tpu.memref_squeeze %dma_wait3A_868 : memref<1x1x128xf32, #tpu.memory_space<vmem>> -> memref<1x128xf32, #tpu.memory_space<vmem>>
      %dma_wait3A_870 = arith.constant 0 : i32
      %dma_wait3A_871 = tpu.memref_slice %arg5[%dma_wait3A_870, %multiple_of3A_376] : memref<1x1000000xf32, #tpu.memory_space<hbm>> -> memref<1x128xf32, #tpu.memory_space<hbm>>
      tpu.wait_dma2 semaphore(%arg19 : memref<!tpu.dma_semaphore, #tpu.memory_space<semaphore_mem>>) src(%dma_wait3A_871 : memref<1x128xf32, #tpu.memory_space<hbm>>) dst(%dma_wait3A_869 : memref<1x128xf32, #tpu.memory_space<vmem>>)
      %dma_wait3A_872 = arith.constant 6 : i32
      %dma_wait3A_873 = arith.constant 0 : i32
      %dma_wait3A_874 = arith.constant 0 : i32
      %dma_wait3A_875 = tpu.memref_slice %arg12[%dma_wait3A_872, %dma_wait3A_873, %dma_wait3A_874] : memref<8x32x128xf32, #tpu.memory_space<vmem>> -> memref<1x32x128xf32, #tpu.memory_space<vmem>>
      %dma_wait3A_876 = tpu.memref_squeeze %dma_wait3A_875 : memref<1x32x128xf32, #tpu.memory_space<vmem>> -> memref<32x128xf32, #tpu.memory_space<vmem>>
      %dma_wait3A_877 = arith.constant 0 : i32
      %dma_wait3A_878 = tpu.memref_slice %arg2[%dma_wait3A_877, %multiple_of3A_437] : memref<32x1000000xf32, #tpu.memory_space<hbm>> -> memref<32x128xf32, #tpu.memory_space<hbm>>
      %dma_wait3A_879 = arith.constant 0 : i32
      %dma_wait3A_880 = arith.constant 0 : i32
      %dma_wait3A_881 = tpu.memref_slice %arg12[%dma_wait3A_872, %dma_wait3A_879, %dma_wait3A_880] : memref<8x32x128xf32, #tpu.memory_space<vmem>> -> memref<1x32x128xf32, #tpu.memory_space<vmem>>
      %dma_wait3A_882 = tpu.memref_squeeze %dma_wait3A_881 : memref<1x32x128xf32, #tpu.memory_space<vmem>> -> memref<32x128xf32, #tpu.memory_space<vmem>>
      %dma_wait3A_883 = arith.constant 0 : i32
      %dma_wait3A_884 = tpu.memref_slice %arg2[%dma_wait3A_883, %multiple_of3A_437] : memref<32x1000000xf32, #tpu.memory_space<hbm>> -> memref<32x128xf32, #tpu.memory_space<hbm>>
      tpu.wait_dma2 semaphore(%arg18 : memref<!tpu.dma_semaphore, #tpu.memory_space<semaphore_mem>>) src(%dma_wait3A_884 : memref<32x128xf32, #tpu.memory_space<hbm>>) dst(%dma_wait3A_882 : memref<32x128xf32, #tpu.memory_space<vmem>>)
      %dma_wait3A_885 = arith.constant 6 : i32
      %dma_wait3A_886 = arith.constant 0 : i32
      %dma_wait3A_887 = arith.constant 0 : i32
      %dma_wait3A_888 = tpu.memref_slice %arg13[%dma_wait3A_885, %dma_wait3A_886, %dma_wait3A_887] : memref<8x32x128xf32, #tpu.memory_space<vmem>> -> memref<1x32x128xf32, #tpu.memory_space<vmem>>
      %dma_wait3A_889 = tpu.memref_squeeze %dma_wait3A_888 : memref<1x32x128xf32, #tpu.memory_space<vmem>> -> memref<32x128xf32, #tpu.memory_space<vmem>>
      %dma_wait3A_890 = arith.constant 0 : i32
      %dma_wait3A_891 = tpu.memref_slice %arg3[%dma_wait3A_890, %multiple_of3A_442] : memref<32x1000000xf32, #tpu.memory_space<hbm>> -> memref<32x128xf32, #tpu.memory_space<hbm>>
      %dma_wait3A_892 = arith.constant 0 : i32
      %dma_wait3A_893 = arith.constant 0 : i32
      %dma_wait3A_894 = tpu.memref_slice %arg13[%dma_wait3A_885, %dma_wait3A_892, %dma_wait3A_893] : memref<8x32x128xf32, #tpu.memory_space<vmem>> -> memref<1x32x128xf32, #tpu.memory_space<vmem>>
      %dma_wait3A_895 = tpu.memref_squeeze %dma_wait3A_894 : memref<1x32x128xf32, #tpu.memory_space<vmem>> -> memref<32x128xf32, #tpu.memory_space<vmem>>
      %dma_wait3A_896 = arith.constant 0 : i32
      %dma_wait3A_897 = tpu.memref_slice %arg3[%dma_wait3A_896, %multiple_of3A_442] : memref<32x1000000xf32, #tpu.memory_space<hbm>> -> memref<32x128xf32, #tpu.memory_space<hbm>>
      tpu.wait_dma2 semaphore(%arg18 : memref<!tpu.dma_semaphore, #tpu.memory_space<semaphore_mem>>) src(%dma_wait3A_897 : memref<32x128xf32, #tpu.memory_space<hbm>>) dst(%dma_wait3A_895 : memref<32x128xf32, #tpu.memory_space<vmem>>)
      %dma_wait3A_898 = arith.constant 6 : i32
      %dma_wait3A_899 = arith.constant 0 : i32
      %dma_wait3A_900 = arith.constant 0 : i32
      %dma_wait3A_901 = tpu.memref_slice %arg14[%dma_wait3A_898, %dma_wait3A_899, %dma_wait3A_900] : memref<8x1x128xf32, #tpu.memory_space<vmem>> -> memref<1x1x128xf32, #tpu.memory_space<vmem>>
      %dma_wait3A_902 = tpu.memref_squeeze %dma_wait3A_901 : memref<1x1x128xf32, #tpu.memory_space<vmem>> -> memref<1x128xf32, #tpu.memory_space<vmem>>
      %dma_wait3A_903 = arith.constant 0 : i32
      %dma_wait3A_904 = tpu.memref_slice %arg4[%dma_wait3A_903, %multiple_of3A_437] : memref<1x1000000xf32, #tpu.memory_space<hbm>> -> memref<1x128xf32, #tpu.memory_space<hbm>>
      %dma_wait3A_905 = arith.constant 0 : i32
      %dma_wait3A_906 = arith.constant 0 : i32
      %dma_wait3A_907 = tpu.memref_slice %arg14[%dma_wait3A_898, %dma_wait3A_905, %dma_wait3A_906] : memref<8x1x128xf32, #tpu.memory_space<vmem>> -> memref<1x1x128xf32, #tpu.memory_space<vmem>>
      %dma_wait3A_908 = tpu.memref_squeeze %dma_wait3A_907 : memref<1x1x128xf32, #tpu.memory_space<vmem>> -> memref<1x128xf32, #tpu.memory_space<vmem>>
      %dma_wait3A_909 = arith.constant 0 : i32
      %dma_wait3A_910 = tpu.memref_slice %arg4[%dma_wait3A_909, %multiple_of3A_437] : memref<1x1000000xf32, #tpu.memory_space<hbm>> -> memref<1x128xf32, #tpu.memory_space<hbm>>
      tpu.wait_dma2 semaphore(%arg19 : memref<!tpu.dma_semaphore, #tpu.memory_space<semaphore_mem>>) src(%dma_wait3A_910 : memref<1x128xf32, #tpu.memory_space<hbm>>) dst(%dma_wait3A_908 : memref<1x128xf32, #tpu.memory_space<vmem>>)
      %dma_wait3A_911 = arith.constant 6 : i32
      %dma_wait3A_912 = arith.constant 0 : i32
      %dma_wait3A_913 = arith.constant 0 : i32
      %dma_wait3A_914 = tpu.memref_slice %arg15[%dma_wait3A_911, %dma_wait3A_912, %dma_wait3A_913] : memref<8x1x128xf32, #tpu.memory_space<vmem>> -> memref<1x1x128xf32, #tpu.memory_space<vmem>>
      %dma_wait3A_915 = tpu.memref_squeeze %dma_wait3A_914 : memref<1x1x128xf32, #tpu.memory_space<vmem>> -> memref<1x128xf32, #tpu.memory_space<vmem>>
      %dma_wait3A_916 = arith.constant 0 : i32
      %dma_wait3A_917 = tpu.memref_slice %arg5[%dma_wait3A_916, %multiple_of3A_442] : memref<1x1000000xf32, #tpu.memory_space<hbm>> -> memref<1x128xf32, #tpu.memory_space<hbm>>
      %dma_wait3A_918 = arith.constant 0 : i32
      %dma_wait3A_919 = arith.constant 0 : i32
      %dma_wait3A_920 = tpu.memref_slice %arg15[%dma_wait3A_911, %dma_wait3A_918, %dma_wait3A_919] : memref<8x1x128xf32, #tpu.memory_space<vmem>> -> memref<1x1x128xf32, #tpu.memory_space<vmem>>
      %dma_wait3A_921 = tpu.memref_squeeze %dma_wait3A_920 : memref<1x1x128xf32, #tpu.memory_space<vmem>> -> memref<1x128xf32, #tpu.memory_space<vmem>>
      %dma_wait3A_922 = arith.constant 0 : i32
      %dma_wait3A_923 = tpu.memref_slice %arg5[%dma_wait3A_922, %multiple_of3A_442] : memref<1x1000000xf32, #tpu.memory_space<hbm>> -> memref<1x128xf32, #tpu.memory_space<hbm>>
      tpu.wait_dma2 semaphore(%arg19 : memref<!tpu.dma_semaphore, #tpu.memory_space<semaphore_mem>>) src(%dma_wait3A_923 : memref<1x128xf32, #tpu.memory_space<hbm>>) dst(%dma_wait3A_921 : memref<1x128xf32, #tpu.memory_space<vmem>>)
      %dma_wait3A_924 = arith.constant 7 : i32
      %dma_wait3A_925 = arith.constant 0 : i32
      %dma_wait3A_926 = arith.constant 0 : i32
      %dma_wait3A_927 = tpu.memref_slice %arg12[%dma_wait3A_924, %dma_wait3A_925, %dma_wait3A_926] : memref<8x32x128xf32, #tpu.memory_space<vmem>> -> memref<1x32x128xf32, #tpu.memory_space<vmem>>
      %dma_wait3A_928 = tpu.memref_squeeze %dma_wait3A_927 : memref<1x32x128xf32, #tpu.memory_space<vmem>> -> memref<32x128xf32, #tpu.memory_space<vmem>>
      %dma_wait3A_929 = arith.constant 0 : i32
      %dma_wait3A_930 = tpu.memref_slice %arg2[%dma_wait3A_929, %multiple_of3A_503] : memref<32x1000000xf32, #tpu.memory_space<hbm>> -> memref<32x128xf32, #tpu.memory_space<hbm>>
      %dma_wait3A_931 = arith.constant 0 : i32
      %dma_wait3A_932 = arith.constant 0 : i32
      %dma_wait3A_933 = tpu.memref_slice %arg12[%dma_wait3A_924, %dma_wait3A_931, %dma_wait3A_932] : memref<8x32x128xf32, #tpu.memory_space<vmem>> -> memref<1x32x128xf32, #tpu.memory_space<vmem>>
      %dma_wait3A_934 = tpu.memref_squeeze %dma_wait3A_933 : memref<1x32x128xf32, #tpu.memory_space<vmem>> -> memref<32x128xf32, #tpu.memory_space<vmem>>
      %dma_wait3A_935 = arith.constant 0 : i32
      %dma_wait3A_936 = tpu.memref_slice %arg2[%dma_wait3A_935, %multiple_of3A_503] : memref<32x1000000xf32, #tpu.memory_space<hbm>> -> memref<32x128xf32, #tpu.memory_space<hbm>>
      tpu.wait_dma2 semaphore(%arg18 : memref<!tpu.dma_semaphore, #tpu.memory_space<semaphore_mem>>) src(%dma_wait3A_936 : memref<32x128xf32, #tpu.memory_space<hbm>>) dst(%dma_wait3A_934 : memref<32x128xf32, #tpu.memory_space<vmem>>)
      %dma_wait3A_937 = arith.constant 7 : i32
      %dma_wait3A_938 = arith.constant 0 : i32
      %dma_wait3A_939 = arith.constant 0 : i32
      %dma_wait3A_940 = tpu.memref_slice %arg13[%dma_wait3A_937, %dma_wait3A_938, %dma_wait3A_939] : memref<8x32x128xf32, #tpu.memory_space<vmem>> -> memref<1x32x128xf32, #tpu.memory_space<vmem>>
      %dma_wait3A_941 = tpu.memref_squeeze %dma_wait3A_940 : memref<1x32x128xf32, #tpu.memory_space<vmem>> -> memref<32x128xf32, #tpu.memory_space<vmem>>
      %dma_wait3A_942 = arith.constant 0 : i32
      %dma_wait3A_943 = tpu.memref_slice %arg3[%dma_wait3A_942, %multiple_of3A_508] : memref<32x1000000xf32, #tpu.memory_space<hbm>> -> memref<32x128xf32, #tpu.memory_space<hbm>>
      %dma_wait3A_944 = arith.constant 0 : i32
      %dma_wait3A_945 = arith.constant 0 : i32
      %dma_wait3A_946 = tpu.memref_slice %arg13[%dma_wait3A_937, %dma_wait3A_944, %dma_wait3A_945] : memref<8x32x128xf32, #tpu.memory_space<vmem>> -> memref<1x32x128xf32, #tpu.memory_space<vmem>>
      %dma_wait3A_947 = tpu.memref_squeeze %dma_wait3A_946 : memref<1x32x128xf32, #tpu.memory_space<vmem>> -> memref<32x128xf32, #tpu.memory_space<vmem>>
      %dma_wait3A_948 = arith.constant 0 : i32
      %dma_wait3A_949 = tpu.memref_slice %arg3[%dma_wait3A_948, %multiple_of3A_508] : memref<32x1000000xf32, #tpu.memory_space<hbm>> -> memref<32x128xf32, #tpu.memory_space<hbm>>
      tpu.wait_dma2 semaphore(%arg18 : memref<!tpu.dma_semaphore, #tpu.memory_space<semaphore_mem>>) src(%dma_wait3A_949 : memref<32x128xf32, #tpu.memory_space<hbm>>) dst(%dma_wait3A_947 : memref<32x128xf32, #tpu.memory_space<vmem>>)
      %dma_wait3A_950 = arith.constant 7 : i32
      %dma_wait3A_951 = arith.constant 0 : i32
      %dma_wait3A_952 = arith.constant 0 : i32
      %dma_wait3A_953 = tpu.memref_slice %arg14[%dma_wait3A_950, %dma_wait3A_951, %dma_wait3A_952] : memref<8x1x128xf32, #tpu.memory_space<vmem>> -> memref<1x1x128xf32, #tpu.memory_space<vmem>>
      %dma_wait3A_954 = tpu.memref_squeeze %dma_wait3A_953 : memref<1x1x128xf32, #tpu.memory_space<vmem>> -> memref<1x128xf32, #tpu.memory_space<vmem>>
      %dma_wait3A_955 = arith.constant 0 : i32
      %dma_wait3A_956 = tpu.memref_slice %arg4[%dma_wait3A_955, %multiple_of3A_503] : memref<1x1000000xf32, #tpu.memory_space<hbm>> -> memref<1x128xf32, #tpu.memory_space<hbm>>
      %dma_wait3A_957 = arith.constant 0 : i32
      %dma_wait3A_958 = arith.constant 0 : i32
      %dma_wait3A_959 = tpu.memref_slice %arg14[%dma_wait3A_950, %dma_wait3A_957, %dma_wait3A_958] : memref<8x1x128xf32, #tpu.memory_space<vmem>> -> memref<1x1x128xf32, #tpu.memory_space<vmem>>
      %dma_wait3A_960 = tpu.memref_squeeze %dma_wait3A_959 : memref<1x1x128xf32, #tpu.memory_space<vmem>> -> memref<1x128xf32, #tpu.memory_space<vmem>>
      %dma_wait3A_961 = arith.constant 0 : i32
      %dma_wait3A_962 = tpu.memref_slice %arg4[%dma_wait3A_961, %multiple_of3A_503] : memref<1x1000000xf32, #tpu.memory_space<hbm>> -> memref<1x128xf32, #tpu.memory_space<hbm>>
      tpu.wait_dma2 semaphore(%arg19 : memref<!tpu.dma_semaphore, #tpu.memory_space<semaphore_mem>>) src(%dma_wait3A_962 : memref<1x128xf32, #tpu.memory_space<hbm>>) dst(%dma_wait3A_960 : memref<1x128xf32, #tpu.memory_space<vmem>>)
      %dma_wait3A_963 = arith.constant 7 : i32
      %dma_wait3A_964 = arith.constant 0 : i32
      %dma_wait3A_965 = arith.constant 0 : i32
      %dma_wait3A_966 = tpu.memref_slice %arg15[%dma_wait3A_963, %dma_wait3A_964, %dma_wait3A_965] : memref<8x1x128xf32, #tpu.memory_space<vmem>> -> memref<1x1x128xf32, #tpu.memory_space<vmem>>
      %dma_wait3A_967 = tpu.memref_squeeze %dma_wait3A_966 : memref<1x1x128xf32, #tpu.memory_space<vmem>> -> memref<1x128xf32, #tpu.memory_space<vmem>>
      %dma_wait3A_968 = arith.constant 0 : i32
      %dma_wait3A_969 = tpu.memref_slice %arg5[%dma_wait3A_968, %multiple_of3A_508] : memref<1x1000000xf32, #tpu.memory_space<hbm>> -> memref<1x128xf32, #tpu.memory_space<hbm>>
      %dma_wait3A_970 = arith.constant 0 : i32
      %dma_wait3A_971 = arith.constant 0 : i32
      %dma_wait3A_972 = tpu.memref_slice %arg15[%dma_wait3A_963, %dma_wait3A_970, %dma_wait3A_971] : memref<8x1x128xf32, #tpu.memory_space<vmem>> -> memref<1x1x128xf32, #tpu.memory_space<vmem>>
      %dma_wait3A_973 = tpu.memref_squeeze %dma_wait3A_972 : memref<1x1x128xf32, #tpu.memory_space<vmem>> -> memref<1x128xf32, #tpu.memory_space<vmem>>
      %dma_wait3A_974 = arith.constant 0 : i32
      %dma_wait3A_975 = tpu.memref_slice %arg5[%dma_wait3A_974, %multiple_of3A_508] : memref<1x1000000xf32, #tpu.memory_space<hbm>> -> memref<1x128xf32, #tpu.memory_space<hbm>>
      tpu.wait_dma2 semaphore(%arg19 : memref<!tpu.dma_semaphore, #tpu.memory_space<semaphore_mem>>) src(%dma_wait3A_975 : memref<1x128xf32, #tpu.memory_space<hbm>>) dst(%dma_wait3A_973 : memref<1x128xf32, #tpu.memory_space<vmem>>)
      %broadcast_in_dim3A = arith.constant 0.000000e+00 : f32
      %broadcast_in_dim3A_976 = vector.broadcast %broadcast_in_dim3A : f32 to vector<16xf32>
      %slice3A_977 = vector.extract_strided_slice %get3A_32 {offsets = [0], sizes = [1], strides = [1]} : vector<16xi32> to vector<1xi32>
      %squeeze3A_978 = vector.extract %slice3A_977[0] : i32 from vector<1xi32>
      %and3A = arith.constant 127 : i32
      %and3A_979 = arith.andi %squeeze3A_978, %and3A : i32
      %broadcast_in_dim3A_980 = vector.broadcast %and3A_979 : i32 to vector<16xi32>
      %slice3A_981 = vector.extract_strided_slice %get3A_36 {offsets = [0], sizes = [1], strides = [1]} : vector<16xi32> to vector<1xi32>
      %squeeze3A_982 = vector.extract %slice3A_981[0] : i32 from vector<1xi32>
      %and3A_983 = arith.constant 127 : i32
      %and3A_984 = arith.andi %squeeze3A_982, %and3A_983 : i32
      %broadcast_in_dim3A_985 = vector.broadcast %and3A_984 : i32 to vector<16xi32>
      %broadcast_in_dim3A_986 = arith.constant 0 : i32
      %broadcast_in_dim3A_987 = vector.broadcast %broadcast_in_dim3A_986 : i32 to vector<16xi32>
      %broadcast_in_dim3A_988 = arith.constant 0 : i32
      %broadcast_in_dim3A_989 = vector.broadcast %broadcast_in_dim3A_988 : i32 to vector<16xi32>
      %gather3A = tpu.vector_load_idx %arg12[%broadcast_in_dim3A_987, %iota3A, %broadcast_in_dim3A_980] : memref<8x32x128xf32, #tpu.memory_space<vmem>>[vector<16xi32>, vector<16xi32>, vector<16xi32>], vector<16xf32>,
      %gather3A_990 = tpu.vector_load_idx %arg12[%broadcast_in_dim3A_987, %add3A_22, %broadcast_in_dim3A_980] : memref<8x32x128xf32, #tpu.memory_space<vmem>>[vector<16xi32>, vector<16xi32>, vector<16xi32>], vector<16xf32>,
      %gather3A_991 = tpu.vector_load_idx %arg13[%broadcast_in_dim3A_987, %iota3A, %broadcast_in_dim3A_985] : memref<8x32x128xf32, #tpu.memory_space<vmem>>[vector<16xi32>, vector<16xi32>, vector<16xi32>], vector<16xf32>,
      %gather3A_992 = tpu.vector_load_idx %arg13[%broadcast_in_dim3A_987, %add3A_22, %broadcast_in_dim3A_985] : memref<8x32x128xf32, #tpu.memory_space<vmem>>[vector<16xi32>, vector<16xi32>, vector<16xi32>], vector<16xf32>,
      %gather3A_993 = tpu.vector_load_idx %arg14[%broadcast_in_dim3A_987, %broadcast_in_dim3A_989, %broadcast_in_dim3A_980] : memref<8x1x128xf32, #tpu.memory_space<vmem>>[vector<16xi32>, vector<16xi32>, vector<16xi32>], vector<16xf32>,
      %gather3A_994 = tpu.vector_load_idx %arg15[%broadcast_in_dim3A_987, %broadcast_in_dim3A_989, %broadcast_in_dim3A_985] : memref<8x1x128xf32, #tpu.memory_space<vmem>>[vector<16xi32>, vector<16xi32>, vector<16xi32>], vector<16xf32>,
      %mul3A_995 = arith.mulf %gather3A, %gather3A_991 : vector<16xf32>
      %mul3A_996 = arith.mulf %gather3A_990, %gather3A_992 : vector<16xf32>
      %add3A_997 = arith.addf %mul3A_995, %mul3A_996 : vector<16xf32>
      %reduce_sum3A = arith.constant true
      %reduce_sum3A_998 = vector.broadcast %reduce_sum3A : i1 to vector<16xi1>
      %reduce_sum3A_999 = tpu.scan <sum>, %add3A_997 masked %reduce_sum3A_998 : vector<16xf32>, vector<16xi1> -> vector<16xf32>
      %reduce_sum3A_1000 = vector.extract %reduce_sum3A_999[15] : f32 from vector<16xf32>
      %slice3A_1001 = vector.extract_strided_slice %gather3A_993 {offsets = [0], sizes = [1], strides = [1]} : vector<16xf32> to vector<1xf32>
      %squeeze3A_1002 = vector.extract %slice3A_1001[0] : f32 from vector<1xf32>
      %add3A_1003 = arith.addf %reduce_sum3A_1000, %squeeze3A_1002 : f32
      %slice3A_1004 = vector.extract_strided_slice %gather3A_994 {offsets = [0], sizes = [1], strides = [1]} : vector<16xf32> to vector<1xf32>
      %squeeze3A_1005 = vector.extract %slice3A_1004[0] : f32 from vector<1xf32>
      %add3A_1006 = arith.addf %add3A_1003, %squeeze3A_1005 : f32
      %add3A_1007 = arith.addf %add3A_1006, %squeeze3A : f32
      %eq3A = arith.constant 0 : i32
      %eq3A_1008 = vector.broadcast %eq3A : i32 to vector<16xi32>
      %eq3A_1009 = arith.cmpi eq, %iota3A, %eq3A_1008 : vector<16xi32>
      %broadcast_in_dim3A_1010 = vector.broadcast %add3A_1007 : f32 to vector<16xf32>
      %select_n3A = arith.select %eq3A_1009, %broadcast_in_dim3A_1010, %broadcast_in_dim3A_976 : vector<16xi1>, vector<16xf32>
      %slice3A_1011 = vector.extract_strided_slice %get3A_32 {offsets = [1], sizes = [1], strides = [1]} : vector<16xi32> to vector<1xi32>
      %squeeze3A_1012 = vector.extract %slice3A_1011[0] : i32 from vector<1xi32>
      %and3A_1013 = arith.constant 127 : i32
      %and3A_1014 = arith.andi %squeeze3A_1012, %and3A_1013 : i32
      %broadcast_in_dim3A_1015 = vector.broadcast %and3A_1014 : i32 to vector<16xi32>
      %slice3A_1016 = vector.extract_strided_slice %get3A_36 {offsets = [1], sizes = [1], strides = [1]} : vector<16xi32> to vector<1xi32>
      %squeeze3A_1017 = vector.extract %slice3A_1016[0] : i32 from vector<1xi32>
      %and3A_1018 = arith.constant 127 : i32
      %and3A_1019 = arith.andi %squeeze3A_1017, %and3A_1018 : i32
      %broadcast_in_dim3A_1020 = vector.broadcast %and3A_1019 : i32 to vector<16xi32>
      %broadcast_in_dim3A_1021 = arith.constant 1 : i32
      %broadcast_in_dim3A_1022 = vector.broadcast %broadcast_in_dim3A_1021 : i32 to vector<16xi32>
      %broadcast_in_dim3A_1023 = arith.constant 0 : i32
      %broadcast_in_dim3A_1024 = vector.broadcast %broadcast_in_dim3A_1023 : i32 to vector<16xi32>
      %gather3A_1025 = tpu.vector_load_idx %arg12[%broadcast_in_dim3A_1022, %iota3A, %broadcast_in_dim3A_1015] : memref<8x32x128xf32, #tpu.memory_space<vmem>>[vector<16xi32>, vector<16xi32>, vector<16xi32>], vector<16xf32>,
      %gather3A_1026 = tpu.vector_load_idx %arg12[%broadcast_in_dim3A_1022, %add3A_22, %broadcast_in_dim3A_1015] : memref<8x32x128xf32, #tpu.memory_space<vmem>>[vector<16xi32>, vector<16xi32>, vector<16xi32>], vector<16xf32>,
      %gather3A_1027 = tpu.vector_load_idx %arg13[%broadcast_in_dim3A_1022, %iota3A, %broadcast_in_dim3A_1020] : memref<8x32x128xf32, #tpu.memory_space<vmem>>[vector<16xi32>, vector<16xi32>, vector<16xi32>], vector<16xf32>,
      %gather3A_1028 = tpu.vector_load_idx %arg13[%broadcast_in_dim3A_1022, %add3A_22, %broadcast_in_dim3A_1020] : memref<8x32x128xf32, #tpu.memory_space<vmem>>[vector<16xi32>, vector<16xi32>, vector<16xi32>], vector<16xf32>,
      %gather3A_1029 = tpu.vector_load_idx %arg14[%broadcast_in_dim3A_1022, %broadcast_in_dim3A_1024, %broadcast_in_dim3A_1015] : memref<8x1x128xf32, #tpu.memory_space<vmem>>[vector<16xi32>, vector<16xi32>, vector<16xi32>], vector<16xf32>,
      %gather3A_1030 = tpu.vector_load_idx %arg15[%broadcast_in_dim3A_1022, %broadcast_in_dim3A_1024, %broadcast_in_dim3A_1020] : memref<8x1x128xf32, #tpu.memory_space<vmem>>[vector<16xi32>, vector<16xi32>, vector<16xi32>], vector<16xf32>,
      %mul3A_1031 = arith.mulf %gather3A_1025, %gather3A_1027 : vector<16xf32>
      %mul3A_1032 = arith.mulf %gather3A_1026, %gather3A_1028 : vector<16xf32>
      %add3A_1033 = arith.addf %mul3A_1031, %mul3A_1032 : vector<16xf32>
      %reduce_sum3A_1034 = arith.constant true
      %reduce_sum3A_1035 = vector.broadcast %reduce_sum3A_1034 : i1 to vector<16xi1>
      %reduce_sum3A_1036 = tpu.scan <sum>, %add3A_1033 masked %reduce_sum3A_1035 : vector<16xf32>, vector<16xi1> -> vector<16xf32>
      %reduce_sum3A_1037 = vector.extract %reduce_sum3A_1036[15] : f32 from vector<16xf32>
      %slice3A_1038 = vector.extract_strided_slice %gather3A_1029 {offsets = [0], sizes = [1], strides = [1]} : vector<16xf32> to vector<1xf32>
      %squeeze3A_1039 = vector.extract %slice3A_1038[0] : f32 from vector<1xf32>
      %add3A_1040 = arith.addf %reduce_sum3A_1037, %squeeze3A_1039 : f32
      %slice3A_1041 = vector.extract_strided_slice %gather3A_1030 {offsets = [0], sizes = [1], strides = [1]} : vector<16xf32> to vector<1xf32>
      %squeeze3A_1042 = vector.extract %slice3A_1041[0] : f32 from vector<1xf32>
      %add3A_1043 = arith.addf %add3A_1040, %squeeze3A_1042 : f32
      %add3A_1044 = arith.addf %add3A_1043, %squeeze3A : f32
      %eq3A_1045 = arith.constant 1 : i32
      %eq3A_1046 = vector.broadcast %eq3A_1045 : i32 to vector<16xi32>
      %eq3A_1047 = arith.cmpi eq, %iota3A, %eq3A_1046 : vector<16xi32>
      %broadcast_in_dim3A_1048 = vector.broadcast %add3A_1044 : f32 to vector<16xf32>
      %select_n3A_1049 = arith.select %eq3A_1047, %broadcast_in_dim3A_1048, %select_n3A : vector<16xi1>, vector<16xf32>
      %slice3A_1050 = vector.extract_strided_slice %get3A_32 {offsets = [2], sizes = [1], strides = [1]} : vector<16xi32> to vector<1xi32>
      %squeeze3A_1051 = vector.extract %slice3A_1050[0] : i32 from vector<1xi32>
      %and3A_1052 = arith.constant 127 : i32
      %and3A_1053 = arith.andi %squeeze3A_1051, %and3A_1052 : i32
      %broadcast_in_dim3A_1054 = vector.broadcast %and3A_1053 : i32 to vector<16xi32>
      %slice3A_1055 = vector.extract_strided_slice %get3A_36 {offsets = [2], sizes = [1], strides = [1]} : vector<16xi32> to vector<1xi32>
      %squeeze3A_1056 = vector.extract %slice3A_1055[0] : i32 from vector<1xi32>
      %and3A_1057 = arith.constant 127 : i32
      %and3A_1058 = arith.andi %squeeze3A_1056, %and3A_1057 : i32
      %broadcast_in_dim3A_1059 = vector.broadcast %and3A_1058 : i32 to vector<16xi32>
      %broadcast_in_dim3A_1060 = arith.constant 2 : i32
      %broadcast_in_dim3A_1061 = vector.broadcast %broadcast_in_dim3A_1060 : i32 to vector<16xi32>
      %broadcast_in_dim3A_1062 = arith.constant 0 : i32
      %broadcast_in_dim3A_1063 = vector.broadcast %broadcast_in_dim3A_1062 : i32 to vector<16xi32>
      %gather3A_1064 = tpu.vector_load_idx %arg12[%broadcast_in_dim3A_1061, %iota3A, %broadcast_in_dim3A_1054] : memref<8x32x128xf32, #tpu.memory_space<vmem>>[vector<16xi32>, vector<16xi32>, vector<16xi32>], vector<16xf32>,
      %gather3A_1065 = tpu.vector_load_idx %arg12[%broadcast_in_dim3A_1061, %add3A_22, %broadcast_in_dim3A_1054] : memref<8x32x128xf32, #tpu.memory_space<vmem>>[vector<16xi32>, vector<16xi32>, vector<16xi32>], vector<16xf32>,
      %gather3A_1066 = tpu.vector_load_idx %arg13[%broadcast_in_dim3A_1061, %iota3A, %broadcast_in_dim3A_1059] : memref<8x32x128xf32, #tpu.memory_space<vmem>>[vector<16xi32>, vector<16xi32>, vector<16xi32>], vector<16xf32>,
      %gather3A_1067 = tpu.vector_load_idx %arg13[%broadcast_in_dim3A_1061, %add3A_22, %broadcast_in_dim3A_1059] : memref<8x32x128xf32, #tpu.memory_space<vmem>>[vector<16xi32>, vector<16xi32>, vector<16xi32>], vector<16xf32>,
      %gather3A_1068 = tpu.vector_load_idx %arg14[%broadcast_in_dim3A_1061, %broadcast_in_dim3A_1063, %broadcast_in_dim3A_1054] : memref<8x1x128xf32, #tpu.memory_space<vmem>>[vector<16xi32>, vector<16xi32>, vector<16xi32>], vector<16xf32>,
      %gather3A_1069 = tpu.vector_load_idx %arg15[%broadcast_in_dim3A_1061, %broadcast_in_dim3A_1063, %broadcast_in_dim3A_1059] : memref<8x1x128xf32, #tpu.memory_space<vmem>>[vector<16xi32>, vector<16xi32>, vector<16xi32>], vector<16xf32>,
      %mul3A_1070 = arith.mulf %gather3A_1064, %gather3A_1066 : vector<16xf32>
      %mul3A_1071 = arith.mulf %gather3A_1065, %gather3A_1067 : vector<16xf32>
      %add3A_1072 = arith.addf %mul3A_1070, %mul3A_1071 : vector<16xf32>
      %reduce_sum3A_1073 = arith.constant true
      %reduce_sum3A_1074 = vector.broadcast %reduce_sum3A_1073 : i1 to vector<16xi1>
      %reduce_sum3A_1075 = tpu.scan <sum>, %add3A_1072 masked %reduce_sum3A_1074 : vector<16xf32>, vector<16xi1> -> vector<16xf32>
      %reduce_sum3A_1076 = vector.extract %reduce_sum3A_1075[15] : f32 from vector<16xf32>
      %slice3A_1077 = vector.extract_strided_slice %gather3A_1068 {offsets = [0], sizes = [1], strides = [1]} : vector<16xf32> to vector<1xf32>
      %squeeze3A_1078 = vector.extract %slice3A_1077[0] : f32 from vector<1xf32>
      %add3A_1079 = arith.addf %reduce_sum3A_1076, %squeeze3A_1078 : f32
      %slice3A_1080 = vector.extract_strided_slice %gather3A_1069 {offsets = [0], sizes = [1], strides = [1]} : vector<16xf32> to vector<1xf32>
      %squeeze3A_1081 = vector.extract %slice3A_1080[0] : f32 from vector<1xf32>
      %add3A_1082 = arith.addf %add3A_1079, %squeeze3A_1081 : f32
      %add3A_1083 = arith.addf %add3A_1082, %squeeze3A : f32
      %eq3A_1084 = arith.constant 2 : i32
      %eq3A_1085 = vector.broadcast %eq3A_1084 : i32 to vector<16xi32>
      %eq3A_1086 = arith.cmpi eq, %iota3A, %eq3A_1085 : vector<16xi32>
      %broadcast_in_dim3A_1087 = vector.broadcast %add3A_1083 : f32 to vector<16xf32>
      %select_n3A_1088 = arith.select %eq3A_1086, %broadcast_in_dim3A_1087, %select_n3A_1049 : vector<16xi1>, vector<16xf32>
      %slice3A_1089 = vector.extract_strided_slice %get3A_32 {offsets = [3], sizes = [1], strides = [1]} : vector<16xi32> to vector<1xi32>
      %squeeze3A_1090 = vector.extract %slice3A_1089[0] : i32 from vector<1xi32>
      %and3A_1091 = arith.constant 127 : i32
      %and3A_1092 = arith.andi %squeeze3A_1090, %and3A_1091 : i32
      %broadcast_in_dim3A_1093 = vector.broadcast %and3A_1092 : i32 to vector<16xi32>
      %slice3A_1094 = vector.extract_strided_slice %get3A_36 {offsets = [3], sizes = [1], strides = [1]} : vector<16xi32> to vector<1xi32>
      %squeeze3A_1095 = vector.extract %slice3A_1094[0] : i32 from vector<1xi32>
      %and3A_1096 = arith.constant 127 : i32
      %and3A_1097 = arith.andi %squeeze3A_1095, %and3A_1096 : i32
      %broadcast_in_dim3A_1098 = vector.broadcast %and3A_1097 : i32 to vector<16xi32>
      %broadcast_in_dim3A_1099 = arith.constant 3 : i32
      %broadcast_in_dim3A_1100 = vector.broadcast %broadcast_in_dim3A_1099 : i32 to vector<16xi32>
      %broadcast_in_dim3A_1101 = arith.constant 0 : i32
      %broadcast_in_dim3A_1102 = vector.broadcast %broadcast_in_dim3A_1101 : i32 to vector<16xi32>
      %gather3A_1103 = tpu.vector_load_idx %arg12[%broadcast_in_dim3A_1100, %iota3A, %broadcast_in_dim3A_1093] : memref<8x32x128xf32, #tpu.memory_space<vmem>>[vector<16xi32>, vector<16xi32>, vector<16xi32>], vector<16xf32>,
      %gather3A_1104 = tpu.vector_load_idx %arg12[%broadcast_in_dim3A_1100, %add3A_22, %broadcast_in_dim3A_1093] : memref<8x32x128xf32, #tpu.memory_space<vmem>>[vector<16xi32>, vector<16xi32>, vector<16xi32>], vector<16xf32>,
      %gather3A_1105 = tpu.vector_load_idx %arg13[%broadcast_in_dim3A_1100, %iota3A, %broadcast_in_dim3A_1098] : memref<8x32x128xf32, #tpu.memory_space<vmem>>[vector<16xi32>, vector<16xi32>, vector<16xi32>], vector<16xf32>,
      %gather3A_1106 = tpu.vector_load_idx %arg13[%broadcast_in_dim3A_1100, %add3A_22, %broadcast_in_dim3A_1098] : memref<8x32x128xf32, #tpu.memory_space<vmem>>[vector<16xi32>, vector<16xi32>, vector<16xi32>], vector<16xf32>,
      %gather3A_1107 = tpu.vector_load_idx %arg14[%broadcast_in_dim3A_1100, %broadcast_in_dim3A_1102, %broadcast_in_dim3A_1093] : memref<8x1x128xf32, #tpu.memory_space<vmem>>[vector<16xi32>, vector<16xi32>, vector<16xi32>], vector<16xf32>,
      %gather3A_1108 = tpu.vector_load_idx %arg15[%broadcast_in_dim3A_1100, %broadcast_in_dim3A_1102, %broadcast_in_dim3A_1098] : memref<8x1x128xf32, #tpu.memory_space<vmem>>[vector<16xi32>, vector<16xi32>, vector<16xi32>], vector<16xf32>,
      %mul3A_1109 = arith.mulf %gather3A_1103, %gather3A_1105 : vector<16xf32>
      %mul3A_1110 = arith.mulf %gather3A_1104, %gather3A_1106 : vector<16xf32>
      %add3A_1111 = arith.addf %mul3A_1109, %mul3A_1110 : vector<16xf32>
      %reduce_sum3A_1112 = arith.constant true
      %reduce_sum3A_1113 = vector.broadcast %reduce_sum3A_1112 : i1 to vector<16xi1>
      %reduce_sum3A_1114 = tpu.scan <sum>, %add3A_1111 masked %reduce_sum3A_1113 : vector<16xf32>, vector<16xi1> -> vector<16xf32>
      %reduce_sum3A_1115 = vector.extract %reduce_sum3A_1114[15] : f32 from vector<16xf32>
      %slice3A_1116 = vector.extract_strided_slice %gather3A_1107 {offsets = [0], sizes = [1], strides = [1]} : vector<16xf32> to vector<1xf32>
      %squeeze3A_1117 = vector.extract %slice3A_1116[0] : f32 from vector<1xf32>
      %add3A_1118 = arith.addf %reduce_sum3A_1115, %squeeze3A_1117 : f32
      %slice3A_1119 = vector.extract_strided_slice %gather3A_1108 {offsets = [0], sizes = [1], strides = [1]} : vector<16xf32> to vector<1xf32>
      %squeeze3A_1120 = vector.extract %slice3A_1119[0] : f32 from vector<1xf32>
      %add3A_1121 = arith.addf %add3A_1118, %squeeze3A_1120 : f32
      %add3A_1122 = arith.addf %add3A_1121, %squeeze3A : f32
      %eq3A_1123 = arith.constant 3 : i32
      %eq3A_1124 = vector.broadcast %eq3A_1123 : i32 to vector<16xi32>
      %eq3A_1125 = arith.cmpi eq, %iota3A, %eq3A_1124 : vector<16xi32>
      %broadcast_in_dim3A_1126 = vector.broadcast %add3A_1122 : f32 to vector<16xf32>
      %select_n3A_1127 = arith.select %eq3A_1125, %broadcast_in_dim3A_1126, %select_n3A_1088 : vector<16xi1>, vector<16xf32>
      %slice3A_1128 = vector.extract_strided_slice %get3A_32 {offsets = [4], sizes = [1], strides = [1]} : vector<16xi32> to vector<1xi32>
      %squeeze3A_1129 = vector.extract %slice3A_1128[0] : i32 from vector<1xi32>
      %and3A_1130 = arith.constant 127 : i32
      %and3A_1131 = arith.andi %squeeze3A_1129, %and3A_1130 : i32
      %broadcast_in_dim3A_1132 = vector.broadcast %and3A_1131 : i32 to vector<16xi32>
      %slice3A_1133 = vector.extract_strided_slice %get3A_36 {offsets = [4], sizes = [1], strides = [1]} : vector<16xi32> to vector<1xi32>
      %squeeze3A_1134 = vector.extract %slice3A_1133[0] : i32 from vector<1xi32>
      %and3A_1135 = arith.constant 127 : i32
      %and3A_1136 = arith.andi %squeeze3A_1134, %and3A_1135 : i32
      %broadcast_in_dim3A_1137 = vector.broadcast %and3A_1136 : i32 to vector<16xi32>
      %broadcast_in_dim3A_1138 = arith.constant 4 : i32
      %broadcast_in_dim3A_1139 = vector.broadcast %broadcast_in_dim3A_1138 : i32 to vector<16xi32>
      %broadcast_in_dim3A_1140 = arith.constant 0 : i32
      %broadcast_in_dim3A_1141 = vector.broadcast %broadcast_in_dim3A_1140 : i32 to vector<16xi32>
      %gather3A_1142 = tpu.vector_load_idx %arg12[%broadcast_in_dim3A_1139, %iota3A, %broadcast_in_dim3A_1132] : memref<8x32x128xf32, #tpu.memory_space<vmem>>[vector<16xi32>, vector<16xi32>, vector<16xi32>], vector<16xf32>,
      %gather3A_1143 = tpu.vector_load_idx %arg12[%broadcast_in_dim3A_1139, %add3A_22, %broadcast_in_dim3A_1132] : memref<8x32x128xf32, #tpu.memory_space<vmem>>[vector<16xi32>, vector<16xi32>, vector<16xi32>], vector<16xf32>,
      %gather3A_1144 = tpu.vector_load_idx %arg13[%broadcast_in_dim3A_1139, %iota3A, %broadcast_in_dim3A_1137] : memref<8x32x128xf32, #tpu.memory_space<vmem>>[vector<16xi32>, vector<16xi32>, vector<16xi32>], vector<16xf32>,
      %gather3A_1145 = tpu.vector_load_idx %arg13[%broadcast_in_dim3A_1139, %add3A_22, %broadcast_in_dim3A_1137] : memref<8x32x128xf32, #tpu.memory_space<vmem>>[vector<16xi32>, vector<16xi32>, vector<16xi32>], vector<16xf32>,
      %gather3A_1146 = tpu.vector_load_idx %arg14[%broadcast_in_dim3A_1139, %broadcast_in_dim3A_1141, %broadcast_in_dim3A_1132] : memref<8x1x128xf32, #tpu.memory_space<vmem>>[vector<16xi32>, vector<16xi32>, vector<16xi32>], vector<16xf32>,
      %gather3A_1147 = tpu.vector_load_idx %arg15[%broadcast_in_dim3A_1139, %broadcast_in_dim3A_1141, %broadcast_in_dim3A_1137] : memref<8x1x128xf32, #tpu.memory_space<vmem>>[vector<16xi32>, vector<16xi32>, vector<16xi32>], vector<16xf32>,
      %mul3A_1148 = arith.mulf %gather3A_1142, %gather3A_1144 : vector<16xf32>
      %mul3A_1149 = arith.mulf %gather3A_1143, %gather3A_1145 : vector<16xf32>
      %add3A_1150 = arith.addf %mul3A_1148, %mul3A_1149 : vector<16xf32>
      %reduce_sum3A_1151 = arith.constant true
      %reduce_sum3A_1152 = vector.broadcast %reduce_sum3A_1151 : i1 to vector<16xi1>
      %reduce_sum3A_1153 = tpu.scan <sum>, %add3A_1150 masked %reduce_sum3A_1152 : vector<16xf32>, vector<16xi1> -> vector<16xf32>
      %reduce_sum3A_1154 = vector.extract %reduce_sum3A_1153[15] : f32 from vector<16xf32>
      %slice3A_1155 = vector.extract_strided_slice %gather3A_1146 {offsets = [0], sizes = [1], strides = [1]} : vector<16xf32> to vector<1xf32>
      %squeeze3A_1156 = vector.extract %slice3A_1155[0] : f32 from vector<1xf32>
      %add3A_1157 = arith.addf %reduce_sum3A_1154, %squeeze3A_1156 : f32
      %slice3A_1158 = vector.extract_strided_slice %gather3A_1147 {offsets = [0], sizes = [1], strides = [1]} : vector<16xf32> to vector<1xf32>
      %squeeze3A_1159 = vector.extract %slice3A_1158[0] : f32 from vector<1xf32>
      %add3A_1160 = arith.addf %add3A_1157, %squeeze3A_1159 : f32
      %add3A_1161 = arith.addf %add3A_1160, %squeeze3A : f32
      %eq3A_1162 = arith.constant 4 : i32
      %eq3A_1163 = vector.broadcast %eq3A_1162 : i32 to vector<16xi32>
      %eq3A_1164 = arith.cmpi eq, %iota3A, %eq3A_1163 : vector<16xi32>
      %broadcast_in_dim3A_1165 = vector.broadcast %add3A_1161 : f32 to vector<16xf32>
      %select_n3A_1166 = arith.select %eq3A_1164, %broadcast_in_dim3A_1165, %select_n3A_1127 : vector<16xi1>, vector<16xf32>
      %slice3A_1167 = vector.extract_strided_slice %get3A_32 {offsets = [5], sizes = [1], strides = [1]} : vector<16xi32> to vector<1xi32>
      %squeeze3A_1168 = vector.extract %slice3A_1167[0] : i32 from vector<1xi32>
      %and3A_1169 = arith.constant 127 : i32
      %and3A_1170 = arith.andi %squeeze3A_1168, %and3A_1169 : i32
      %broadcast_in_dim3A_1171 = vector.broadcast %and3A_1170 : i32 to vector<16xi32>
      %slice3A_1172 = vector.extract_strided_slice %get3A_36 {offsets = [5], sizes = [1], strides = [1]} : vector<16xi32> to vector<1xi32>
      %squeeze3A_1173 = vector.extract %slice3A_1172[0] : i32 from vector<1xi32>
      %and3A_1174 = arith.constant 127 : i32
      %and3A_1175 = arith.andi %squeeze3A_1173, %and3A_1174 : i32
      %broadcast_in_dim3A_1176 = vector.broadcast %and3A_1175 : i32 to vector<16xi32>
      %broadcast_in_dim3A_1177 = arith.constant 5 : i32
      %broadcast_in_dim3A_1178 = vector.broadcast %broadcast_in_dim3A_1177 : i32 to vector<16xi32>
      %broadcast_in_dim3A_1179 = arith.constant 0 : i32
      %broadcast_in_dim3A_1180 = vector.broadcast %broadcast_in_dim3A_1179 : i32 to vector<16xi32>
      %gather3A_1181 = tpu.vector_load_idx %arg12[%broadcast_in_dim3A_1178, %iota3A, %broadcast_in_dim3A_1171] : memref<8x32x128xf32, #tpu.memory_space<vmem>>[vector<16xi32>, vector<16xi32>, vector<16xi32>], vector<16xf32>,
      %gather3A_1182 = tpu.vector_load_idx %arg12[%broadcast_in_dim3A_1178, %add3A_22, %broadcast_in_dim3A_1171] : memref<8x32x128xf32, #tpu.memory_space<vmem>>[vector<16xi32>, vector<16xi32>, vector<16xi32>], vector<16xf32>,
      %gather3A_1183 = tpu.vector_load_idx %arg13[%broadcast_in_dim3A_1178, %iota3A, %broadcast_in_dim3A_1176] : memref<8x32x128xf32, #tpu.memory_space<vmem>>[vector<16xi32>, vector<16xi32>, vector<16xi32>], vector<16xf32>,
      %gather3A_1184 = tpu.vector_load_idx %arg13[%broadcast_in_dim3A_1178, %add3A_22, %broadcast_in_dim3A_1176] : memref<8x32x128xf32, #tpu.memory_space<vmem>>[vector<16xi32>, vector<16xi32>, vector<16xi32>], vector<16xf32>,
      %gather3A_1185 = tpu.vector_load_idx %arg14[%broadcast_in_dim3A_1178, %broadcast_in_dim3A_1180, %broadcast_in_dim3A_1171] : memref<8x1x128xf32, #tpu.memory_space<vmem>>[vector<16xi32>, vector<16xi32>, vector<16xi32>], vector<16xf32>,
      %gather3A_1186 = tpu.vector_load_idx %arg15[%broadcast_in_dim3A_1178, %broadcast_in_dim3A_1180, %broadcast_in_dim3A_1176] : memref<8x1x128xf32, #tpu.memory_space<vmem>>[vector<16xi32>, vector<16xi32>, vector<16xi32>], vector<16xf32>,
      %mul3A_1187 = arith.mulf %gather3A_1181, %gather3A_1183 : vector<16xf32>
      %mul3A_1188 = arith.mulf %gather3A_1182, %gather3A_1184 : vector<16xf32>
      %add3A_1189 = arith.addf %mul3A_1187, %mul3A_1188 : vector<16xf32>
      %reduce_sum3A_1190 = arith.constant true
      %reduce_sum3A_1191 = vector.broadcast %reduce_sum3A_1190 : i1 to vector<16xi1>
      %reduce_sum3A_1192 = tpu.scan <sum>, %add3A_1189 masked %reduce_sum3A_1191 : vector<16xf32>, vector<16xi1> -> vector<16xf32>
      %reduce_sum3A_1193 = vector.extract %reduce_sum3A_1192[15] : f32 from vector<16xf32>
      %slice3A_1194 = vector.extract_strided_slice %gather3A_1185 {offsets = [0], sizes = [1], strides = [1]} : vector<16xf32> to vector<1xf32>
      %squeeze3A_1195 = vector.extract %slice3A_1194[0] : f32 from vector<1xf32>
      %add3A_1196 = arith.addf %reduce_sum3A_1193, %squeeze3A_1195 : f32
      %slice3A_1197 = vector.extract_strided_slice %gather3A_1186 {offsets = [0], sizes = [1], strides = [1]} : vector<16xf32> to vector<1xf32>
      %squeeze3A_1198 = vector.extract %slice3A_1197[0] : f32 from vector<1xf32>
      %add3A_1199 = arith.addf %add3A_1196, %squeeze3A_1198 : f32
      %add3A_1200 = arith.addf %add3A_1199, %squeeze3A : f32
      %eq3A_1201 = arith.constant 5 : i32
      %eq3A_1202 = vector.broadcast %eq3A_1201 : i32 to vector<16xi32>
      %eq3A_1203 = arith.cmpi eq, %iota3A, %eq3A_1202 : vector<16xi32>
      %broadcast_in_dim3A_1204 = vector.broadcast %add3A_1200 : f32 to vector<16xf32>
      %select_n3A_1205 = arith.select %eq3A_1203, %broadcast_in_dim3A_1204, %select_n3A_1166 : vector<16xi1>, vector<16xf32>
      %slice3A_1206 = vector.extract_strided_slice %get3A_32 {offsets = [6], sizes = [1], strides = [1]} : vector<16xi32> to vector<1xi32>
      %squeeze3A_1207 = vector.extract %slice3A_1206[0] : i32 from vector<1xi32>
      %and3A_1208 = arith.constant 127 : i32
      %and3A_1209 = arith.andi %squeeze3A_1207, %and3A_1208 : i32
      %broadcast_in_dim3A_1210 = vector.broadcast %and3A_1209 : i32 to vector<16xi32>
      %slice3A_1211 = vector.extract_strided_slice %get3A_36 {offsets = [6], sizes = [1], strides = [1]} : vector<16xi32> to vector<1xi32>
      %squeeze3A_1212 = vector.extract %slice3A_1211[0] : i32 from vector<1xi32>
      %and3A_1213 = arith.constant 127 : i32
      %and3A_1214 = arith.andi %squeeze3A_1212, %and3A_1213 : i32
      %broadcast_in_dim3A_1215 = vector.broadcast %and3A_1214 : i32 to vector<16xi32>
      %broadcast_in_dim3A_1216 = arith.constant 6 : i32
      %broadcast_in_dim3A_1217 = vector.broadcast %broadcast_in_dim3A_1216 : i32 to vector<16xi32>
      %broadcast_in_dim3A_1218 = arith.constant 0 : i32
      %broadcast_in_dim3A_1219 = vector.broadcast %broadcast_in_dim3A_1218 : i32 to vector<16xi32>
      %gather3A_1220 = tpu.vector_load_idx %arg12[%broadcast_in_dim3A_1217, %iota3A, %broadcast_in_dim3A_1210] : memref<8x32x128xf32, #tpu.memory_space<vmem>>[vector<16xi32>, vector<16xi32>, vector<16xi32>], vector<16xf32>,
      %gather3A_1221 = tpu.vector_load_idx %arg12[%broadcast_in_dim3A_1217, %add3A_22, %broadcast_in_dim3A_1210] : memref<8x32x128xf32, #tpu.memory_space<vmem>>[vector<16xi32>, vector<16xi32>, vector<16xi32>], vector<16xf32>,
      %gather3A_1222 = tpu.vector_load_idx %arg13[%broadcast_in_dim3A_1217, %iota3A, %broadcast_in_dim3A_1215] : memref<8x32x128xf32, #tpu.memory_space<vmem>>[vector<16xi32>, vector<16xi32>, vector<16xi32>], vector<16xf32>,
      %gather3A_1223 = tpu.vector_load_idx %arg13[%broadcast_in_dim3A_1217, %add3A_22, %broadcast_in_dim3A_1215] : memref<8x32x128xf32, #tpu.memory_space<vmem>>[vector<16xi32>, vector<16xi32>, vector<16xi32>], vector<16xf32>,
      %gather3A_1224 = tpu.vector_load_idx %arg14[%broadcast_in_dim3A_1217, %broadcast_in_dim3A_1219, %broadcast_in_dim3A_1210] : memref<8x1x128xf32, #tpu.memory_space<vmem>>[vector<16xi32>, vector<16xi32>, vector<16xi32>], vector<16xf32>,
      %gather3A_1225 = tpu.vector_load_idx %arg15[%broadcast_in_dim3A_1217, %broadcast_in_dim3A_1219, %broadcast_in_dim3A_1215] : memref<8x1x128xf32, #tpu.memory_space<vmem>>[vector<16xi32>, vector<16xi32>, vector<16xi32>], vector<16xf32>,
      %mul3A_1226 = arith.mulf %gather3A_1220, %gather3A_1222 : vector<16xf32>
      %mul3A_1227 = arith.mulf %gather3A_1221, %gather3A_1223 : vector<16xf32>
      %add3A_1228 = arith.addf %mul3A_1226, %mul3A_1227 : vector<16xf32>
      %reduce_sum3A_1229 = arith.constant true
      %reduce_sum3A_1230 = vector.broadcast %reduce_sum3A_1229 : i1 to vector<16xi1>
      %reduce_sum3A_1231 = tpu.scan <sum>, %add3A_1228 masked %reduce_sum3A_1230 : vector<16xf32>, vector<16xi1> -> vector<16xf32>
      %reduce_sum3A_1232 = vector.extract %reduce_sum3A_1231[15] : f32 from vector<16xf32>
      %slice3A_1233 = vector.extract_strided_slice %gather3A_1224 {offsets = [0], sizes = [1], strides = [1]} : vector<16xf32> to vector<1xf32>
      %squeeze3A_1234 = vector.extract %slice3A_1233[0] : f32 from vector<1xf32>
      %add3A_1235 = arith.addf %reduce_sum3A_1232, %squeeze3A_1234 : f32
      %slice3A_1236 = vector.extract_strided_slice %gather3A_1225 {offsets = [0], sizes = [1], strides = [1]} : vector<16xf32> to vector<1xf32>
      %squeeze3A_1237 = vector.extract %slice3A_1236[0] : f32 from vector<1xf32>
      %add3A_1238 = arith.addf %add3A_1235, %squeeze3A_1237 : f32
      %add3A_1239 = arith.addf %add3A_1238, %squeeze3A : f32
      %eq3A_1240 = arith.constant 6 : i32
      %eq3A_1241 = vector.broadcast %eq3A_1240 : i32 to vector<16xi32>
      %eq3A_1242 = arith.cmpi eq, %iota3A, %eq3A_1241 : vector<16xi32>
      %broadcast_in_dim3A_1243 = vector.broadcast %add3A_1239 : f32 to vector<16xf32>
      %select_n3A_1244 = arith.select %eq3A_1242, %broadcast_in_dim3A_1243, %select_n3A_1205 : vector<16xi1>, vector<16xf32>
      %slice3A_1245 = vector.extract_strided_slice %get3A_32 {offsets = [7], sizes = [1], strides = [1]} : vector<16xi32> to vector<1xi32>
      %squeeze3A_1246 = vector.extract %slice3A_1245[0] : i32 from vector<1xi32>
      %and3A_1247 = arith.constant 127 : i32
      %and3A_1248 = arith.andi %squeeze3A_1246, %and3A_1247 : i32
      %broadcast_in_dim3A_1249 = vector.broadcast %and3A_1248 : i32 to vector<16xi32>
      %slice3A_1250 = vector.extract_strided_slice %get3A_36 {offsets = [7], sizes = [1], strides = [1]} : vector<16xi32> to vector<1xi32>
      %squeeze3A_1251 = vector.extract %slice3A_1250[0] : i32 from vector<1xi32>
      %and3A_1252 = arith.constant 127 : i32
      %and3A_1253 = arith.andi %squeeze3A_1251, %and3A_1252 : i32
      %broadcast_in_dim3A_1254 = vector.broadcast %and3A_1253 : i32 to vector<16xi32>
      %broadcast_in_dim3A_1255 = arith.constant 7 : i32
      %broadcast_in_dim3A_1256 = vector.broadcast %broadcast_in_dim3A_1255 : i32 to vector<16xi32>
      %broadcast_in_dim3A_1257 = arith.constant 0 : i32
      %broadcast_in_dim3A_1258 = vector.broadcast %broadcast_in_dim3A_1257 : i32 to vector<16xi32>
      %gather3A_1259 = tpu.vector_load_idx %arg12[%broadcast_in_dim3A_1256, %iota3A, %broadcast_in_dim3A_1249] : memref<8x32x128xf32, #tpu.memory_space<vmem>>[vector<16xi32>, vector<16xi32>, vector<16xi32>], vector<16xf32>,
      %gather3A_1260 = tpu.vector_load_idx %arg12[%broadcast_in_dim3A_1256, %add3A_22, %broadcast_in_dim3A_1249] : memref<8x32x128xf32, #tpu.memory_space<vmem>>[vector<16xi32>, vector<16xi32>, vector<16xi32>], vector<16xf32>,
      %gather3A_1261 = tpu.vector_load_idx %arg13[%broadcast_in_dim3A_1256, %iota3A, %broadcast_in_dim3A_1254] : memref<8x32x128xf32, #tpu.memory_space<vmem>>[vector<16xi32>, vector<16xi32>, vector<16xi32>], vector<16xf32>,
      %gather3A_1262 = tpu.vector_load_idx %arg13[%broadcast_in_dim3A_1256, %add3A_22, %broadcast_in_dim3A_1254] : memref<8x32x128xf32, #tpu.memory_space<vmem>>[vector<16xi32>, vector<16xi32>, vector<16xi32>], vector<16xf32>,
      %gather3A_1263 = tpu.vector_load_idx %arg14[%broadcast_in_dim3A_1256, %broadcast_in_dim3A_1258, %broadcast_in_dim3A_1249] : memref<8x1x128xf32, #tpu.memory_space<vmem>>[vector<16xi32>, vector<16xi32>, vector<16xi32>], vector<16xf32>,
      %gather3A_1264 = tpu.vector_load_idx %arg15[%broadcast_in_dim3A_1256, %broadcast_in_dim3A_1258, %broadcast_in_dim3A_1254] : memref<8x1x128xf32, #tpu.memory_space<vmem>>[vector<16xi32>, vector<16xi32>, vector<16xi32>], vector<16xf32>,
      %mul3A_1265 = arith.mulf %gather3A_1259, %gather3A_1261 : vector<16xf32>
      %mul3A_1266 = arith.mulf %gather3A_1260, %gather3A_1262 : vector<16xf32>
      %add3A_1267 = arith.addf %mul3A_1265, %mul3A_1266 : vector<16xf32>
      %reduce_sum3A_1268 = arith.constant true
      %reduce_sum3A_1269 = vector.broadcast %reduce_sum3A_1268 : i1 to vector<16xi1>
      %reduce_sum3A_1270 = tpu.scan <sum>, %add3A_1267 masked %reduce_sum3A_1269 : vector<16xf32>, vector<16xi1> -> vector<16xf32>
      %reduce_sum3A_1271 = vector.extract %reduce_sum3A_1270[15] : f32 from vector<16xf32>
      %slice3A_1272 = vector.extract_strided_slice %gather3A_1263 {offsets = [0], sizes = [1], strides = [1]} : vector<16xf32> to vector<1xf32>
      %squeeze3A_1273 = vector.extract %slice3A_1272[0] : f32 from vector<1xf32>
      %add3A_1274 = arith.addf %reduce_sum3A_1271, %squeeze3A_1273 : f32
      %slice3A_1275 = vector.extract_strided_slice %gather3A_1264 {offsets = [0], sizes = [1], strides = [1]} : vector<16xf32> to vector<1xf32>
      %squeeze3A_1276 = vector.extract %slice3A_1275[0] : f32 from vector<1xf32>
      %add3A_1277 = arith.addf %add3A_1274, %squeeze3A_1276 : f32
      %add3A_1278 = arith.addf %add3A_1277, %squeeze3A : f32
      %eq3A_1279 = arith.constant 7 : i32
      %eq3A_1280 = vector.broadcast %eq3A_1279 : i32 to vector<16xi32>
      %eq3A_1281 = arith.cmpi eq, %iota3A, %eq3A_1280 : vector<16xi32>
      %broadcast_in_dim3A_1282 = vector.broadcast %add3A_1278 : f32 to vector<16xf32>
      %select_n3A_1283 = arith.select %eq3A_1281, %broadcast_in_dim3A_1282, %select_n3A_1244 : vector<16xi1>, vector<16xf32>
      %mul3A_1284 = arith.constant 8 : i32
      %mul3A_1285 = arith.muli %scan3A_28, %mul3A_1284 : i32
      %swap3A = arith.index_cast %mul3A_1285 : i32 to index
      %swap3A_1286 = tpu.vector_load %arg16[%swap3A] {strides = array<i32>} : memref<528xf32, #tpu.memory_space<vmem>>, vector<16xf32>,
      tpu.vector_store %arg16[%swap3A], %select_n3A_1283 {strides = array<i32>} : memref<528xf32, #tpu.memory_space<vmem>>, vector<16xf32>,
    }
    %scan3A_27 = arith.constant 64 : i32
    "tpu.region"() ({
      %run_scoped3A = tpu.sem_alloc : memref<!tpu.dma_semaphore, #tpu.memory_space<semaphore_mem>>
      %dma_start3A = arith.constant 0 : i32
      %dma_start3A_28 = tpu.memref_slice %arg16[%dma_start3A] : memref<528xf32, #tpu.memory_space<vmem>> -> memref<512xf32, #tpu.memory_space<vmem>>
      %dma_start3A_29 = tpu.memref_slice %arg9[%mul3A_2] : memref<16384xf32, #tpu.memory_space<hbm>> -> memref<512xf32, #tpu.memory_space<hbm>>
      %dma_start3A_30 = tpu.memref_slice %arg9[%mul3A_2] : memref<16384xf32, #tpu.memory_space<hbm>> -> memref<512xf32, #tpu.memory_space<hbm>>
      %dma_start3A_31 = arith.constant 0 : i32
      %dma_start3A_32 = tpu.memref_slice %arg16[%dma_start3A_31] : memref<528xf32, #tpu.memory_space<vmem>> -> memref<512xf32, #tpu.memory_space<vmem>>
      tpu.enqueue_dma source(%dma_start3A_32 : memref<512xf32, #tpu.memory_space<vmem>>) target(%dma_start3A_30 : memref<512xf32, #tpu.memory_space<hbm>>) target_semaphore(%run_scoped3A : memref<!tpu.dma_semaphore, #tpu.memory_space<semaphore_mem>>)
      %dma_wait3A = arith.constant 0 : i32
      %dma_wait3A_33 = tpu.memref_slice %arg16[%dma_wait3A] : memref<528xf32, #tpu.memory_space<vmem>> -> memref<512xf32, #tpu.memory_space<vmem>>
      %dma_wait3A_34 = tpu.memref_slice %arg9[%mul3A_2] : memref<16384xf32, #tpu.memory_space<hbm>> -> memref<512xf32, #tpu.memory_space<hbm>>
      %dma_wait3A_35 = tpu.memref_slice %arg9[%mul3A_2] : memref<16384xf32, #tpu.memory_space<hbm>> -> memref<512xf32, #tpu.memory_space<hbm>>
      %dma_wait3A_36 = arith.constant 0 : i32
      %dma_wait3A_37 = tpu.memref_slice %arg16[%dma_wait3A_36] : memref<528xf32, #tpu.memory_space<vmem>> -> memref<512xf32, #tpu.memory_space<vmem>>
      tpu.wait_dma2 semaphore(%run_scoped3A : memref<!tpu.dma_semaphore, #tpu.memory_space<semaphore_mem>>) src(%dma_wait3A_37 : memref<512xf32, #tpu.memory_space<vmem>>) dst(%dma_wait3A_35 : memref<512xf32, #tpu.memory_space<hbm>>)
      tpu.yield
    }) : () -> ()
    return
  }
}

</mosaic_0001>

<sc_bundles>
// kernel: kernel.3.cloned.1.call-start
scs
__scs_entry_jumppad:
0x0: {  	(pc) =	sbr.rel $0x88, $3  }
0x1: {  	(tag) =	ssettag $0x0;
	lr =	simm.s32 $0x1  }
0x2: {  	[smem:$0x3F9A] =	sst lr;
	_ =	strace $0xD0000000  }
0x3: {  	_ = 	snop  }
0x4: {  	_ = 	snop  }
0x5: {  	_ = 	snop  }
0x6: {  	_ = 	snop  }
0x7: {  	_ = 	snop  }
__scs_overlays_trampoline_lowered:
0x8: {  	[smem:$0x3FA9] =	sst s0  }
0x9: {  	[smem:$0x3FAA] =	sst s1  }
0xa: {  	[smem:$0x3FAB] =	sst s2  }
0xb: {  	[smem:$0x3FAC] =	sst s3  }
0xc: {  	[smem:$0x3FAD] =	sst s4  }
0xd: {  	[smem:$0x3FAE] =	sst s5  }
0xe: {  	[smem:$0x3FAF] =	sst s6  }
0xf: {  	[smem:$0x3FB0] =	sst s7  }
0x10: {  	[smem:$0x3FB1] =	sst s8  }
0x11: {  	[smem:$0x3FB2] =	sst s9;
	s0 =	simm.s32 @!p0 $0x0  }
0x12: {  	s1 =	sld [smem:$0x3F98];
	s0 =	simm.s32 @p0 $0x1  }
0x13: {  	[smem:$0x3FB3] =	sst s0;
	s0 =	simm.s32 @!p1 $0x0  }
0x14: {  	s2 =	sld [smem:$0x3F97];
	s0 =	simm.s32 @p1 $0x1  }
0x15: {  	[smem:$0x3FB4] =	sst s0;
	s0 =	simm.s32 @!p2 $0x0  }
0x16: {  	s3 =	sld [smem:$0x3FDB];
	s0 =	simm.s32 @p2 $0x1  }
0x17: {  	s4 =	simm.s32 $0x1BF5;
	[smem:$0x3FB6] =	sst s0  }
0x18: {  	s0 =	sld [smem:$0x3F99];
	_ =	swait.ge [sflag:s4], $0x0  }
0x19: {  	s7 =	sld [smem:$0x3F9A]  }
0x1a: {  	s8 =	sadd.s32 $0xFFFFE003, lr  }
0x1b: {  	s9 =	sadd.s32 $0xFFFFFEF7, lr;
	s5 =	simm.s32 $0xFFFFFFFF;
	p2 =	slt.u32 s8, $0xFFFFF086  }
0x1c: {  	p1 =	slt.u32 s9, $0xF7A;
	s5 =	simm.s32 @!p2 $0x0  }
0x1d: {  	s5 =	simm.s32 @p1 $0x1;
	p0 =	seq.s32 s7, s2  }
0x1e: {  	s7 =	smul.u32 @!p0 $0xF7A, s2;
	p2 =	seq.s32 @!p0 s5, $0x0  }
0x1f: {  	s9 =	smul.u32 $0xF7A, s1;
	s8 =	simm.s32 @!p0 $0x1BF5;
	p2 =	por !p2, p0  }
0x20: {  	[sflag:s8] =	ssyncset.s32 @!p0 $0xFFFFF086;
	s6 =	sadd.s32 @!p0 s3, s7;
	s7 =	simm.s32 @!p0 $0x108  }
0x21: {  	s3 =	sadd.s32 s3, s9;
	s6 =	sadd.s32 @!p0 $0x88, s6;
	s7 =	simm.s32 @p2 $0x1082  }
0x22: {  	[simem:s7], [sflag:s8] =	dma.local @!p0 [hbm:s6], $0xF7A  }
0x23: {  	s9 =	sor.u32 $0xD0000000, s2;
	s6 =	simm.s32 $0x108;
	_ =	swait.ge @!p0 [sflag:s8], $0x0  }
0x24: {  	s3 =	sadd.s32 $0x88, s3;
	s6 =	simm.s32 @!p1 $0x1082;
	[sflag:s4] =	ssyncset.s32 $0xFFFFF086  }
0x25: {  	[simem:s6], [sflag:s4] =	dma.local [hbm:s3], $0xF7A  }
0x26: {  	[smem:$0x3F9A] =	sst s1;
	(tag) =	ssettag s2;
	_ =	strace s9  }
0x27: {  	s1 =	sld [smem:$0x3FAA]  }
0x28: {  	s2 =	sld [smem:$0x3FAB]  }
0x29: {  	s4 =	sld [smem:$0x3FAD]  }
0x2a: {  	p0 =	seq.s32 s5, $0x0;
	s5 =	sld [smem:$0x3FAE]  }
0x2b: {  	s6 =	sld [smem:$0x3FAF]  }
0x2c: {  	s7 =	sld [smem:$0x3FB0]  }
0x2d: {  	s3 =	simm.s32 $0x108;
	s8 =	sld [smem:$0x3FB1]  }
0x2e: {  	s3 =	simm.s32 @!p0 $0x1082;
	s9 =	sld [smem:$0x3FB2]  }
0x2f: {  	lr =	sadd.s32 s0, s3;
	s0 =	sld [smem:$0x3FA9]  }
0x30: {  	s3 =	sld [smem:$0x3FAC]  }
0x31: {  	[smem:$0x3FB5] =	sst s10  }
0x32: {  	s10 =	sld [smem:$0x3FB3];
	_ =	sdelay $0x3  }
0x33: {  	p0 =	seq.s32 s10, $0x1;
	s10 =	sld [smem:$0x3FB5];
	_ =	sdelay $0x3  }
0x34: {  	[smem:$0x3FB5] =	sst s10  }
0x35: {  	s10 =	sld [smem:$0x3FB4];
	_ =	sdelay $0x3  }
0x36: {  	p1 =	seq.s32 s10, $0x1;
	s10 =	sld [smem:$0x3FB5];
	_ =	sdelay $0x3  }
0x37: {  	[smem:$0x3FB5] =	sst s10  }
0x38: {  	s10 =	sld [smem:$0x3FB6]  }
0x39: {  	_ = 	snop;
	(pc) =	sbr.ind lr, $3  }
0x3a: {  	_ = 	snop  }
0x3b: {  	_ = 	snop  }
0x3c: {  	p2 =	seq.s32 s10, $0x1;
	s10 =	sld [smem:$0x3FB5]  }
0x3d: {  	_ =	shalt  }
0x3e: {  	_ =	shalt  }
0x3f: {  	_ =	shalt  }
0x40: {  	_ =	shalt  }
0x41: {  	_ =	shalt  }
0x42: {  	_ =	shalt  }
0x43: {  	_ =	shalt  }
0x44: {  	_ =	shalt  }
0x45: {  	_ =	shalt  }
0x46: {  	_ =	shalt  }
0x47: {  	_ =	shalt  }
0x48: {  	_ =	shalt  }
0x49: {  	_ =	shalt  }
0x4a: {  	_ =	shalt  }
0x4b: {  	_ =	shalt  }
0x4c: {  	_ =	shalt  }
0x4d: {  	_ =	shalt  }
0x4e: {  	_ =	shalt  }
0x4f: {  	_ =	shalt  }
0x50: {  	_ =	shalt  }
0x51: {  	_ =	shalt  }
0x52: {  	_ =	shalt  }
0x53: {  	_ =	shalt  }
0x54: {  	_ =	shalt  }
0x55: {  	_ =	shalt  }
0x56: {  	_ =	shalt  }
0x57: {  	_ =	shalt  }
0x58: {  	_ =	shalt  }
0x59: {  	_ =	shalt  }
0x5a: {  	_ =	shalt  }
0x5b: {  	_ =	shalt  }
0x5c: {  	_ =	shalt  }
0x5d: {  	_ =	shalt  }
0x5e: {  	_ =	shalt  }
0x5f: {  	_ =	shalt  }
0x60: {  	_ =	shalt  }
0x61: {  	_ =	shalt  }
0x62: {  	_ =	shalt  }
0x63: {  	_ =	shalt  }
0x64: {  	_ =	shalt  }
0x65: {  	_ =	shalt  }
0x66: {  	_ =	shalt  }
0x67: {  	_ =	shalt  }
0x68: {  	_ =	shalt  }
0x69: {  	_ =	shalt  }
0x6a: {  	_ =	shalt  }
0x6b: {  	_ =	shalt  }
0x6c: {  	_ =	shalt  }
0x6d: {  	_ =	shalt  }
0x6e: {  	_ =	shalt  }
0x6f: {  	_ =	shalt  }
0x70: {  	_ =	shalt  }
0x71: {  	_ =	shalt  }
0x72: {  	_ =	shalt  }
0x73: {  	_ =	shalt  }
0x74: {  	_ =	shalt  }
0x75: {  	_ =	shalt  }
0x76: {  	_ =	shalt  }
0x77: {  	_ =	shalt  }
0x78: {  	_ =	shalt  }
0x79: {  	_ =	shalt  }
0x7a: {  	_ =	shalt  }
0x7b: {  	_ =	shalt  }
0x7c: {  	_ =	shalt  }
0x7d: {  	_ =	shalt  }
0x7e: {  	_ =	shalt  }
0x7f: {  	_ =	shalt  }
0x80: {  	_ =	shalt  }
0x81: {  	_ =	shalt  }
0x82: {  	_ =	shalt  }
0x83: {  	_ =	shalt  }
0x84: {  	_ =	shalt  }
0x85: {  	_ =	shalt  }
0x86: {  	_ =	shalt  }
0x87: {  	_ =	shalt  }
.Lfunc_end0:
.L_simem_size_0:
called_computation_lowered:
.L_overlay_start_0:
0x88: {  	s2 =	sld [smem:$0x3FD9]  }
0x89: {  	s3 =	sld [smem:$0x3FFE];
	_ =	sdelay $0x1  }
0x8a: {  	s1 =	srdreg.scid  }
0x8b: {  	s0 =	sand.u32 $0x1, s1  }
0x8c: {  	s17 =	sshll.u32 s0, $0xA;
	s2 =	sadd.s32 s3, s2  }
0x8d: {  	s2 =	sadd.s32 s2, s17  }
0x8e: {  	[smem:$0x3FC1] =	sst s2  }
0x8f: {  	_ = 	snop  }
0x90: {  	s2 =	sld [smem:$0x3FC9]  }
0x91: {  	s18 =	sld [smem:$0x3FC8]  }
0x92: {  	s4 =	sld [smem:$0x3FC7]  }
0x93: {  	s5 =	sld [smem:$0x3FC6]  }
0x94: {  	s6 =	sld [smem:$0x3FC5]  }
0x95: {  	s7 =	sld [smem:$0x3FC4]  }
0x96: {  	s8 =	sld [smem:$0x3FD0];
	(tm) =	ssettm $0x1  }
0x97: {  	s9 =	sld [smem:$0x3FFB];
	_ =	sdelay $0x3  }
0x98: {  	_ =	strace s9  }
0x99: {  	s9 =	sld [smem:$0x3FFC];
	_ =	sdelay $0x3  }
0x9a: {  	_ =	strace s9  }
0x9b: {  	s9 =	sld [smem:$0x3FFD];
	_ =	sdelay $0x3  }
0x9c: {  	_ =	strace s9  }
0x9d: {  	_ =	strace $0x8FFFFFFF  }
0x9e: {  	s19 =	sld [smem:$0x3FDB];
	_ =	sdelay $0x1  }
0x9f: {  	s10 =	simm.s32 $_scs_section_size  }
0xa0: {  	s11 =	simm.s32 $_size__tile_overlayer_lowered;
	s12 =	simm.s32 $_tile_overlayer_lowered  }
0xa1: {  	s22 =	simm.s32 $0x1BFF;
	s21 =	sshll.u32 s12, $0x1;
	s9 =	sadd.s32 s10, s19  }
0xa2: {  	s13 =	simm.s32 $0x0;
	s20 =	sshll.u32 s11, $0x1;
	s11 =	sadd.s32 s21, s9  }
0xa3: {  	[timem:s13], [sflag:s22] =	dma.local [hbm:s11], s20  }
0xa4: {  	_ =	swait.ge [sflag:s22], s20  }
0xa5: {  	s10 =	ssub.s32 $0x0, s20;
	[sflag:s22] =	ssyncset.done $0x0  }
0xa6: {  	[sflag:s22] =	ssyncadd.s32 s10;
	_ =	sdelay $0x1  }
0xa7: {  	s23 =	simm.s32 $0x1B8B  }
0xa8: {  	_ =	swait.ge [sflag:s23], $0x1  }
0xa9: {  	[sflag:s23] =	ssyncset.done $0x0  }
0xaa: {  	s25 =	simm.s32 $0x1B8E;
	s24 =	sld [smem:$0x3FFE];
	[sflag:s23] =	ssyncadd.s32 $0xFFFFFFFF  }
0xab: {  	s26 =	simm.s32 $execute0_lowered;
	[smem:$0x3FD2] =	sst s25  }
0xac: {  	s11 =	sshll.u32 s26, $0x1;
	_ =	strace $0x80000046;
	[dreg:$0x1] =	wrdreg $0xFFFFFFFF  }
0xad: {  	s28 =	simm.s32 $_size_execute0_lowered;
	s9 =	sadd.s32 s9, s11;
	[dreg:$0x0] =	wrdreg $0x0  }
0xae: {  	s11 =	sshll.u32 s28, $0x1;
	[dreg:$0x2] =	wrdreg s9  }
0xaf: {  	[dreg:$0x3] =	wrdreg s11  }
0xb0: {  	[dreg:$0x4] =	wrdreg $0xC0  }
0xb1: {  	_ =	task [dreg:s13], $0x5FFFF  }
0xb2: {  	[dreg:$0x1] =	wrdreg $0xFFFFFFFF  }
0xb3: {  	[dreg:$0x0] =	wrdreg $0x60  }
0xb4: {  	[dreg:$0x2] =	wrdreg s4  }
0xb5: {  	[dreg:$0x3] =	wrdreg s5  }
0xb6: {  	[dreg:$0x4] =	wrdreg s6  }
0xb7: {  	[dreg:$0x5] =	wrdreg s7  }
0xb8: {  	[dreg:$0x6] =	wrdreg s2  }
0xb9: {  	[dreg:$0x7] =	wrdreg s18  }
0xba: {  	[dreg:$0x8] =	wrdreg s24  }
0xbb: {  	[dreg:$0x9] =	wrdreg s8  }
0xbc: {  	[dreg:$0xa] =	wrdreg $0x9  }
0xbd: {  	_ =	task.clear_ibuf [dreg:s13], $0xBFFFF;
	_ =	strace $0x90000046  }
0xbe: {  	s29 =	simm.s32 $0x9;
	_ =	strace $0x80000048  }
0xbf: {  	_ =	swait.ge [sflag:s29], $0x1  }
0xc0: {  	[sflag:s29] =	ssyncadd.s32 $0xFFFFFFFF  }
0xc1: {  	_ =	strace $0x90000048  }
0xc2: {  	_ =	sfence  }
0xc3: {  	s30 =	sld [smem:$0x0];
	_ =	sdelay $0x2  }
0xc4: {  	s31 =	sshll.u32 s1, $0xD;
	s1 =	sshrl.u32 s1, $0x2  }
0xc5: {  	s3 =	sand.u32 $0x4000, s31;
	s1 =	sadd.s32 s1, s30  }
0xc6: {  	s0 =	sor.u32 s3, s0;
	s1 =	sshll.u32 s1, $0x11  }
0xc7: {  	s0 =	sor.u32 s1, s0  }
0xc8: {  	s0 =	sadd.s32 $0x8F2B, s0  }
0xc9: {  	[sflag:s0] =	ssyncadd.remote.s32 $0x1  }
0xca: {  	_ =	sfence.sel $0xFFFF  }
0xcb: {  	[dreg:$0x0] =	wrdreg $0xFFFFFFFF;
	(pc) =	sbr.abs _section_cstart, $3  }
0xcc: {  	[dreg:$0x1] =	wrdreg $0xFFFFFFFF  }
0xcd: {  	_ =	task.clear_ibuf [dreg:s13], $0x2FFFF;
	_ =	strace $0x9FFFFFFF  }
0xce: {  	(tm) =	ssettm $0x7FFFFFFF  }
0xcf: {  	_ =	shalt  }
tec
execute0_lowered:
.L_overlay_start_1:
0x0: {  	(tag) =	ssettag $0x1  }
0x1: {  	s3 =	rddreg [dreg:$0x0]  }
0x2: {  	s4 =	rddreg [dreg:$0x1]  }
0x3: {  	s31 =	rddreg [dreg:$0x2]  }
0x4: {  	s24 =	rddreg [dreg:$0x3]  }
0x5: {  	s2 =	rddreg [dreg:$0x4]  }
0x6: {  	s6 =	rddreg [dreg:$0x5]  }
0x7: {  	s7 =	rddreg [dreg:$0x6]  }
0x8: {  	s0 =	rddreg [dreg:$0x7];
	s5 =	simm.s32 $0x0  }
0x9: {  	[smem:$0x7FF] =	sst s5;
	s1 =	sadd.s32 $0x400, s7  }
0xa: {  	s8 =	simm.s32 $0x1500;
	_ =	strace $0x80000047;
	[smem:$0x7EE] =	sst s1  }
0xb: {  	s18 =	simm.s32 $0x9500;
	[dreg:$0x9] =	wrdreg s8  }
0xc: {  	s19 =	simm.s32 $0x10580;
	[dreg:$0xa] =	wrdreg s18  }
0xd: {  	s20 =	simm.s32 $0x10980;
	[dreg:$0xb] =	wrdreg s19  }
0xe: {  	s21 =	simm.s32 $0x2500;
	[dreg:$0xc] =	wrdreg s20  }
0xf: {  	s23 =	simm.s32 $0xA500;
	[dreg:$0xd] =	wrdreg s21  }
0x10: {  	s25 =	simm.s32 $0x10600;
	[dreg:$0xe] =	wrdreg s23  }
0x11: {  	s26 =	simm.s32 $0x10A00;
	[dreg:$0xf] =	wrdreg s25  }
0x12: {  	s11 =	simm.s32 $0x3500;
	[dreg:$0x10] =	wrdreg s26  }
0x13: {  	s13 =	simm.s32 $0xB500;
	[dreg:$0x11] =	wrdreg s11  }
0x14: {  	s16 =	srdreg.scid;
	s14 =	simm.s32 $0x10680;
	[dreg:$0x12] =	wrdreg s13  }
0x15: {  	s7 =	sand.u32 $0x1, s16;
	s16 =	simm.s32 $0x10A80;
	[dreg:$0x13] =	wrdreg s14  }
0x16: {  	[dreg:$0x14] =	wrdreg s16;
	s18 =	simm.s32 $0x4500  }
0x17: {  	s20 =	simm.s32 $0xC500;
	[dreg:$0x15] =	wrdreg s18  }
0x18: {  	s17 =	stileid.u32;
	s25 =	simm.s32 $0x10B00;
	[dreg:$0x16] =	wrdreg s20  }
0x19: {  	s22 =	sshll.u32 s17, $0x7;
	s11 =	simm.s32 $0x5500;
	[dreg:$0x18] =	wrdreg s25  }
0x1a: {  	s9 =	ssub.s32 $0x2, s7;
	s13 =	simm.s32 $0xD500;
	[dreg:$0x19] =	wrdreg s11  }
0x1b: {  	s7 =	sshll.u32 s7, $0x6;
	s16 =	simm.s32 $0x10B80;
	[dreg:$0x1a] =	wrdreg s13  }
0x1c: {  	s7 =	sor.u32 s7, s22;
	s22 =	simm.s32 $0x10700;
	[dreg:$0x1c] =	wrdreg s16  }
0x1d: {  	s18 =	simm.s32 $0x6500;
	[dreg:$0x17] =	wrdreg s22  }
0x1e: {  	s20 =	simm.s32 $0x10800;
	[dreg:$0x1d] =	wrdreg s18  }
0x1f: {  	s10 =	sshrl.u32 s9, $0x1;
	s25 =	simm.s32 $0x10880;
	[dreg:$0x1f] =	wrdreg s20  }
0x20: {  	s9 =	ssub.s32 s9, s10;
	s10 =	sadd.s32 s2, s7;
	[smem:$0x7FC] =	sst s25  }
0x21: {  	s12 =	sadd.s32 s6, s7;
	[smem:$0x7EF] =	sst s10  }
0x22: {  	s0 =	sadd.s32 s0, s7;
	[smem:$0x7F0] =	sst s12  }
0x23: {  	s19 =	sor.u32 $0x20, s7;
	s22 =	simm.s32 $0x7500;
	[smem:$0x7F7] =	sst s0  }
0x24: {  	s21 =	sadd.s32 s2, s19;
	[smem:$0x7FA] =	sst s22  }
0x25: {  	s26 =	sor.u32 $0x30, s7;
	s23 =	sadd.s32 s6, s19;
	[smem:$0x7F3] =	sst s21  }
0x26: {  	s12 =	sadd.s32 s2, s26;
	[smem:$0x7F4] =	sst s23  }
0x27: {  	s28 =	simm.s32 $0x7A1400;
	s14 =	sadd.s32 s6, s26;
	[smem:$0x7F5] =	sst s12  }
0x28: {  	v0 =	vlaneseq.u32;
	s29 =	simm.s32 $0x500;
	s19 =	simm.s32 $0xE500;
	[smem:$0x7F6] =	sst s14  }
0x29: {  	vm0 =	vcmask $0x300;
	vm1 =	vcmask $0x704;
	vm2 =	vcmask $0xB08;
	s10 =	sor.u32 $0x10, s7;
	s26 =	simm.s32 $0x10C80;
	[dreg:$0x1e] =	wrdreg s19  }
0x2a: {  	s30 =	simm.s32 $0x8500;
	vm3 =	vcmask $0xF0C;
	vm4 =	vcmask $0x1310;
	v0 =	vmul.u32 $0x80, v0;
	s15 =	sadd.s32 s2, s10;
	[smem:$0x7FD] =	sst s26  }
0x2b: {  	vm5 =	vcmask $0x1714;
	vm6 =	vcmask $0x1B18;
	vm7 =	vcmask $0x1F1C;
	s1 =	simm.s32 $0x3;
	s17 =	sadd.s32 s6, s10;
	[smem:$0x7F1] =	sst s15  }
0x2c: {  	v1 =	vor.u32 $0x800, v0;
	v2 =	vor.u32 $0x1000, v0;
	v3 =	vor.u32 $0x1800, v0;
	s25 =	simm.s32 $0x400;
	s21 =	simm.s32 $0x10C00;
	[smem:$0x7F2] =	sst s17  }
0x2d: {  	v4 =	vor.u32 $0x2000, v0;
	v5 =	vor.u32 $0x2800, v0;
	v6 =	vor.u32 $0x3000, v0;
	s7 =	simm.s32 $0x0;
	s23 =	simm.s32 $0xF500;
	[smem:$0x7F9] =	sst s21  }
0x2e: {  	v7 =	vor.u32 $0x3800, v0;
	v8 =	vor.u32 $0x4000, v0;
	v9 =	vor.u32 $0x4800, v0;
	s2 =	simm.s32 $0x10500;
	s15 =	simm.s32 $0x10780;
	[smem:$0x7FB] =	sst s23  }
0x2f: {  	v10 =	vor.u32 $0x5000, v0;
	v11 =	vor.u32 $0x5800, v0;
	v12 =	vor.u32 $0x6000, v0;
	s14 =	simm.s32 $0x10900;
	s17 =	smax.u32 s9, $0x1;
	[dreg:$0x1b] =	wrdreg s15  }
0x30: {  	v13 =	vor.u32 $0x6800, v0;
	v14 =	vor.u32 $0x7000, v0;
	v15 =	vor.u32 $0x7800, v0;
	s6 =	simm.s32 $0x1;
	s19 =	simm.s32 $0x2;
	[smem:$0x7F8] =	sst s17  }
.LBB2_1:
0x31: {  	s0 =	sld [smem:$0x7EF];
	_ =	sdelay $0x1  }
0x32: {  	[smem:$0x7ED] =	sst s7  }
0x33: {  	[tilespmem:s5], [sflag:$0x3] =	stream.linear.gather [hbm4b:s0+s5], $0x80, $0x38;
	[tilespmem:$0x11000] =	vst v63  }
0x34: {  	_ =	swait.ge [sflag:s1], $0x80  }
0x35: {  	s8 =	sld [smem:$0x7F0]  }
0x36: {  	[sflag:s1] =	ssyncset.done $0x0  }
0x37: {  	s9 =	simm.s32 $0x280;
	[sflag:s1] =	ssyncadd.s32 $0xFFFFFF80  }
0x38: {  	[tilespmem:s9], [sflag:$0x3] =	stream.linear.gather [hbm4b:s8+s5], $0x80, $0x38;
	[tilespmem:$0x11000] =	vst v63  }
0x39: {  	_ =	swait.ge [sflag:s1], $0x80  }
0x3a: {  	s10 =	sld [smem:$0x7F1]  }
0x3b: {  	[sflag:s1] =	ssyncset.done $0x0  }
0x3c: {  	s11 =	simm.s32 $0x80;
	[sflag:s1] =	ssyncadd.s32 $0xFFFFFF80  }
0x3d: {  	[tilespmem:s11], [sflag:$0x3] =	stream.linear.gather [hbm4b:s10+s5], $0x80, $0x38;
	[tilespmem:$0x11000] =	vst v63  }
0x3e: {  	_ =	swait.ge [sflag:s1], $0x80  }
0x3f: {  	s12 =	sld [smem:$0x7F2]  }
0x40: {  	[sflag:s1] =	ssyncset.done $0x0  }
0x41: {  	s13 =	simm.s32 $0x300;
	[sflag:s1] =	ssyncadd.s32 $0xFFFFFF80  }
0x42: {  	[tilespmem:s13], [sflag:$0x3] =	stream.linear.gather [hbm4b:s12+s5], $0x80, $0x38;
	[tilespmem:$0x11000] =	vst v63  }
0x43: {  	_ =	swait.ge [sflag:s1], $0x80  }
0x44: {  	s15 =	sld [smem:$0x7F3]  }
0x45: {  	[sflag:s1] =	ssyncset.done $0x0  }
0x46: {  	s16 =	simm.s32 $0x100;
	[sflag:s1] =	ssyncadd.s32 $0xFFFFFF80  }
0x47: {  	[tilespmem:s16], [sflag:$0x3] =	stream.linear.gather [hbm4b:s15+s5], $0x80, $0x38;
	[tilespmem:$0x11000] =	vst v63  }
0x48: {  	_ =	swait.ge [sflag:s1], $0x80  }
0x49: {  	s17 =	sld [smem:$0x7F4]  }
0x4a: {  	[sflag:s1] =	ssyncset.done $0x0  }
0x4b: {  	s18 =	simm.s32 $0x380;
	[sflag:s1] =	ssyncadd.s32 $0xFFFFFF80  }
0x4c: {  	[tilespmem:s18], [sflag:$0x3] =	stream.linear.gather [hbm4b:s17+s5], $0x80, $0x38;
	[tilespmem:$0x11000] =	vst v63  }
0x4d: {  	_ =	swait.ge [sflag:s1], $0x80  }
0x4e: {  	s20 =	sld [smem:$0x7F5]  }
0x4f: {  	[sflag:s1] =	ssyncset.done $0x0  }
0x50: {  	s21 =	simm.s32 $0x180;
	[sflag:s1] =	ssyncadd.s32 $0xFFFFFF80  }
0x51: {  	[tilespmem:s21], [sflag:$0x3] =	stream.linear.gather [hbm4b:s20+s5], $0x80, $0x38;
	[tilespmem:$0x11000] =	vst v63  }
0x52: {  	_ =	swait.ge [sflag:s1], $0x80  }
0x53: {  	s22 =	sld [smem:$0x7F6]  }
0x54: {  	[sflag:s1] =	ssyncset.done $0x0  }
0x55: {  	[sflag:s1] =	ssyncadd.s32 $0xFFFFFF80  }
0x56: {  	[tilespmem:s25], [sflag:$0x3] =	stream.linear.gather [hbm4b:s22+s5], $0x80, $0x38;
	[tilespmem:$0x11000] =	vst v63  }
0x57: {  	_ =	swait.ge [sflag:s1], $0x80  }
0x58: {  	s23 =	sld [smem:$0x7EE]  }
0x59: {  	[sflag:s1] =	ssyncset.done $0x0  }
0x5a: {  	s26 =	simm.s32 $0x10F80;
	[sflag:s1] =	ssyncadd.s32 $0xFFFFFF80  }
0x5b: {  	[tilespmem:s26], [sflag:$0x3] =	stream.linear.gather [hbm4b:s23+s5], $0x80, $0x38;
	[tilespmem:$0x11000] =	vst v63  }
0x5c: {  	_ =	swait.ge [sflag:s1], $0x80  }
0x5d: {  	[sflag:s1] =	ssyncset.done $0x0  }
0x5e: {  	[sflag:s1] =	ssyncadd.s32 $0xFFFFFF80  }
0x5f: {  	v16 =	vld [tilespmem:$0x10F80];
	_ =	sdelay $0x4  }
0x60: {  	(v2sf) =	vpush v16, $0x0;
	_ =	sdelay $0xe  }
0x61: {  	s23 =	simm.s32 $0x0;
	s22 =	spop (v2sf)  }
.LBB2_2:
0x62: {  	s0 =	sshra.s32 s23, $0x2  }
0x63: {  	v17 =	vld [tilespmem:s0+$0x0]  }
0x64: {  	v16 =	vld [tilespmem:s0+$0x280];
	_ =	sdelay $0x3  }
0x65: {  	(v2sf) =	vpush v17, $0x0  }
0x66: {  	(v2sf) =	vpush v16, $0x0;
	_ =	sdelay $0x7  }
0x67: {  	(v2sf) =	vpush v17, $0x1;
	_ =	sdelay $0x4  }
0x68: {  	(v2sf) =	vpush v16, $0x1  }
0x69: {  	s20 =	spop (v2sf)  }
0x6a: {  	s13 =	sand.u32 $0x1FFFFF80, s20;
	s26 =	spop (v2sf)  }
0x6b: {  	[smem:$0x7EC] =	sst s0;
	s0 =	sadd.s32 s3, s13;
	s15 =	sand.u32 $0x1FFFFF80, s26  }
0x6c: {  	[tilespmem:s29], [sflag:$0x1] =	stream.strided.gather [hbm4b:s0+s25], $0x1000, s28, s25, $0x38;
	[tilespmem:$0x11000] =	vst v63  }
0x6d: {  	s16 =	sshrl.u32 s20, $0x3;
	s0 =	sadd.s32 s4, s15  }
0x6e: {  	(v2sf) =	vpush v17, $0x2;
	[tilespmem:s30], [sflag:$0x1] =	stream.strided.gather [hbm4b:s0+s25], $0x1000, s28, s25, $0x38;
	[tilespmem:$0x11000] =	vst v63  }
0x6f: {  	s0 =	sand.u32 $0x1FFFFFF0, s16  }
0x70: {  	s17 =	sshrl.u32 s26, $0x3;
	s0 =	sadd.s32 s31, s0  }
0x71: {  	[tilespmem:s2], [sflag:$0x2] =	stream.linear.gather [hbm4b:s0+s5], $0x80, $0x38;
	[tilespmem:$0x11000] =	vst v63  }
0x72: {  	s7 =	spop (v2sf);
	s0 =	sand.u32 $0x1FFFFFF0, s17  }
0x73: {  	(v2sf) =	vpush v16, $0x2;
	s8 =	sand.u32 $0x1FFFFF80, s7;
	s0 =	sadd.s32 s24, s0  }
0x74: {  	[tilespmem:s14], [sflag:$0x2] =	stream.linear.gather [hbm4b:s0+s5], $0x80, $0x38;
	[tilespmem:$0x11000] =	vst v63  }
0x75: {  	s18 =	rddreg [dreg:$0x9];
	s8 =	sadd.s32 s3, s8  }
0x76: {  	[tilespmem:s18], [sflag:$0x1] =	stream.strided.gather [hbm4b:s8+s25], $0x1000, s28, s25, $0x38;
	[tilespmem:$0x11000] =	vst v63  }
0x77: {  	s8 =	spop (v2sf)  }
0x78: {  	s1 =	sshrl.u32 s7, $0x3;
	s9 =	sand.u32 $0x1FFFFF80, s8  }
0x79: {  	s21 =	rddreg [dreg:$0xa];
	(v2sf) =	vpush v17, $0x3;
	s0 =	sand.u32 $0x1FFFFFF0, s1;
	s9 =	sadd.s32 s4, s9  }
0x7a: {  	[tilespmem:s21], [sflag:$0x1] =	stream.strided.gather [hbm4b:s9+s25], $0x1000, s28, s25, $0x38;
	[tilespmem:$0x11000] =	vst v63  }
0x7b: {  	s2 =	rddreg [dreg:$0xb];
	s0 =	sadd.s32 s31, s0;
	s10 =	sshrl.u32 s8, $0x3  }
0x7c: {  	[tilespmem:s2], [sflag:$0x2] =	stream.linear.gather [hbm4b:s0+s5], $0x80, $0x38;
	[tilespmem:$0x11000] =	vst v63  }
0x7d: {  	s9 =	spop (v2sf);
	s0 =	sand.u32 $0x1FFFFFF0, s10  }
0x7e: {  	s11 =	rddreg [dreg:$0xc];
	(v2sf) =	vpush v16, $0x3;
	s10 =	sand.u32 $0x1FFFFF80, s9;
	s0 =	sadd.s32 s24, s0  }
0x7f: {  	[tilespmem:s11], [sflag:$0x2] =	stream.linear.gather [hbm4b:s0+s5], $0x80, $0x38;
	[tilespmem:$0x11000] =	vst v63  }
0x80: {  	s12 =	rddreg [dreg:$0xd];
	s10 =	sadd.s32 s3, s10  }
0x81: {  	[tilespmem:s12], [sflag:$0x1] =	stream.strided.gather [hbm4b:s10+s25], $0x1000, s28, s25, $0x38;
	[tilespmem:$0x11000] =	vst v63  }
0x82: {  	s10 =	spop (v2sf)  }
0x83: {  	s14 =	sshrl.u32 s9, $0x3;
	s11 =	sand.u32 $0x1FFFFF80, s10  }
0x84: {  	(v2sf) =	vpush v17, $0x4;
	s13 =	rddreg [dreg:$0xe];
	s0 =	sand.u32 $0x1FFFFFF0, s14;
	s11 =	sadd.s32 s4, s11  }
0x85: {  	[tilespmem:s13], [sflag:$0x1] =	stream.strided.gather [hbm4b:s11+s25], $0x1000, s28, s25, $0x38;
	[tilespmem:$0x11000] =	vst v63  }
0x86: {  	s15 =	rddreg [dreg:$0xf];
	s0 =	sadd.s32 s31, s0;
	s16 =	sshrl.u32 s10, $0x3  }
0x87: {  	[tilespmem:s15], [sflag:$0x2] =	stream.linear.gather [hbm4b:s0+s5], $0x80, $0x38;
	[tilespmem:$0x11000] =	vst v63  }
0x88: {  	s11 =	spop (v2sf);
	s0 =	sand.u32 $0x1FFFFFF0, s16  }
0x89: {  	(v2sf) =	vpush v16, $0x4;
	s17 =	rddreg [dreg:$0x10];
	s12 =	sand.u32 $0x1FFFFF80, s11;
	s0 =	sadd.s32 s24, s0  }
0x8a: {  	[tilespmem:s17], [sflag:$0x2] =	stream.linear.gather [hbm4b:s0+s5], $0x80, $0x38;
	[tilespmem:$0x11000] =	vst v63  }
0x8b: {  	s18 =	rddreg [dreg:$0x11];
	s12 =	sadd.s32 s3, s12  }
0x8c: {  	[tilespmem:s18], [sflag:$0x1] =	stream.strided.gather [hbm4b:s12+s25], $0x1000, s28, s25, $0x38;
	[tilespmem:$0x11000] =	vst v63  }
0x8d: {  	s12 =	spop (v2sf)  }
0x8e: {  	s1 =	sshrl.u32 s11, $0x3;
	s13 =	sand.u32 $0x1FFFFF80, s12  }
0x8f: {  	s21 =	rddreg [dreg:$0x12];
	s0 =	sand.u32 $0x1FFFFFF0, s1;
	s13 =	sadd.s32 s4, s13  }
0x90: {  	(v2sf) =	vpush v17, $0x5;
	[tilespmem:s21], [sflag:$0x1] =	stream.strided.gather [hbm4b:s13+s25], $0x1000, s28, s25, $0x38;
	[tilespmem:$0x11000] =	vst v63  }
0x91: {  	s2 =	rddreg [dreg:$0x13];
	s0 =	sadd.s32 s31, s0;
	s14 =	sshrl.u32 s12, $0x3  }
0x92: {  	[tilespmem:s2], [sflag:$0x2] =	stream.linear.gather [hbm4b:s0+s5], $0x80, $0x38;
	[tilespmem:$0x11000] =	vst v63  }
0x93: {  	s0 =	sand.u32 $0x1FFFFFF0, s14;
	s14 =	spop (v2sf)  }
0x94: {  	s15 =	rddreg [dreg:$0x14];
	s0 =	sadd.s32 s24, s0;
	s17 =	sand.u32 $0x1FFFFF80, s14  }
0x95: {  	(v2sf) =	vpush v16, $0x5;
	[tilespmem:s15], [sflag:$0x2] =	stream.linear.gather [hbm4b:s0+s5], $0x80, $0x38;
	[tilespmem:$0x11000] =	vst v63  }
0x96: {  	s16 =	rddreg [dreg:$0x15];
	s13 =	sadd.s32 s3, s17  }
0x97: {  	[tilespmem:s16], [sflag:$0x1] =	stream.strided.gather [hbm4b:s13+s25], $0x1000, s28, s25, $0x38;
	[tilespmem:$0x11000] =	vst v63  }
0x98: {  	s13 =	spop (v2sf)  }
0x99: {  	s21 =	sshrl.u32 s14, $0x3;
	s15 =	sand.u32 $0x1FFFFF80, s13  }
0x9a: {  	s18 =	rddreg [dreg:$0x16];
	s0 =	sand.u32 $0x1FFFFFF0, s21;
	s15 =	sadd.s32 s4, s15  }
0x9b: {  	[tilespmem:s18], [sflag:$0x1] =	stream.strided.gather [hbm4b:s15+s25], $0x1000, s28, s25, $0x38;
	[tilespmem:$0x11000] =	vst v63  }
0x9c: {  	(v2sf) =	vpush v17, $0x6;
	s1 =	rddreg [dreg:$0x17];
	s0 =	sadd.s32 s31, s0;
	s15 =	sshrl.u32 s13, $0x3  }
0x9d: {  	[tilespmem:s1], [sflag:$0x2] =	stream.linear.gather [hbm4b:s0+s5], $0x80, $0x38;
	[tilespmem:$0x11000] =	vst v63  }
0x9e: {  	s0 =	sand.u32 $0x1FFFFFF0, s15  }
0x9f: {  	s16 =	rddreg [dreg:$0x18];
	s15 =	spop (v2sf);
	s0 =	sadd.s32 s24, s0  }
0xa0: {  	[tilespmem:s16], [sflag:$0x2] =	stream.linear.gather [hbm4b:s0+s5], $0x80, $0x38;
	[tilespmem:$0x11000] =	vst v63  }
0xa1: {  	(v2sf) =	vpush v16, $0x6;
	s16 =	sand.u32 $0x1FFFFF80, s15  }
0xa2: {  	s17 =	rddreg [dreg:$0x19];
	s16 =	sadd.s32 s3, s16  }
0xa3: {  	[tilespmem:s17], [sflag:$0x1] =	stream.strided.gather [hbm4b:s16+s25], $0x1000, s28, s25, $0x38;
	[tilespmem:$0x11000] =	vst v63  }
0xa4: {  	s16 =	spop (v2sf)  }
0xa5: {  	s21 =	sshrl.u32 s15, $0x3;
	s17 =	sand.u32 $0x1FFFFF80, s16  }
0xa6: {  	s18 =	rddreg [dreg:$0x1a];
	s0 =	sand.u32 $0x1FFFFFF0, s21;
	s17 =	sadd.s32 s4, s17  }
0xa7: {  	[tilespmem:s18], [sflag:$0x1] =	stream.strided.gather [hbm4b:s17+s25], $0x1000, s28, s25, $0x38;
	[tilespmem:$0x11000] =	vst v63  }
0xa8: {  	s1 =	rddreg [dreg:$0x1b];
	s0 =	sadd.s32 s31, s0;
	s17 =	sshrl.u32 s16, $0x3  }
0xa9: {  	[tilespmem:s1], [sflag:$0x2] =	stream.linear.gather [hbm4b:s0+s5], $0x80, $0x38;
	[tilespmem:$0x11000] =	vst v63  }
0xaa: {  	s0 =	sand.u32 $0x1FFFFFF0, s17  }
0xab: {  	s18 =	rddreg [dreg:$0x1c];
	s17 =	spop (v2sf);
	s0 =	sadd.s32 s24, s0  }
0xac: {  	[tilespmem:s18], [sflag:$0x2] =	stream.linear.gather [hbm4b:s0+s5], $0x80, $0x38;
	[tilespmem:$0x11000] =	vst v63  }
0xad: {  	(v2sf) =	vpush v17, $0x7;
	s18 =	sand.u32 $0x1FFFFF80, s17  }
0xae: {  	s21 =	rddreg [dreg:$0x1d];
	s18 =	sadd.s32 s3, s18  }
0xaf: {  	[tilespmem:s21], [sflag:$0x1] =	stream.strided.gather [hbm4b:s18+s25], $0x1000, s28, s25, $0x38;
	[tilespmem:$0x11000] =	vst v63  }
0xb0: {  	s21 =	spop (v2sf)  }
0xb1: {  	(v2sf) =	vpush v16, $0x7;
	s1 =	sand.u32 $0x1FFFFF80, s21  }
0xb2: {  	s0 =	rddreg [dreg:$0x1e];
	s18 =	sadd.s32 s4, s1  }
0xb3: {  	[tilespmem:s0], [sflag:$0x1] =	stream.strided.gather [hbm4b:s18+s25], $0x1000, s28, s25, $0x38;
	[tilespmem:$0x11000] =	vst v63  }
0xb4: {  	s18 =	sshrl.u32 s17, $0x3  }
0xb5: {  	s0 =	sand.u32 $0x1FFFFFF0, s18  }
0xb6: {  	s1 =	rddreg [dreg:$0x1f];
	s0 =	sadd.s32 s31, s0  }
0xb7: {  	[tilespmem:s1], [sflag:$0x2] =	stream.linear.gather [hbm4b:s0+s5], $0x80, $0x38;
	[tilespmem:$0x11000] =	vst v63  }
0xb8: {  	s18 =	sshrl.u32 s21, $0x3;
	s1 =	sld [smem:$0x7F9]  }
0xb9: {  	s0 =	sand.u32 $0x1FFFFFF0, s18  }
0xba: {  	s0 =	sadd.s32 s24, s0  }
0xbb: {  	[tilespmem:s1], [sflag:$0x2] =	stream.linear.gather [hbm4b:s0+s5], $0x80, $0x38;
	[tilespmem:$0x11000] =	vst v63  }
0xbc: {  	s18 =	sld [smem:$0x7FA];
	s0 =	spop (v2sf)  }
0xbd: {  	s1 =	sand.u32 $0x1FFFFF80, s0  }
0xbe: {  	s1 =	sadd.s32 s3, s1  }
0xbf: {  	[tilespmem:s18], [sflag:$0x1] =	stream.strided.gather [hbm4b:s1+s25], $0x1000, s28, s25, $0x38;
	[tilespmem:$0x11000] =	vst v63  }
0xc0: {  	s18 =	spop (v2sf);
	s1 =	sld [smem:$0x7FB]  }
0xc1: {  	s3 =	sand.u32 $0x1FFFFF80, s18  }
0xc2: {  	s3 =	sadd.s32 s4, s3  }
0xc3: {  	[tilespmem:s1], [sflag:$0x1] =	stream.strided.gather [hbm4b:s3+s25], $0x1000, s28, s25, $0x38;
	[tilespmem:$0x11000] =	vst v63  }
0xc4: {  	s1 =	sshrl.u32 s0, $0x3;
	s3 =	sld [smem:$0x7FC]  }
0xc5: {  	s1 =	sand.u32 $0x1FFFFFF0, s1  }
0xc6: {  	s1 =	sadd.s32 s31, s1  }
0xc7: {  	[tilespmem:s3], [sflag:$0x2] =	stream.linear.gather [hbm4b:s1+s5], $0x80, $0x38;
	[tilespmem:$0x11000] =	vst v63  }
0xc8: {  	s1 =	sshrl.u32 s18, $0x3;
	s3 =	sld [smem:$0x7FD]  }
0xc9: {  	s1 =	sand.u32 $0x1FFFFFF0, s1  }
0xca: {  	s1 =	sadd.s32 s24, s1  }
0xcb: {  	[tilespmem:s3], [sflag:$0x2] =	stream.linear.gather [hbm4b:s1+s5], $0x80, $0x38;
	[tilespmem:$0x11000] =	vst v63  }
0xcc: {  	_ =	swait.ge [sflag:s6], $0x1000  }
0xcd: {  	[sflag:s6] =	ssyncset.done $0x0  }
0xce: {  	[sflag:s6] =	ssyncadd.s32 $0xFFFFF000  }
0xcf: {  	_ =	swait.ge [sflag:s6], $0x1000  }
0xd0: {  	[sflag:s6] =	ssyncset.done $0x0  }
0xd1: {  	[sflag:s6] =	ssyncadd.s32 $0xFFFFF000  }
0xd2: {  	_ =	swait.ge [sflag:s19], $0x80  }
0xd3: {  	[sflag:s19] =	ssyncset.done $0x0  }
0xd4: {  	[sflag:s19] =	ssyncadd.s32 $0xFFFFFF80  }
0xd5: {  	_ =	swait.ge [sflag:s19], $0x80  }
0xd6: {  	[sflag:s19] =	ssyncset.done $0x0  }
0xd7: {  	[sflag:s19] =	ssyncadd.s32 $0xFFFFFF80  }
0xd8: {  	_ =	swait.ge [sflag:s6], $0x1000  }
0xd9: {  	[sflag:s6] =	ssyncset.done $0x0  }
0xda: {  	[sflag:s6] =	ssyncadd.s32 $0xFFFFF000  }
0xdb: {  	_ =	swait.ge [sflag:s6], $0x1000  }
0xdc: {  	[sflag:s6] =	ssyncset.done $0x0  }
0xdd: {  	[sflag:s6] =	ssyncadd.s32 $0xFFFFF000  }
0xde: {  	_ =	swait.ge [sflag:s19], $0x80  }
0xdf: {  	[sflag:s19] =	ssyncset.done $0x0  }
0xe0: {  	[sflag:s19] =	ssyncadd.s32 $0xFFFFFF80  }
0xe1: {  	_ =	swait.ge [sflag:s19], $0x80  }
0xe2: {  	[sflag:s19] =	ssyncset.done $0x0  }
0xe3: {  	[sflag:s19] =	ssyncadd.s32 $0xFFFFFF80  }
0xe4: {  	_ =	swait.ge [sflag:s6], $0x1000  }
0xe5: {  	[sflag:s6] =	ssyncset.done $0x0  }
0xe6: {  	[sflag:s6] =	ssyncadd.s32 $0xFFFFF000  }
0xe7: {  	_ =	swait.ge [sflag:s6], $0x1000  }
0xe8: {  	[sflag:s6] =	ssyncset.done $0x0  }
0xe9: {  	[sflag:s6] =	ssyncadd.s32 $0xFFFFF000  }
0xea: {  	_ =	swait.ge [sflag:s19], $0x80  }
0xeb: {  	[sflag:s19] =	ssyncset.done $0x0  }
0xec: {  	[sflag:s19] =	ssyncadd.s32 $0xFFFFFF80  }
0xed: {  	_ =	swait.ge [sflag:s19], $0x80  }
0xee: {  	[sflag:s19] =	ssyncset.done $0x0  }
0xef: {  	[sflag:s19] =	ssyncadd.s32 $0xFFFFFF80  }
0xf0: {  	_ =	swait.ge [sflag:s6], $0x1000  }
0xf1: {  	[sflag:s6] =	ssyncset.done $0x0  }
0xf2: {  	[sflag:s6] =	ssyncadd.s32 $0xFFFFF000  }
0xf3: {  	_ =	swait.ge [sflag:s6], $0x1000  }
0xf4: {  	[sflag:s6] =	ssyncset.done $0x0  }
0xf5: {  	[sflag:s6] =	ssyncadd.s32 $0xFFFFF000  }
0xf6: {  	_ =	swait.ge [sflag:s19], $0x80  }
0xf7: {  	[sflag:s19] =	ssyncset.done $0x0  }
0xf8: {  	[sflag:s19] =	ssyncadd.s32 $0xFFFFFF80  }
0xf9: {  	_ =	swait.ge [sflag:s19], $0x80  }
0xfa: {  	[sflag:s19] =	ssyncset.done $0x0  }
0xfb: {  	[sflag:s19] =	ssyncadd.s32 $0xFFFFFF80  }
0xfc: {  	_ =	swait.ge [sflag:s6], $0x1000  }
0xfd: {  	[sflag:s6] =	ssyncset.done $0x0  }
0xfe: {  	[sflag:s6] =	ssyncadd.s32 $0xFFFFF000  }
0xff: {  	_ =	swait.ge [sflag:s6], $0x1000  }
0x100: {  	[sflag:s6] =	ssyncset.done $0x0  }
0x101: {  	[sflag:s6] =	ssyncadd.s32 $0xFFFFF000  }
0x102: {  	_ =	swait.ge [sflag:s19], $0x80  }
0x103: {  	[sflag:s19] =	ssyncset.done $0x0  }
0x104: {  	[sflag:s19] =	ssyncadd.s32 $0xFFFFFF80  }
0x105: {  	_ =	swait.ge [sflag:s19], $0x80  }
0x106: {  	[sflag:s19] =	ssyncset.done $0x0  }
0x107: {  	[sflag:s19] =	ssyncadd.s32 $0xFFFFFF80  }
0x108: {  	_ =	swait.ge [sflag:s6], $0x1000  }
0x109: {  	[sflag:s6] =	ssyncset.done $0x0  }
0x10a: {  	[sflag:s6] =	ssyncadd.s32 $0xFFFFF000  }
0x10b: {  	_ =	swait.ge [sflag:s6], $0x1000  }
0x10c: {  	[sflag:s6] =	ssyncset.done $0x0  }
0x10d: {  	[sflag:s6] =	ssyncadd.s32 $0xFFFFF000  }
0x10e: {  	_ =	swait.ge [sflag:s19], $0x80  }
0x10f: {  	[sflag:s19] =	ssyncset.done $0x0  }
0x110: {  	[sflag:s19] =	ssyncadd.s32 $0xFFFFFF80  }
0x111: {  	_ =	swait.ge [sflag:s19], $0x80  }
0x112: {  	[sflag:s19] =	ssyncset.done $0x0  }
0x113: {  	[sflag:s19] =	ssyncadd.s32 $0xFFFFFF80  }
0x114: {  	_ =	swait.ge [sflag:s6], $0x1000  }
0x115: {  	[sflag:s6] =	ssyncset.done $0x0  }
0x116: {  	[sflag:s6] =	ssyncadd.s32 $0xFFFFF000  }
0x117: {  	_ =	swait.ge [sflag:s6], $0x1000  }
0x118: {  	[sflag:s6] =	ssyncset.done $0x0  }
0x119: {  	[sflag:s6] =	ssyncadd.s32 $0xFFFFF000  }
0x11a: {  	_ =	swait.ge [sflag:s19], $0x80  }
0x11b: {  	[sflag:s19] =	ssyncset.done $0x0  }
0x11c: {  	[sflag:s19] =	ssyncadd.s32 $0xFFFFFF80  }
0x11d: {  	_ =	swait.ge [sflag:s19], $0x80  }
0x11e: {  	[sflag:s19] =	ssyncset.done $0x0  }
0x11f: {  	[sflag:s19] =	ssyncadd.s32 $0xFFFFFF80  }
0x120: {  	_ =	swait.ge [sflag:s6], $0x1000  }
0x121: {  	[sflag:s6] =	ssyncset.done $0x0  }
0x122: {  	[sflag:s6] =	ssyncadd.s32 $0xFFFFF000  }
0x123: {  	_ =	swait.ge [sflag:s6], $0x1000  }
0x124: {  	[sflag:s6] =	ssyncset.done $0x0  }
0x125: {  	[sflag:s6] =	ssyncadd.s32 $0xFFFFF000  }
0x126: {  	s20 =	sand.u32 $0x7F, s20;
	_ =	swait.ge [sflag:s19], $0x80  }
0x127: {  	v16 =	vor.u32 s20, v0;
	[sflag:s19] =	ssyncset.done $0x0  }
0x128: {  	s26 =	sand.u32 $0x7F, s26;
	v17 =	vor.u32 s20, v1;
	[sflag:s19] =	ssyncadd.s32 $0xFFFFFF80  }
0x129: {  	v18 =	vor.u32 s26, v0;
	_ =	swait.ge [sflag:s19], $0x80  }
0x12a: {  	v19 =	vor.u32 s26, v1;
	[sflag:s19] =	ssyncset.done $0x0  }
0x12b: {  	v20 =	vmov s20;
	[sflag:s19] =	ssyncadd.s32 $0xFFFFFF80  }
0x12c: {  	v21 =	vmov s26;
	s7 =	sand.u32 $0x7F, s7;
	v16 =	vld.idx.msk [tilespmem:v16+s29+$0x0], $0xffff  }
0x12d: {  	v22 =	vor.u32 s7, v2;
	v17 =	vld.idx.msk [tilespmem:v17+s29+$0x0], $0xffff  }
0x12e: {  	v23 =	vor.u32 s7, v3;
	s20 =	sand.u32 $0x7F, s8;
	v18 =	vld.idx.msk [tilespmem:v18+s30+$0x0], $0xffff  }
0x12f: {  	v24 =	vor.u32 s20, v2;
	s2 =	simm.s32 $0x10500;
	v19 =	vld.idx.msk [tilespmem:v19+s30+$0x0], $0xffff  }
0x130: {  	s26 =	simm.s32 $0x10900;
	v25 =	vmov s7;
	v26 =	vor.u32 s20, v3;
	v20 =	vld.idx.msk [tilespmem:v20+s2+$0x0], $0xffff  }
0x131: {  	v25 =	vor.u32 $0x80, v25;
	s3 =	sand.u32 $0x7F, s9;
	v21 =	vld.idx.msk [tilespmem:v21+s26+$0x0], $0xffff  }
0x132: {  	s7 =	sand.u32 $0x7F, s10;
	v28 =	vor.u32 s3, v4;
	v22 =	vld.idx.msk [tilespmem:v22+s29+$0x0], $0xffff  }
0x133: {  	v30 =	vor.u32 s7, v4;
	v23 =	vld.idx.msk [tilespmem:v23+s29+$0x0], $0xffff  }
0x134: {  	v31 =	vor.u32 s7, v5;
	s8 =	sand.u32 $0x7F, s11;
	v24 =	vld.idx.msk [tilespmem:v24+s30+$0x0], $0xffff  }
0x135: {  	v40 =	vor.u32 s8, v7;
	s10 =	sand.u32 $0x7F, s12;
	s12 =	sand.u32 $0x7F, s14;
	s14 =	sand.u32 $0x7F, s13;
	v26 =	vld.idx.msk [tilespmem:v26+s30+$0x0], $0xffff  }
0x136: {  	v47 =	vor.u32 s14, v8;
	v25 =	vld.idx.msk [tilespmem:v25+s2+$0x0], $0xffff  }
0x137: {  	v48 =	vor.u32 s14, v9;
	s15 =	sand.u32 $0x7F, s15;
	v39 =	vld.idx.msk [tilespmem:v28+s29+$0x0], $0xffff  }
0x138: {  	v49 =	vor.u32 s15, v10;
	v30 =	vld.idx.msk [tilespmem:v30+s30+$0x0], $0xffff  }
0x139: {  	v33 =	vor.u32 s15, v11;
	s16 =	sand.u32 $0x7F, s16;
	v43 =	vld.idx.msk [tilespmem:v31+s30+$0x0], $0xffff  }
0x13a: {  	v34 =	vor.u32 s16, v10;
	v46 =	vld.idx.msk [tilespmem:v40+s29+$0x0], $0xffff;
	v16 =	vmul.f32 v18, v16;
	v17 =	vmul.f32 v19, v17  }
0x13b: {  	v29 =	vor.u32 s3, v5;
	v28 =	vld.idx.msk [tilespmem:v47+s30+$0x0], $0xffff  }
0x13c: {  	v38 =	vor.u32 s8, v6;
	v50 =	vld.idx.msk [tilespmem:v48+s30+$0x0], $0xffff;
	v16 =	vadd.f32 v17, v16  }
0x13d: {  	v27 =	vmov s20;
	v41 =	vor.u32 s10, v6;
	v52 =	vld.idx.msk [tilespmem:v49+s29+$0x0], $0xffff  }
0x13e: {  	v32 =	vor.u32 s10, v7;
	v54 =	vld.idx.msk [tilespmem:v33+s29+$0x0], $0xffff;
	v42 =	vmul.f32 v26, v23;
	(xrf2) =	vadd.scan.msk.f32 $0xffff, v16;
	v16 =	vmul.f32 v24, v22  }
0x13f: {  	v27 =	vor.u32 $0x80, v27;
	v34 =	vld.idx.msk [tilespmem:v34+s30+$0x0], $0xffff  }
0x140: {  	v45 =	vor.u32 s12, v9;
	v17 =	vld.idx.msk [tilespmem:v29+s29+$0x0], $0xffff;
	v16 =	vadd.f32 v42, v16  }
0x141: {  	v44 =	vor.u32 s12, v8;
	s17 =	sand.u32 $0x7F, s17;
	v19 =	vld.idx.msk [tilespmem:v38+s29+$0x0], $0xffff  }
0x142: {  	v51 =	vor.u32 s17, v12;
	s21 =	sand.u32 $0x7F, s21;
	v29 =	vld.idx.msk [tilespmem:v41+s30+$0x0], $0xffff;
	(xrf2) =	vadd.scan.msk.f32 $0xffff, v16  }
0x143: {  	v55 =	vor.u32 s21, v12;
	s9 =	simm.s32 $0x10900;
	v16 =	vld.idx.msk [tilespmem:v32+s30+$0x0], $0xffff  }
0x144: {  	v35 =	vor.u32 s16, v11;
	v56 =	vor.u32 s21, v13;
	v18 =	vld.idx.msk [tilespmem:v27+s9+$0x0], $0xffff  }
0x145: {  	v37 =	vmov s3;
	v26 =	vld.idx.msk [tilespmem:v45+s29+$0x0], $0xffff;
	v27 =	vmul.f32 v30, v39;
	v17 =	vmul.f32 v43, v17  }
0x146: {  	s0 =	sand.u32 $0x7F, s0;
	v38 =	vor.u32 $0x100, v37;
	v24 =	vld.idx.msk [tilespmem:v44+s29+$0x0], $0xffff  }
0x147: {  	v60 =	vmov s7;
	v59 =	vor.u32 s0, v15;
	v58 =	vld.idx.msk [tilespmem:v51+s29+$0x0], $0xffff;
	v17 =	vadd.f32 v17, v27  }
0x148: {  	v53 =	vor.u32 s17, v13;
	s3 =	sand.u32 $0x7F, s18;
	v63 =	vld.idx.msk [tilespmem:v55+s30+$0x0], $0xffff;
	v19 =	vmul.f32 v29, v19;
	v16 =	vmul.f32 v16, v46  }
0x149: {  	v57 =	vor.u32 s0, v14;
	v62 =	vor.u32 s3, v14;
	v33 =	vor.u32 s3, v15;
	(xrf2) =	vadd.scan.msk.f32 $0xffff, v17;
	v17 =	vld.idx.msk [tilespmem:v35+s30+$0x0], $0xffff;
	v36, _, _ =	vpop (xrf2)  }
0x14a: {  	v39 =	vld.idx.msk [tilespmem:v56+s30+$0x0], $0xffff;
	v40 =	vmul.f32 v34, v52;
	(v2sf) =	vpush v36, $0xF;
	v16 =	vadd.f32 v16, v19  }
0x14b: {  	v23 =	vmul.f32 v50, v26;
	v45 =	vld.idx.msk [tilespmem:v38+s2+$0x0], $0xffff;
	v24 =	vmul.f32 v28, v24;
	(v2sf) =	vpush v20, $0x0  }
0x14c: {  	v41 =	vmov s8;
	v29 =	vld.idx.msk [tilespmem:v59+s29+$0x0], $0xffff;
	(v2sf) =	vpush v21, $0x0;
	v61, _, _ =	vpop (xrf2);
	(xrf2) =	vadd.scan.msk.f32 $0xffff, v16;
	v16 =	vor.u32 $0x100, v60  }
0x14d: {  	v42 =	vmov s10;
	v32 =	vld.idx.msk [tilespmem:v53+s29+$0x0], $0xffff;
	v23 =	vadd.f32 v23, v24;
	(v2sf) =	vpush v61, $0xF  }
0x14e: {  	v43 =	vld.idx.msk [tilespmem:v62+s30+$0x0], $0xffff;
	v17 =	vmul.f32 v17, v54;
	(v2sf) =	vpush v25, $0x0;
	v25 =	vor.u32 $0x180, v41  }
0x14f: {  	v44 =	vor.u32 $0x180, v42;
	v20 =	vld.idx.msk [tilespmem:v57+s29+$0x0], $0xffff;
	(xrf2) =	vadd.scan.msk.f32 $0xffff, v23  }
0x150: {  	s7 =	simm.s32 $0x10900;
	v46 =	vmov s12;
	v21 =	vld.idx.msk [tilespmem:v33+s30+$0x0], $0xffff;
	v17 =	vadd.f32 v17, v40  }
0x151: {  	v49 =	vmov s14;
	v24 =	vor.u32 $0x200, v46;
	v16 =	vld.idx.msk [tilespmem:v16+s7+$0x0], $0xffff  }
0x152: {  	v48 =	vmul.f32 v39, v32;
	v19 =	vmul.f32 v63, v58;
	(xrf2) =	vadd.scan.msk.f32 $0xffff, v17;
	v17 =	vor.u32 $0x200, v49  }
0x153: {  	v51 =	vmov s15;
	v52 =	vmov s16;
	s8 =	simm.s32 $0x10900;
	(v2sf) =	vpush v18, $0x0;
	v47, _, _ =	vpop (xrf2);
	v50 =	vld.idx.msk [tilespmem:v25+s2+$0x0], $0xffff  }
0x154: {  	v19 =	vadd.f32 v48, v19;
	v18 =	vld.idx.msk [tilespmem:v44+s8+$0x0], $0xffff;
	(v2sf) =	vpush v47, $0xF;
	v25 =	vor.u32 $0x280, v51  }
0x155: {  	v53 =	vor.u32 $0x280, v52;
	(v2sf) =	vpush v45, $0x0  }
0x156: {  	s9 =	simm.s32 $0x10900;
	v54 =	vld.idx.msk [tilespmem:v24+s2+$0x0], $0xffff;
	v20 =	vmul.f32 v43, v20;
	(xrf2) =	vadd.scan.msk.f32 $0xffff, v19;
	v21 =	vmul.f32 v21, v29;
	(v2sf) =	vpush v16, $0x0;
	v16, _, _ =	vpop (xrf2)  }
0x157: {  	v55 =	vmov s17;
	(v2sf) =	vpush v16, $0xF;
	v16 =	vld.idx.msk [tilespmem:v17+s9+$0x0], $0xffff  }
0x158: {  	v20 =	vadd.f32 v21, v20;
	v21 =	vor.u32 $0x300, v55;
	s2 =	simm.s32 $0x10500;
	(v2sf) =	vpush v50, $0x0  }
0x159: {  	v56, _, _ =	vpop (xrf2);
	v57 =	vld.idx.msk [tilespmem:v25+s2+$0x0], $0xffff;
	(v2sf) =	vpush v18, $0x0  }
0x15a: {  	s14 =	simm.s32 $0x10900;
	v17 =	vmov s21;
	(v2sf) =	vpush v56, $0xF  }
0x15b: {  	v19 =	vld.idx.msk [tilespmem:v53+s14+$0x0], $0xffff;
	(xrf2) =	vadd.scan.msk.f32 $0xffff, v20;
	v17 =	vor.u32 $0x300, v17;
	(v2sf) =	vpush v54, $0x0  }
0x15c: {  	v58 =	vmov s0;
	v60, _, _ =	vpop (xrf2);
	(v2sf) =	vpush v16, $0x0  }
0x15d: {  	v59 =	vor.u32 $0x380, v58;
	s10 =	spop (v2sf);
	v16 =	vld.idx.msk [tilespmem:v21+s2+$0x0], $0xffff;
	(v2sf) =	vpush v60, $0xF  }
0x15e: {  	v61 =	vmov s3;
	s11 =	spop (v2sf);
	(v2sf) =	vpush v57, $0x0  }
0x15f: {  	s13 =	spop (v2sf);
	v21 =	vor.u32 $0x380, v61  }
0x160: {  	v62, _, _ =	vpop (xrf2);
	s16 =	spop (v2sf);
	v17 =	vld.idx.msk [tilespmem:v17+s14+$0x0], $0xffff;
	(v2sf) =	vpush v19, $0x0  }
0x161: {  	s17 =	spop (v2sf);
	(v2sf) =	vpush v62, $0xF  }
0x162: {  	v63 =	vld.idx.msk [tilespmem:v59+s2+$0x0], $0xffff;
	s0 =	sadd.f32 s10, s11;
	s18 =	spop (v2sf);
	(v2sf) =	vpush v16, $0x0  }
0x163: {  	s20 =	spop (v2sf)  }
0x164: {  	s0 =	sadd.f32 s0, s13;
	s21 =	spop (v2sf);
	v16 =	vld.idx.msk [tilespmem:v21+s14+$0x0], $0xffff  }
0x165: {  	s7 =	sadd.f32 s16, s17;
	(v2sf) =	vpush v17, $0x0;
	v17, _, _ =	vpop (xrf2);
	s12 =	spop (v2sf)  }
0x166: {  	s0 =	sadd.f32 s0, s22;
	(v2sf) =	vpush v17, $0xF;
	s26 =	spop (v2sf)  }
0x167: {  	s7 =	sadd.f32 s7, s18;
	(v2sf) =	vpush v63, $0x0;
	s15 =	spop (v2sf)  }
0x168: {  	s10 =	sadd.f32 s20, s21;
	s16 =	spop (v2sf)  }
0x169: {  	s13 =	sadd.f32 s7, s22;
	(v2sf) =	vpush v16, $0x0;
	s17 =	spop (v2sf)  }
0x16a: {  	s1 =	sadd.f32 s26, s15;
	s18 =	spop (v2sf)  }
0x16b: {  	s10 =	sadd.f32 s10, s12;
	s20 =	spop (v2sf)  }
0x16c: {  	s1 =	sadd.f32 s1, s16;
	s21 =	spop (v2sf)  }
0x16d: {  	s3 =	sadd.f32 s17, s18;
	s26 =	spop (v2sf)  }
0x16e: {  	s12 =	sadd.f32 s21, s26  }
0x16f: {  	s3 =	sadd.f32 s3, s20;
	s15 =	spop (v2sf)  }
0x170: {  	s16 =	spop (v2sf);
	s8 =	sadd.f32 s12, s15  }
0x171: {  	s17 =	spop (v2sf);
	s15 =	sadd.f32 s10, s22  }
0x172: {  	s9 =	sadd.f32 s16, s17  }
0x173: {  	s16 =	sadd.f32 s1, s22  }
0x174: {  	s18 =	spop (v2sf);
	s17 =	sadd.f32 s3, s22  }
0x175: {  	v16 =	vmov s0;
	s20 =	spop (v2sf);
	s9 =	sadd.f32 s9, s18  }
0x176: {  	v16 =	vnsel vm0, $0x0, v16;
	s21 =	spop (v2sf);
	s18 =	sadd.f32 s8, s22  }
0x177: {  	v16 =	vsel vm1, s13, v16;
	s12 =	sadd.f32 s20, s21  }
0x178: {  	v16 =	vsel vm2, s15, v16;
	s26 =	spop (v2sf);
	s20 =	sadd.f32 s9, s22  }
0x179: {  	p0 =	sne.s32 s23, $0x7E0;
	v16 =	vsel vm3, s16, v16;
	s11 =	sadd.f32 s12, s26  }
.Ltmp0:
0x17a: {  	v16 =	vsel vm4, s17, v16;
	s26 =	sld [smem:$0x7EC];
	(pc) =	sbr.rel @p0 .LBB2_2-.Ltmp0, $4  }
0x17b: {  	v16 =	vsel vm5, s18, v16;
	s21 =	sadd.f32 s11, s22  }
0x17c: {  	v16 =	vsel vm6, s20, v16  }
0x17d: {  	v16 =	vsel vm7, s21, v16  }
0x17e: {  	s23 =	sadd.s32 $0x20, s23;
	s3 =	rddreg [dreg:$0x0];
	[tilespmem:s26+$0x10D00] =	vst v16  }
0x17f: {  	s0 =	sld [smem:$0x7F7];
	_ =	sdelay $0x1  }
0x180: {  	s1 =	simm.s32 $0x10D00  }
0x181: {  	[hbm4b:s0+s5] =	stream.linear.scatter [tilespmem:s1], [sflag:$0x3], $0x200, $0x38;
	[tilespmem:$0x11000] =	vst v63  }
0x182: {  	s1 =	simm.s32 $0x3  }
0x183: {  	_ =	swait.ge [sflag:s1], $0x200  }
0x184: {  	s7 =	sld [smem:$0x7ED]  }
0x185: {  	s26 =	sld [smem:$0x7F8];
	_ =	sdelay $0x1  }
0x186: {  	s7 =	sadd.s32 $0x1, s7  }
0x187: {  	p0 =	sne.s32 s7, s26  }
.Ltmp1:
0x188: {  	_ = 	snop;
	(pc) =	sbr.rel @p0 .LBB2_1-.Ltmp1, $3  }
0x189: {  	_ =	sdelay $0x1  }
0x18a: {  	[sflag:s1] =	ssyncset.done $0x0  }
0x18b: {  	[sflag:s1] =	ssyncadd.s32 $0xFFFFFE00  }
0x18c: {  	_ =	sfence.sel $0x180000  }
0x18d: {  	[bflag:$0x0] =	sbarrier.arrive $0xFFFF  }
0x18e: {  	_ =	strace $0x90000047  }
0x18f: {  	s0 =	stileid.u32;
	[bflag:$0x2] =	sbarrier.arrive $0xFFFF  }
0x190: {  	p0 =	sne.s32 s0, $0x0;
	s0 =	rddreg [dreg:$0x8]  }
0x191: {  	s0 =	sadd.s32 @!p0 $0x100000, s0  }
0x192: {  	[sflag:s0] =	ssyncadd.tile.s32 @!p0 $0x1;
	_ =	shalt  }
.Lfunc_end2:
_tile_overlayer_lowered:
.L_overlay_start_2:
0x193: {  	(tag) =	ssettag $0x2  }
0x194: {  	s0 =	rddreg [dreg:$0x0];
	s2 =	stileid.u32  }
0x195: {  	s1 =	rddreg [dreg:$0x1];
	p0 =	sne.s32 s2, $0x0  }
0x196: {  	s3 =	rddreg [dreg:$0x2];
	[bflag:$0x3] =	sbarrier.arrive $0xFFFF;
	s2 =	simm.s32 @!p0 $0x1C03  }
0x197: {  	[timem:s3], [sflag:s2] =	dma.local @!p0 [hbm:s0], s1  }
0x198: {  	s0 =	simm.s32 @!p0 $0x3  }
0x199: {  	_ =	swait.ge @!p0 [sflag:s0], s1  }
0x19a: {  	s1 =	ssub.s32 @!p0 $0x0, s1;
	[sflag:s0] =	ssyncset.done @!p0 $0x0  }
0x19b: {  	[sflag:s0] =	ssyncadd.s32 @!p0 s1  }
0x19c: {  	[bflag:$0x3] =	sbarrier.arrive $0xFFFF  }
0x19d: {  	_ =	shalt  }

</sc_bundles>
